<compile_context>
chip_gen: v7x
topology: tpu7x:2x2x1
jax: 0.10.2.dev20260603
libtpu: 0.0.44.dev20260713+nightly
codegen_flags: <defaults>
</compile_context>

<pallas_src>
import functools

import jax
import jax.numpy as jnp
from jax import lax
from jax.experimental import pallas as pl
from jax.experimental.pallas import tpu as pltpu
from jax.experimental.pallas import tpu_sc as plsc

N_NODES = 10000
N_EDGES = 320000
D_IN = 128
D_HID = 64
D_OUT = 16

NC, NS = 2, 16
NW = NC * NS
CHUNK = 128
EPW = N_EDGES // NW
NCH = 80
E_PAD = NW * NCH * CHUNK
KBUF = 4
N_PAD = 10240
RPT = N_PAD // NS
RCH = RPT // CHUNK
DUMMY = N_NODES
DEGW = 8


def _sc_mesh():
    return plsc.VectorSubcoreMesh(core_axis_name="c", subcore_axis_name="s",
                                  num_cores=NC, num_subcores=NS)


_SC_PARAMS = pltpu.CompilerParams(use_tc_tiling_on_sc=False)


def _deg_partials(edges):
    ones = jnp.ones((CHUNK, DEGW), jnp.float32)
    zeros = jnp.zeros((CHUNK, DEGW), jnp.float32)

    @functools.partial(
        pl.kernel,
        out_type=jax.ShapeDtypeStruct((NC, N_PAD, DEGW), jnp.float32),
        mesh=_sc_mesh(),
        scratch_types=[
            pltpu.VMEM((NCH, CHUNK), jnp.int32),
            pltpu.VMEM((CHUNK, DEGW), jnp.float32),
            pltpu.VMEM((CHUNK, DEGW), jnp.float32),
            pltpu.VMEM_SHARED((N_PAD, DEGW), jnp.float32),
        ],
        compiler_params=_SC_PARAMS,
    )
    def degk(edges_hbm, ones_hbm, zeros_hbm, out_hbm, dstv, onesv, zbuf, acc):
        c = lax.axis_index("c")
        s = lax.axis_index("s")
        pltpu.sync_copy(edges_hbm.at[1, c * NS + s], dstv)
        pltpu.sync_copy(ones_hbm, onesv)
        pltpu.sync_copy(zeros_hbm, zbuf)
        base = s * RPT
        for t in range(RCH):
            pltpu.sync_copy(zbuf, acc.at[pl.ds(base + t * CHUNK, CHUNK)])
        plsc.subcore_barrier()

        def body(j, carry):
            pltpu.sync_copy(onesv, acc.at[dstv.at[j]], add=True)
            return carry

        lax.fori_loop(0, NCH, body, 0)
        plsc.subcore_barrier()
        for t in range(RCH):
            pltpu.sync_copy(acc.at[pl.ds(base + t * CHUNK, CHUNK)], zbuf)
            pltpu.sync_copy(zbuf, out_hbm.at[c, pl.ds(base + t * CHUNK, CHUNK)])

    return degk(edges, ones, zeros)


def _edge_aggregate(edges, y_pad, d):
    zeros = jnp.zeros((CHUNK, d), jnp.float32)

    @functools.partial(
        pl.kernel,
        out_type=jax.ShapeDtypeStruct((NC, N_PAD, d), jnp.float32),
        mesh=_sc_mesh(),
        scratch_types=[
            pltpu.VMEM((NCH, CHUNK), jnp.int32),
            pltpu.VMEM((NCH, CHUNK), jnp.int32),
            [pltpu.VMEM((CHUNK, d), jnp.float32) for _ in range(KBUF)],
            pltpu.VMEM((CHUNK, d), jnp.float32),
            pltpu.VMEM_SHARED((N_PAD, d), jnp.float32),
            [pltpu.SemaphoreType.DMA for _ in range(KBUF)],
        ],
        compiler_params=_SC_PARAMS,
    )
    def sck(edges_hbm, y_hbm, zeros_hbm, out_hbm,
            srcv, dstv, bufs, zbuf, acc, gsems):
        c = lax.axis_index("c")
        s = lax.axis_index("s")
        w = c * NS + s
        pltpu.sync_copy(edges_hbm.at[0, w], srcv)
        pltpu.sync_copy(edges_hbm.at[1, w], dstv)
        pltpu.sync_copy(zeros_hbm, zbuf)
        base = s * RPT
        for t in range(RCH):
            pltpu.sync_copy(zbuf, acc.at[pl.ds(base + t * CHUNK, CHUNK)])
        plsc.subcore_barrier()

        for b in range(KBUF):
            pltpu.async_copy(y_hbm.at[srcv.at[b]], bufs[b], gsems[b])

        def body(t, carry):
            for b in range(KBUF):
                j = t * KBUF + b
                pltpu.make_async_copy(y_hbm.at[srcv.at[j]], bufs[b],
                                      gsems[b]).wait()
                pltpu.sync_copy(bufs[b], acc.at[dstv.at[j]], add=True)

                @pl.when(j + KBUF < NCH)
                def _():
                    pltpu.async_copy(y_hbm.at[srcv.at[j + KBUF]], bufs[b],
                                     gsems[b])
            return carry

        lax.fori_loop(0, NCH // KBUF, body, 0)
        plsc.subcore_barrier()
        for t in range(RCH):
            pltpu.sync_copy(acc.at[pl.ds(base + t * CHUNK, CHUNK)], zbuf)
            pltpu.sync_copy(zbuf, out_hbm.at[c, pl.ds(base + t * CHUNK, CHUNK)])

    return sck(edges, y_pad, zeros)


def _dinv_of(d_ref):
    d = d_ref[...]
    return lax.rsqrt(d[0, :N_NODES, :1] + d[1, :N_NODES, :1] + 1.0)


def _tc_matmul1(x, W1):
    def body(x_ref, w_ref, o_ref):
        o_ref[...] = jnp.dot(x_ref[...], w_ref[...],
                             preferred_element_type=jnp.float32)

    return pl.pallas_call(
        body,
        out_shape=jax.ShapeDtypeStruct((N_NODES, D_HID), jnp.float32),
    )(x, W1)


def _tc_layer1(degs, xw, ):
    def body(d_ref, xw_ref, y_ref, s_ref):
        dinv = _dinv_of(d_ref)
        xwv = xw_ref[...]
        y_ref[:N_NODES, :] = dinv * xwv
        s_ref[...] = (dinv * dinv) * xwv

    return pl.pallas_call(
        body,
        out_shape=[
            jax.ShapeDtypeStruct((N_PAD, D_HID), jnp.float32),
            jax.ShapeDtypeStruct((N_NODES, D_HID), jnp.float32),
        ],
    )(degs, xw)


def _tc_layer2(degs, acc1, self1, b1, W2):
    def body(d_ref, a_ref, s1_ref, b1_ref, w2_ref, y_ref, s_ref):
        dinv = _dinv_of(d_ref)
        a = a_ref[...]
        h = jnp.maximum(
            dinv * (a[0, :N_NODES] + a[1, :N_NODES]) + s1_ref[...]
            + b1_ref[...], 0.0)
        hw = jnp.dot(h, w2_ref[...], preferred_element_type=jnp.float32)
        y2 = dinv * hw
        y_ref[:N_NODES, :] = y2
        s_ref[...] = dinv * y2

    return pl.pallas_call(
        body,
        out_shape=[
            jax.ShapeDtypeStruct((N_PAD, D_OUT), jnp.float32),
            jax.ShapeDtypeStruct((N_NODES, D_OUT), jnp.float32),
        ],
    )(degs, acc1, self1, b1, W2)


def _tc_layer3(degs, acc2, self2, b2):
    def body(d_ref, a_ref, s2_ref, b2_ref, o_ref):
        dinv = _dinv_of(d_ref)
        a = a_ref[...]
        o_ref[...] = (dinv * (a[0, :N_NODES] + a[1, :N_NODES])
                      + s2_ref[...] + b2_ref[...])

    return pl.pallas_call(
        body,
        out_shape=jax.ShapeDtypeStruct((N_NODES, D_OUT), jnp.float32),
    )(degs, acc2, self2, b2)


def kernel(x, edge_index, W1, b1, W2, b2):
    ei = edge_index.astype(jnp.int32)
    pad = DUMMY + jnp.arange(E_PAD - N_EDGES, dtype=jnp.int32) % (N_PAD - DUMMY)
    pad2 = jnp.broadcast_to(pad, (2, E_PAD - N_EDGES))
    edges = jnp.concatenate([ei, pad2], axis=1).reshape(2, NW, NCH, CHUNK)

    degp = _deg_partials(edges)
    xw = _tc_matmul1(x, W1)
    y1, self1 = _tc_layer1(degp, xw)
    acc1 = _edge_aggregate(edges, y1, D_HID)
    y2, self2 = _tc_layer2(degp, acc1, self1, b1.reshape(1, D_HID), W2)
    acc2 = _edge_aggregate(edges, y2, D_OUT)
    return _tc_layer3(degp, acc2, self2, b2.reshape(1, D_OUT))

# --- scband reference (transcript-rebuilt; emitter-appended) ---
"""Pipeline reference for scband-gcnclustering-12240656794220 (READ-ONLY COPY).

The authoritative reference and input builder live on the scoring server;
editing this copy changes nothing except your own understanding.
"""

import jax, jax.numpy as jnp
import numpy as np

N_NODES = 10000
N_EDGES = 320000
D_IN = 128
D_HID = 64
D_OUT = 16


def setup_inputs(seed: int = 0) -> dict:
    key = jax.random.key(seed)
    k1, k2, k3, k4, k5, k6 = jax.random.split(key, 6)
    x = jax.random.normal(k1, (N_NODES, D_IN), dtype=jnp.float32)
    edge_index = jax.random.randint(k2, (2, N_EDGES), 0, N_NODES, dtype=jnp.int32).astype(jnp.int64)
    # GCNConv params (glorot-style init for weights, zeros for bias)
    W1 = jax.random.normal(k3, (D_IN, D_HID), dtype=jnp.float32) * (1.0 / np.sqrt(D_IN))
    b1 = jnp.zeros((D_HID,), dtype=jnp.float32)
    W2 = jax.random.normal(k4, (D_HID, D_OUT), dtype=jnp.float32) * (1.0 / np.sqrt(D_HID))
    b2 = jnp.zeros((D_OUT,), dtype=jnp.float32)
    return {"x": x, "edge_index": edge_index, "W1": W1, "b1": b1, "W2": W2, "b2": b2}


def _gcn_conv(x, edge_index, W, b):
    # Faithful PyG GCNConv: add self-loops, symmetric D^-1/2 (A+I) D^-1/2 normalization
    num_nodes = x.shape[0]
    src = edge_index[0]
    dst = edge_index[1]
    loop = jnp.arange(num_nodes, dtype=src.dtype)
    src = jnp.concatenate([src, loop])
    dst = jnp.concatenate([dst, loop])
    deg = jnp.zeros((num_nodes,), dtype=x.dtype).at[dst].add(1.0)
    deg_inv_sqrt = jnp.where(deg > 0, jax.lax.rsqrt(jnp.maximum(deg, 1e-12)), 0.0)
    norm = deg_inv_sqrt[src] * deg_inv_sqrt[dst]
    xw = x @ W
    msgs = xw[src] * norm[:, None]
    out = jnp.zeros((num_nodes, W.shape[1]), dtype=x.dtype).at[dst].add(msgs)
    return out + b


def reference(x, edge_index, W1, b1, W2, b2):
    h = jax.nn.relu(_gcn_conv(x, edge_index, W1, b1))
    out = _gcn_conv(h, edge_index, W2, b2)
    return out

if __name__ == "__main__":
    import jax
    _d = setup_inputs()
    print(jax.jit(kernel)(*tuple(_d.values())))

</pallas_src>

<mosaic_0001>
#map = affine_map<(d0, d1) -> (0, 0, 0, 0)>
#map1 = affine_map<(d0, d1) -> (0, 0)>
#map2 = affine_map<(d0, d1) -> (0, 0, 0)>
module attributes {stable_mosaic.version = 14 : i64} {
  func.func @degk(%arg0: i32, %arg1: i32, %arg2: memref<2x32x80x128xi32, #tpu.memory_space<hbm>>, %arg3: memref<128x8xf32, #tpu.memory_space<hbm>>, %arg4: memref<128x8xf32, #tpu.memory_space<hbm>>, %arg5: memref<2x10240x8xf32, #tpu.memory_space<hbm>>, %arg6: memref<80x128xi32, #tpu.memory_space<vmem>>, %arg7: memref<128x8xf32, #tpu.memory_space<vmem>>, %arg8: memref<128x8xf32, #tpu.memory_space<vmem>>, %arg9: memref<10240x8xf32, #tpu.memory_space<vmem_shared>>) attributes {dimension_semantics = [#tpu.dimension_semantics<core_parallel>, #tpu.dimension_semantics<subcore_parallel>], iteration_bounds = array<i64: 2, 16>, scalar_prefetch = 0 : i64, scratch_operands = 4 : i64, tpu.core_type = #tpu.core_type<sc_vector_subcore>, window_params = [{transform_indices = #map}, {transform_indices = #map1}, {transform_indices = #map1}, {transform_indices = #map2}]} {
    %mul3A = arith.constant 16 : i32
    %mul3A_0 = arith.muli %arg0, %mul3A : i32
    %add3A = arith.addi %mul3A_0, %arg1 : i32
    %run_scoped3A = arith.constant 1 : i32
    "tpu.region"() ({
      %run_scoped3A_39 = tpu.sem_alloc : memref<!tpu.dma_semaphore, #tpu.memory_space<semaphore_mem>>
      %dma_start3A = arith.constant 0 : i32
      %dma_start3A_40 = arith.constant 0 : i32
      %dma_start3A_41 = tpu.memref_slice %arg2[%run_scoped3A, %add3A, %dma_start3A, %dma_start3A_40] : memref<2x32x80x128xi32, #tpu.memory_space<hbm>> -> memref<1x1x80x128xi32, #tpu.memory_space<hbm>>
      %dma_start3A_42 = tpu.memref_squeeze %dma_start3A_41 : memref<1x1x80x128xi32, #tpu.memory_space<hbm>> -> memref<80x128xi32, #tpu.memory_space<hbm>>
      %dma_start3A_43 = arith.constant 0 : i32
      %dma_start3A_44 = arith.constant 0 : i32
      %dma_start3A_45 = tpu.memref_slice %arg2[%run_scoped3A, %add3A, %dma_start3A_43, %dma_start3A_44] : memref<2x32x80x128xi32, #tpu.memory_space<hbm>> -> memref<1x1x80x128xi32, #tpu.memory_space<hbm>>
      %dma_start3A_46 = tpu.memref_squeeze %dma_start3A_45 : memref<1x1x80x128xi32, #tpu.memory_space<hbm>> -> memref<80x128xi32, #tpu.memory_space<hbm>>
      tpu.enqueue_dma source(%dma_start3A_46 : memref<80x128xi32, #tpu.memory_space<hbm>>) target(%arg6 : memref<80x128xi32, #tpu.memory_space<vmem>>) target_semaphore(%run_scoped3A_39 : memref<!tpu.dma_semaphore, #tpu.memory_space<semaphore_mem>>)
      %dma_wait3A = arith.constant 0 : i32
      %dma_wait3A_47 = arith.constant 0 : i32
      %dma_wait3A_48 = tpu.memref_slice %arg2[%run_scoped3A, %add3A, %dma_wait3A, %dma_wait3A_47] : memref<2x32x80x128xi32, #tpu.memory_space<hbm>> -> memref<1x1x80x128xi32, #tpu.memory_space<hbm>>
      %dma_wait3A_49 = tpu.memref_squeeze %dma_wait3A_48 : memref<1x1x80x128xi32, #tpu.memory_space<hbm>> -> memref<80x128xi32, #tpu.memory_space<hbm>>
      %dma_wait3A_50 = arith.constant 0 : i32
      %dma_wait3A_51 = arith.constant 0 : i32
      %dma_wait3A_52 = tpu.memref_slice %arg2[%run_scoped3A, %add3A, %dma_wait3A_50, %dma_wait3A_51] : memref<2x32x80x128xi32, #tpu.memory_space<hbm>> -> memref<1x1x80x128xi32, #tpu.memory_space<hbm>>
      %dma_wait3A_53 = tpu.memref_squeeze %dma_wait3A_52 : memref<1x1x80x128xi32, #tpu.memory_space<hbm>> -> memref<80x128xi32, #tpu.memory_space<hbm>>
      tpu.wait_dma2 semaphore(%run_scoped3A_39 : memref<!tpu.dma_semaphore, #tpu.memory_space<semaphore_mem>>) src(%dma_wait3A_53 : memref<80x128xi32, #tpu.memory_space<hbm>>) dst(%arg6 : memref<80x128xi32, #tpu.memory_space<vmem>>)
      tpu.yield
    }) : () -> ()
    "tpu.region"() ({
      %run_scoped3A_39 = tpu.sem_alloc : memref<!tpu.dma_semaphore, #tpu.memory_space<semaphore_mem>>
      tpu.enqueue_dma source(%arg3 : memref<128x8xf32, #tpu.memory_space<hbm>>) target(%arg7 : memref<128x8xf32, #tpu.memory_space<vmem>>) target_semaphore(%run_scoped3A_39 : memref<!tpu.dma_semaphore, #tpu.memory_space<semaphore_mem>>)
      tpu.wait_dma2 semaphore(%run_scoped3A_39 : memref<!tpu.dma_semaphore, #tpu.memory_space<semaphore_mem>>) src(%arg3 : memref<128x8xf32, #tpu.memory_space<hbm>>) dst(%arg7 : memref<128x8xf32, #tpu.memory_space<vmem>>)
      tpu.yield
    }) : () -> ()
    "tpu.region"() ({
      %run_scoped3A_39 = tpu.sem_alloc : memref<!tpu.dma_semaphore, #tpu.memory_space<semaphore_mem>>
      tpu.enqueue_dma source(%arg4 : memref<128x8xf32, #tpu.memory_space<hbm>>) target(%arg8 : memref<128x8xf32, #tpu.memory_space<vmem>>) target_semaphore(%run_scoped3A_39 : memref<!tpu.dma_semaphore, #tpu.memory_space<semaphore_mem>>)
      tpu.wait_dma2 semaphore(%run_scoped3A_39 : memref<!tpu.dma_semaphore, #tpu.memory_space<semaphore_mem>>) src(%arg4 : memref<128x8xf32, #tpu.memory_space<hbm>>) dst(%arg8 : memref<128x8xf32, #tpu.memory_space<vmem>>)
      tpu.yield
    }) : () -> ()
    %mul3A_1 = arith.constant 640 : i32
    %mul3A_2 = arith.muli %arg1, %mul3A_1 : i32
    %add3A_3 = arith.constant 0 : i32
    %add3A_4 = arith.addi %mul3A_2, %add3A_3 : i32
    "tpu.region"() ({
      %run_scoped3A_39 = tpu.sem_alloc : memref<!tpu.dma_semaphore, #tpu.memory_space<semaphore_mem>>
      %dma_start3A = arith.constant 0 : i32
      %dma_start3A_40 = tpu.memref_slice %arg9[%add3A_4, %dma_start3A] : memref<10240x8xf32, #tpu.memory_space<vmem_shared>> -> memref<128x8xf32, #tpu.memory_space<vmem_shared>>
      %dma_start3A_41 = arith.constant 0 : i32
      %dma_start3A_42 = tpu.memref_slice %arg9[%add3A_4, %dma_start3A_41] : memref<10240x8xf32, #tpu.memory_space<vmem_shared>> -> memref<128x8xf32, #tpu.memory_space<vmem_shared>>
      tpu.enqueue_dma source(%arg8 : memref<128x8xf32, #tpu.memory_space<vmem>>) target(%dma_start3A_42 : memref<128x8xf32, #tpu.memory_space<vmem_shared>>) target_semaphore(%run_scoped3A_39 : memref<!tpu.dma_semaphore, #tpu.memory_space<semaphore_mem>>)
      %dma_wait3A = arith.constant 0 : i32
      %dma_wait3A_43 = tpu.memref_slice %arg9[%add3A_4, %dma_wait3A] : memref<10240x8xf32, #tpu.memory_space<vmem_shared>> -> memref<128x8xf32, #tpu.memory_space<vmem_shared>>
      %dma_wait3A_44 = arith.constant 0 : i32
      %dma_wait3A_45 = tpu.memref_slice %arg9[%add3A_4, %dma_wait3A_44] : memref<10240x8xf32, #tpu.memory_space<vmem_shared>> -> memref<128x8xf32, #tpu.memory_space<vmem_shared>>
      tpu.wait_dma2 semaphore(%run_scoped3A_39 : memref<!tpu.dma_semaphore, #tpu.memory_space<semaphore_mem>>) src(%arg8 : memref<128x8xf32, #tpu.memory_space<vmem>>) dst(%dma_wait3A_45 : memref<128x8xf32, #tpu.memory_space<vmem_shared>>)
      tpu.yield
    }) : () -> ()
    %add3A_5 = arith.constant 128 : i32
    %add3A_6 = arith.addi %mul3A_2, %add3A_5 : i32
    "tpu.region"() ({
      %run_scoped3A_39 = tpu.sem_alloc : memref<!tpu.dma_semaphore, #tpu.memory_space<semaphore_mem>>
      %dma_start3A = arith.constant 0 : i32
      %dma_start3A_40 = tpu.memref_slice %arg9[%add3A_6, %dma_start3A] : memref<10240x8xf32, #tpu.memory_space<vmem_shared>> -> memref<128x8xf32, #tpu.memory_space<vmem_shared>>
      %dma_start3A_41 = arith.constant 0 : i32
      %dma_start3A_42 = tpu.memref_slice %arg9[%add3A_6, %dma_start3A_41] : memref<10240x8xf32, #tpu.memory_space<vmem_shared>> -> memref<128x8xf32, #tpu.memory_space<vmem_shared>>
      tpu.enqueue_dma source(%arg8 : memref<128x8xf32, #tpu.memory_space<vmem>>) target(%dma_start3A_42 : memref<128x8xf32, #tpu.memory_space<vmem_shared>>) target_semaphore(%run_scoped3A_39 : memref<!tpu.dma_semaphore, #tpu.memory_space<semaphore_mem>>)
      %dma_wait3A = arith.constant 0 : i32
      %dma_wait3A_43 = tpu.memref_slice %arg9[%add3A_6, %dma_wait3A] : memref<10240x8xf32, #tpu.memory_space<vmem_shared>> -> memref<128x8xf32, #tpu.memory_space<vmem_shared>>
      %dma_wait3A_44 = arith.constant 0 : i32
      %dma_wait3A_45 = tpu.memref_slice %arg9[%add3A_6, %dma_wait3A_44] : memref<10240x8xf32, #tpu.memory_space<vmem_shared>> -> memref<128x8xf32, #tpu.memory_space<vmem_shared>>
      tpu.wait_dma2 semaphore(%run_scoped3A_39 : memref<!tpu.dma_semaphore, #tpu.memory_space<semaphore_mem>>) src(%arg8 : memref<128x8xf32, #tpu.memory_space<vmem>>) dst(%dma_wait3A_45 : memref<128x8xf32, #tpu.memory_space<vmem_shared>>)
      tpu.yield
    }) : () -> ()
    %add3A_7 = arith.constant 256 : i32
    %add3A_8 = arith.addi %mul3A_2, %add3A_7 : i32
    "tpu.region"() ({
      %run_scoped3A_39 = tpu.sem_alloc : memref<!tpu.dma_semaphore, #tpu.memory_space<semaphore_mem>>
      %dma_start3A = arith.constant 0 : i32
      %dma_start3A_40 = tpu.memref_slice %arg9[%add3A_8, %dma_start3A] : memref<10240x8xf32, #tpu.memory_space<vmem_shared>> -> memref<128x8xf32, #tpu.memory_space<vmem_shared>>
      %dma_start3A_41 = arith.constant 0 : i32
      %dma_start3A_42 = tpu.memref_slice %arg9[%add3A_8, %dma_start3A_41] : memref<10240x8xf32, #tpu.memory_space<vmem_shared>> -> memref<128x8xf32, #tpu.memory_space<vmem_shared>>
      tpu.enqueue_dma source(%arg8 : memref<128x8xf32, #tpu.memory_space<vmem>>) target(%dma_start3A_42 : memref<128x8xf32, #tpu.memory_space<vmem_shared>>) target_semaphore(%run_scoped3A_39 : memref<!tpu.dma_semaphore, #tpu.memory_space<semaphore_mem>>)
      %dma_wait3A = arith.constant 0 : i32
      %dma_wait3A_43 = tpu.memref_slice %arg9[%add3A_8, %dma_wait3A] : memref<10240x8xf32, #tpu.memory_space<vmem_shared>> -> memref<128x8xf32, #tpu.memory_space<vmem_shared>>
      %dma_wait3A_44 = arith.constant 0 : i32
      %dma_wait3A_45 = tpu.memref_slice %arg9[%add3A_8, %dma_wait3A_44] : memref<10240x8xf32, #tpu.memory_space<vmem_shared>> -> memref<128x8xf32, #tpu.memory_space<vmem_shared>>
      tpu.wait_dma2 semaphore(%run_scoped3A_39 : memref<!tpu.dma_semaphore, #tpu.memory_space<semaphore_mem>>) src(%arg8 : memref<128x8xf32, #tpu.memory_space<vmem>>) dst(%dma_wait3A_45 : memref<128x8xf32, #tpu.memory_space<vmem_shared>>)
      tpu.yield
    }) : () -> ()
    %add3A_9 = arith.constant 384 : i32
    %add3A_10 = arith.addi %mul3A_2, %add3A_9 : i32
    "tpu.region"() ({
      %run_scoped3A_39 = tpu.sem_alloc : memref<!tpu.dma_semaphore, #tpu.memory_space<semaphore_mem>>
      %dma_start3A = arith.constant 0 : i32
      %dma_start3A_40 = tpu.memref_slice %arg9[%add3A_10, %dma_start3A] : memref<10240x8xf32, #tpu.memory_space<vmem_shared>> -> memref<128x8xf32, #tpu.memory_space<vmem_shared>>
      %dma_start3A_41 = arith.constant 0 : i32
      %dma_start3A_42 = tpu.memref_slice %arg9[%add3A_10, %dma_start3A_41] : memref<10240x8xf32, #tpu.memory_space<vmem_shared>> -> memref<128x8xf32, #tpu.memory_space<vmem_shared>>
      tpu.enqueue_dma source(%arg8 : memref<128x8xf32, #tpu.memory_space<vmem>>) target(%dma_start3A_42 : memref<128x8xf32, #tpu.memory_space<vmem_shared>>) target_semaphore(%run_scoped3A_39 : memref<!tpu.dma_semaphore, #tpu.memory_space<semaphore_mem>>)
      %dma_wait3A = arith.constant 0 : i32
      %dma_wait3A_43 = tpu.memref_slice %arg9[%add3A_10, %dma_wait3A] : memref<10240x8xf32, #tpu.memory_space<vmem_shared>> -> memref<128x8xf32, #tpu.memory_space<vmem_shared>>
      %dma_wait3A_44 = arith.constant 0 : i32
      %dma_wait3A_45 = tpu.memref_slice %arg9[%add3A_10, %dma_wait3A_44] : memref<10240x8xf32, #tpu.memory_space<vmem_shared>> -> memref<128x8xf32, #tpu.memory_space<vmem_shared>>
      tpu.wait_dma2 semaphore(%run_scoped3A_39 : memref<!tpu.dma_semaphore, #tpu.memory_space<semaphore_mem>>) src(%arg8 : memref<128x8xf32, #tpu.memory_space<vmem>>) dst(%dma_wait3A_45 : memref<128x8xf32, #tpu.memory_space<vmem_shared>>)
      tpu.yield
    }) : () -> ()
    %add3A_11 = arith.constant 512 : i32
    %add3A_12 = arith.addi %mul3A_2, %add3A_11 : i32
    "tpu.region"() ({
      %run_scoped3A_39 = tpu.sem_alloc : memref<!tpu.dma_semaphore, #tpu.memory_space<semaphore_mem>>
      %dma_start3A = arith.constant 0 : i32
      %dma_start3A_40 = tpu.memref_slice %arg9[%add3A_12, %dma_start3A] : memref<10240x8xf32, #tpu.memory_space<vmem_shared>> -> memref<128x8xf32, #tpu.memory_space<vmem_shared>>
      %dma_start3A_41 = arith.constant 0 : i32
      %dma_start3A_42 = tpu.memref_slice %arg9[%add3A_12, %dma_start3A_41] : memref<10240x8xf32, #tpu.memory_space<vmem_shared>> -> memref<128x8xf32, #tpu.memory_space<vmem_shared>>
      tpu.enqueue_dma source(%arg8 : memref<128x8xf32, #tpu.memory_space<vmem>>) target(%dma_start3A_42 : memref<128x8xf32, #tpu.memory_space<vmem_shared>>) target_semaphore(%run_scoped3A_39 : memref<!tpu.dma_semaphore, #tpu.memory_space<semaphore_mem>>)
      %dma_wait3A = arith.constant 0 : i32
      %dma_wait3A_43 = tpu.memref_slice %arg9[%add3A_12, %dma_wait3A] : memref<10240x8xf32, #tpu.memory_space<vmem_shared>> -> memref<128x8xf32, #tpu.memory_space<vmem_shared>>
      %dma_wait3A_44 = arith.constant 0 : i32
      %dma_wait3A_45 = tpu.memref_slice %arg9[%add3A_12, %dma_wait3A_44] : memref<10240x8xf32, #tpu.memory_space<vmem_shared>> -> memref<128x8xf32, #tpu.memory_space<vmem_shared>>
      tpu.wait_dma2 semaphore(%run_scoped3A_39 : memref<!tpu.dma_semaphore, #tpu.memory_space<semaphore_mem>>) src(%arg8 : memref<128x8xf32, #tpu.memory_space<vmem>>) dst(%dma_wait3A_45 : memref<128x8xf32, #tpu.memory_space<vmem_shared>>)
      tpu.yield
    }) : () -> ()
    %barrier3A = arith.constant 0 : index
    tpu.barrier barrier_id(%barrier3A)
    %scan3A = arith.constant 0 : i32
    %scan3A_13 = arith.constant 0 : i32
    %scan3A_14 = arith.constant 80 : i32
    %scan3A_15 = arith.addi %scan3A_13, %scan3A_14 : i32
    %scan3A_16 = arith.constant 1 : i32
    scf.for %scan3A_39 = %scan3A_13 to %scan3A_15 step %scan3A_16  : i32 {
      "tpu.region"() ({
        %run_scoped3A_40 = tpu.sem_alloc : memref<!tpu.dma_semaphore, #tpu.memory_space<semaphore_mem>>
        %dma_start3A = arith.constant 0 : i32
        %dma_start3A_41 = tpu.memref_slice %arg6[%scan3A_39, %dma_start3A] : memref<80x128xi32, #tpu.memory_space<vmem>> -> memref<1x128xi32, #tpu.memory_space<vmem>>
        %dma_start3A_42 = tpu.memref_squeeze %dma_start3A_41 : memref<1x128xi32, #tpu.memory_space<vmem>> -> memref<128xi32, #tpu.memory_space<vmem>>
        %dma_start3A_43 = arith.constant 0 : i32
        %dma_start3A_44 = arith.constant 0 : i32
        %dma_start3A_45 = tpu.memref_slice %arg9[%dma_start3A_43, %dma_start3A_44] : memref<10240x8xf32, #tpu.memory_space<vmem_shared>> -> memref<10240x8xf32, #tpu.memory_space<vmem_shared>>
        tpu.enqueue_indirect_dma source(%arg7 : memref<128x8xf32, #tpu.memory_space<vmem>>) target(%dma_start3A_45 : memref<10240x8xf32, #tpu.memory_space<vmem_shared>>) offsets(%dma_start3A_42 : memref<128xi32, #tpu.memory_space<vmem>>) semaphore(%run_scoped3A_40 : memref<!tpu.dma_semaphore, #tpu.memory_space<semaphore_mem>>) {add = true}
        %dma_wait3A = arith.constant 0 : i32
        %dma_wait3A_46 = tpu.memref_slice %arg6[%scan3A_39, %dma_wait3A] : memref<80x128xi32, #tpu.memory_space<vmem>> -> memref<1x128xi32, #tpu.memory_space<vmem>>
        %dma_wait3A_47 = tpu.memref_squeeze %dma_wait3A_46 : memref<1x128xi32, #tpu.memory_space<vmem>> -> memref<128xi32, #tpu.memory_space<vmem>>
        %dma_wait3A_48 = arith.constant 0 : i32
        %dma_wait3A_49 = arith.constant 0 : i32
        %dma_wait3A_50 = tpu.memref_slice %arg9[%dma_wait3A_48, %dma_wait3A_49] : memref<10240x8xf32, #tpu.memory_space<vmem_shared>> -> memref<10240x8xf32, #tpu.memory_space<vmem_shared>>
        tpu.wait_indirect_dma semaphore(%run_scoped3A_40 : memref<!tpu.dma_semaphore, #tpu.memory_space<semaphore_mem>>) src(%arg7 : memref<128x8xf32, #tpu.memory_space<vmem>>) dst(%dma_wait3A_50 : memref<10240x8xf32, #tpu.memory_space<vmem_shared>>)
        tpu.yield
      }) : () -> ()
    }
    %scan3A_17 = arith.constant 80 : i32
    %barrier3A_18 = arith.constant 0 : index
    tpu.barrier barrier_id(%barrier3A_18)
    %add3A_19 = arith.constant 0 : i32
    %add3A_20 = arith.addi %mul3A_2, %add3A_19 : i32
    "tpu.region"() ({
      %run_scoped3A_39 = tpu.sem_alloc : memref<!tpu.dma_semaphore, #tpu.memory_space<semaphore_mem>>
      %dma_start3A = arith.constant 0 : i32
      %dma_start3A_40 = tpu.memref_slice %arg9[%add3A_20, %dma_start3A] : memref<10240x8xf32, #tpu.memory_space<vmem_shared>> -> memref<128x8xf32, #tpu.memory_space<vmem_shared>>
      %dma_start3A_41 = arith.constant 0 : i32
      %dma_start3A_42 = tpu.memref_slice %arg9[%add3A_20, %dma_start3A_41] : memref<10240x8xf32, #tpu.memory_space<vmem_shared>> -> memref<128x8xf32, #tpu.memory_space<vmem_shared>>
      tpu.enqueue_dma source(%dma_start3A_42 : memref<128x8xf32, #tpu.memory_space<vmem_shared>>) target(%arg8 : memref<128x8xf32, #tpu.memory_space<vmem>>) target_semaphore(%run_scoped3A_39 : memref<!tpu.dma_semaphore, #tpu.memory_space<semaphore_mem>>)
      %dma_wait3A = arith.constant 0 : i32
      %dma_wait3A_43 = tpu.memref_slice %arg9[%add3A_20, %dma_wait3A] : memref<10240x8xf32, #tpu.memory_space<vmem_shared>> -> memref<128x8xf32, #tpu.memory_space<vmem_shared>>
      %dma_wait3A_44 = arith.constant 0 : i32
      %dma_wait3A_45 = tpu.memref_slice %arg9[%add3A_20, %dma_wait3A_44] : memref<10240x8xf32, #tpu.memory_space<vmem_shared>> -> memref<128x8xf32, #tpu.memory_space<vmem_shared>>
      tpu.wait_dma2 semaphore(%run_scoped3A_39 : memref<!tpu.dma_semaphore, #tpu.memory_space<semaphore_mem>>) src(%dma_wait3A_45 : memref<128x8xf32, #tpu.memory_space<vmem_shared>>) dst(%arg8 : memref<128x8xf32, #tpu.memory_space<vmem>>)
      tpu.yield
    }) : () -> ()
    %add3A_21 = arith.constant 0 : i32
    %add3A_22 = arith.addi %mul3A_2, %add3A_21 : i32
    "tpu.region"() ({
      %run_scoped3A_39 = tpu.sem_alloc : memref<!tpu.dma_semaphore, #tpu.memory_space<semaphore_mem>>
      %dma_start3A = arith.constant 0 : i32
      %dma_start3A_40 = tpu.memref_slice %arg5[%arg0, %add3A_22, %dma_start3A] : memref<2x10240x8xf32, #tpu.memory_space<hbm>> -> memref<1x128x8xf32, #tpu.memory_space<hbm>>
      %dma_start3A_41 = tpu.memref_squeeze %dma_start3A_40 : memref<1x128x8xf32, #tpu.memory_space<hbm>> -> memref<128x8xf32, #tpu.memory_space<hbm>>
      %dma_start3A_42 = arith.constant 0 : i32
      %dma_start3A_43 = tpu.memref_slice %arg5[%arg0, %add3A_22, %dma_start3A_42] : memref<2x10240x8xf32, #tpu.memory_space<hbm>> -> memref<1x128x8xf32, #tpu.memory_space<hbm>>
      %dma_start3A_44 = tpu.memref_squeeze %dma_start3A_43 : memref<1x128x8xf32, #tpu.memory_space<hbm>> -> memref<128x8xf32, #tpu.memory_space<hbm>>
      tpu.enqueue_dma source(%arg8 : memref<128x8xf32, #tpu.memory_space<vmem>>) target(%dma_start3A_44 : memref<128x8xf32, #tpu.memory_space<hbm>>) target_semaphore(%run_scoped3A_39 : memref<!tpu.dma_semaphore, #tpu.memory_space<semaphore_mem>>)
      %dma_wait3A = arith.constant 0 : i32
      %dma_wait3A_45 = tpu.memref_slice %arg5[%arg0, %add3A_22, %dma_wait3A] : memref<2x10240x8xf32, #tpu.memory_space<hbm>> -> memref<1x128x8xf32, #tpu.memory_space<hbm>>
      %dma_wait3A_46 = tpu.memref_squeeze %dma_wait3A_45 : memref<1x128x8xf32, #tpu.memory_space<hbm>> -> memref<128x8xf32, #tpu.memory_space<hbm>>
      %dma_wait3A_47 = arith.constant 0 : i32
      %dma_wait3A_48 = tpu.memref_slice %arg5[%arg0, %add3A_22, %dma_wait3A_47] : memref<2x10240x8xf32, #tpu.memory_space<hbm>> -> memref<1x128x8xf32, #tpu.memory_space<hbm>>
      %dma_wait3A_49 = tpu.memref_squeeze %dma_wait3A_48 : memref<1x128x8xf32, #tpu.memory_space<hbm>> -> memref<128x8xf32, #tpu.memory_space<hbm>>
      tpu.wait_dma2 semaphore(%run_scoped3A_39 : memref<!tpu.dma_semaphore, #tpu.memory_space<semaphore_mem>>) src(%arg8 : memref<128x8xf32, #tpu.memory_space<vmem>>) dst(%dma_wait3A_49 : memref<128x8xf32, #tpu.memory_space<hbm>>)
      tpu.yield
    }) : () -> ()
    %add3A_23 = arith.constant 128 : i32
    %add3A_24 = arith.addi %mul3A_2, %add3A_23 : i32
    "tpu.region"() ({
      %run_scoped3A_39 = tpu.sem_alloc : memref<!tpu.dma_semaphore, #tpu.memory_space<semaphore_mem>>
      %dma_start3A = arith.constant 0 : i32
      %dma_start3A_40 = tpu.memref_slice %arg9[%add3A_24, %dma_start3A] : memref<10240x8xf32, #tpu.memory_space<vmem_shared>> -> memref<128x8xf32, #tpu.memory_space<vmem_shared>>
      %dma_start3A_41 = arith.constant 0 : i32
      %dma_start3A_42 = tpu.memref_slice %arg9[%add3A_24, %dma_start3A_41] : memref<10240x8xf32, #tpu.memory_space<vmem_shared>> -> memref<128x8xf32, #tpu.memory_space<vmem_shared>>
      tpu.enqueue_dma source(%dma_start3A_42 : memref<128x8xf32, #tpu.memory_space<vmem_shared>>) target(%arg8 : memref<128x8xf32, #tpu.memory_space<vmem>>) target_semaphore(%run_scoped3A_39 : memref<!tpu.dma_semaphore, #tpu.memory_space<semaphore_mem>>)
      %dma_wait3A = arith.constant 0 : i32
      %dma_wait3A_43 = tpu.memref_slice %arg9[%add3A_24, %dma_wait3A] : memref<10240x8xf32, #tpu.memory_space<vmem_shared>> -> memref<128x8xf32, #tpu.memory_space<vmem_shared>>
      %dma_wait3A_44 = arith.constant 0 : i32
      %dma_wait3A_45 = tpu.memref_slice %arg9[%add3A_24, %dma_wait3A_44] : memref<10240x8xf32, #tpu.memory_space<vmem_shared>> -> memref<128x8xf32, #tpu.memory_space<vmem_shared>>
      tpu.wait_dma2 semaphore(%run_scoped3A_39 : memref<!tpu.dma_semaphore, #tpu.memory_space<semaphore_mem>>) src(%dma_wait3A_45 : memref<128x8xf32, #tpu.memory_space<vmem_shared>>) dst(%arg8 : memref<128x8xf32, #tpu.memory_space<vmem>>)
      tpu.yield
    }) : () -> ()
    %add3A_25 = arith.constant 128 : i32
    %add3A_26 = arith.addi %mul3A_2, %add3A_25 : i32
    "tpu.region"() ({
      %run_scoped3A_39 = tpu.sem_alloc : memref<!tpu.dma_semaphore, #tpu.memory_space<semaphore_mem>>
      %dma_start3A = arith.constant 0 : i32
      %dma_start3A_40 = tpu.memref_slice %arg5[%arg0, %add3A_26, %dma_start3A] : memref<2x10240x8xf32, #tpu.memory_space<hbm>> -> memref<1x128x8xf32, #tpu.memory_space<hbm>>
      %dma_start3A_41 = tpu.memref_squeeze %dma_start3A_40 : memref<1x128x8xf32, #tpu.memory_space<hbm>> -> memref<128x8xf32, #tpu.memory_space<hbm>>
      %dma_start3A_42 = arith.constant 0 : i32
      %dma_start3A_43 = tpu.memref_slice %arg5[%arg0, %add3A_26, %dma_start3A_42] : memref<2x10240x8xf32, #tpu.memory_space<hbm>> -> memref<1x128x8xf32, #tpu.memory_space<hbm>>
      %dma_start3A_44 = tpu.memref_squeeze %dma_start3A_43 : memref<1x128x8xf32, #tpu.memory_space<hbm>> -> memref<128x8xf32, #tpu.memory_space<hbm>>
      tpu.enqueue_dma source(%arg8 : memref<128x8xf32, #tpu.memory_space<vmem>>) target(%dma_start3A_44 : memref<128x8xf32, #tpu.memory_space<hbm>>) target_semaphore(%run_scoped3A_39 : memref<!tpu.dma_semaphore, #tpu.memory_space<semaphore_mem>>)
      %dma_wait3A = arith.constant 0 : i32
      %dma_wait3A_45 = tpu.memref_slice %arg5[%arg0, %add3A_26, %dma_wait3A] : memref<2x10240x8xf32, #tpu.memory_space<hbm>> -> memref<1x128x8xf32, #tpu.memory_space<hbm>>
      %dma_wait3A_46 = tpu.memref_squeeze %dma_wait3A_45 : memref<1x128x8xf32, #tpu.memory_space<hbm>> -> memref<128x8xf32, #tpu.memory_space<hbm>>
      %dma_wait3A_47 = arith.constant 0 : i32
      %dma_wait3A_48 = tpu.memref_slice %arg5[%arg0, %add3A_26, %dma_wait3A_47] : memref<2x10240x8xf32, #tpu.memory_space<hbm>> -> memref<1x128x8xf32, #tpu.memory_space<hbm>>
      %dma_wait3A_49 = tpu.memref_squeeze %dma_wait3A_48 : memref<1x128x8xf32, #tpu.memory_space<hbm>> -> memref<128x8xf32, #tpu.memory_space<hbm>>
      tpu.wait_dma2 semaphore(%run_scoped3A_39 : memref<!tpu.dma_semaphore, #tpu.memory_space<semaphore_mem>>) src(%arg8 : memref<128x8xf32, #tpu.memory_space<vmem>>) dst(%dma_wait3A_49 : memref<128x8xf32, #tpu.memory_space<hbm>>)
      tpu.yield
    }) : () -> ()
    %add3A_27 = arith.constant 256 : i32
    %add3A_28 = arith.addi %mul3A_2, %add3A_27 : i32
    "tpu.region"() ({
      %run_scoped3A_39 = tpu.sem_alloc : memref<!tpu.dma_semaphore, #tpu.memory_space<semaphore_mem>>
      %dma_start3A = arith.constant 0 : i32
      %dma_start3A_40 = tpu.memref_slice %arg9[%add3A_28, %dma_start3A] : memref<10240x8xf32, #tpu.memory_space<vmem_shared>> -> memref<128x8xf32, #tpu.memory_space<vmem_shared>>
      %dma_start3A_41 = arith.constant 0 : i32
      %dma_start3A_42 = tpu.memref_slice %arg9[%add3A_28, %dma_start3A_41] : memref<10240x8xf32, #tpu.memory_space<vmem_shared>> -> memref<128x8xf32, #tpu.memory_space<vmem_shared>>
      tpu.enqueue_dma source(%dma_start3A_42 : memref<128x8xf32, #tpu.memory_space<vmem_shared>>) target(%arg8 : memref<128x8xf32, #tpu.memory_space<vmem>>) target_semaphore(%run_scoped3A_39 : memref<!tpu.dma_semaphore, #tpu.memory_space<semaphore_mem>>)
      %dma_wait3A = arith.constant 0 : i32
      %dma_wait3A_43 = tpu.memref_slice %arg9[%add3A_28, %dma_wait3A] : memref<10240x8xf32, #tpu.memory_space<vmem_shared>> -> memref<128x8xf32, #tpu.memory_space<vmem_shared>>
      %dma_wait3A_44 = arith.constant 0 : i32
      %dma_wait3A_45 = tpu.memref_slice %arg9[%add3A_28, %dma_wait3A_44] : memref<10240x8xf32, #tpu.memory_space<vmem_shared>> -> memref<128x8xf32, #tpu.memory_space<vmem_shared>>
      tpu.wait_dma2 semaphore(%run_scoped3A_39 : memref<!tpu.dma_semaphore, #tpu.memory_space<semaphore_mem>>) src(%dma_wait3A_45 : memref<128x8xf32, #tpu.memory_space<vmem_shared>>) dst(%arg8 : memref<128x8xf32, #tpu.memory_space<vmem>>)
      tpu.yield
    }) : () -> ()
    %add3A_29 = arith.constant 256 : i32
    %add3A_30 = arith.addi %mul3A_2, %add3A_29 : i32
    "tpu.region"() ({
      %run_scoped3A_39 = tpu.sem_alloc : memref<!tpu.dma_semaphore, #tpu.memory_space<semaphore_mem>>
      %dma_start3A = arith.constant 0 : i32
      %dma_start3A_40 = tpu.memref_slice %arg5[%arg0, %add3A_30, %dma_start3A] : memref<2x10240x8xf32, #tpu.memory_space<hbm>> -> memref<1x128x8xf32, #tpu.memory_space<hbm>>
      %dma_start3A_41 = tpu.memref_squeeze %dma_start3A_40 : memref<1x128x8xf32, #tpu.memory_space<hbm>> -> memref<128x8xf32, #tpu.memory_space<hbm>>
      %dma_start3A_42 = arith.constant 0 : i32
      %dma_start3A_43 = tpu.memref_slice %arg5[%arg0, %add3A_30, %dma_start3A_42] : memref<2x10240x8xf32, #tpu.memory_space<hbm>> -> memref<1x128x8xf32, #tpu.memory_space<hbm>>
      %dma_start3A_44 = tpu.memref_squeeze %dma_start3A_43 : memref<1x128x8xf32, #tpu.memory_space<hbm>> -> memref<128x8xf32, #tpu.memory_space<hbm>>
      tpu.enqueue_dma source(%arg8 : memref<128x8xf32, #tpu.memory_space<vmem>>) target(%dma_start3A_44 : memref<128x8xf32, #tpu.memory_space<hbm>>) target_semaphore(%run_scoped3A_39 : memref<!tpu.dma_semaphore, #tpu.memory_space<semaphore_mem>>)
      %dma_wait3A = arith.constant 0 : i32
      %dma_wait3A_45 = tpu.memref_slice %arg5[%arg0, %add3A_30, %dma_wait3A] : memref<2x10240x8xf32, #tpu.memory_space<hbm>> -> memref<1x128x8xf32, #tpu.memory_space<hbm>>
      %dma_wait3A_46 = tpu.memref_squeeze %dma_wait3A_45 : memref<1x128x8xf32, #tpu.memory_space<hbm>> -> memref<128x8xf32, #tpu.memory_space<hbm>>
      %dma_wait3A_47 = arith.constant 0 : i32
      %dma_wait3A_48 = tpu.memref_slice %arg5[%arg0, %add3A_30, %dma_wait3A_47] : memref<2x10240x8xf32, #tpu.memory_space<hbm>> -> memref<1x128x8xf32, #tpu.memory_space<hbm>>
      %dma_wait3A_49 = tpu.memref_squeeze %dma_wait3A_48 : memref<1x128x8xf32, #tpu.memory_space<hbm>> -> memref<128x8xf32, #tpu.memory_space<hbm>>
      tpu.wait_dma2 semaphore(%run_scoped3A_39 : memref<!tpu.dma_semaphore, #tpu.memory_space<semaphore_mem>>) src(%arg8 : memref<128x8xf32, #tpu.memory_space<vmem>>) dst(%dma_wait3A_49 : memref<128x8xf32, #tpu.memory_space<hbm>>)
      tpu.yield
    }) : () -> ()
    %add3A_31 = arith.constant 384 : i32
    %add3A_32 = arith.addi %mul3A_2, %add3A_31 : i32
    "tpu.region"() ({
      %run_scoped3A_39 = tpu.sem_alloc : memref<!tpu.dma_semaphore, #tpu.memory_space<semaphore_mem>>
      %dma_start3A = arith.constant 0 : i32
      %dma_start3A_40 = tpu.memref_slice %arg9[%add3A_32, %dma_start3A] : memref<10240x8xf32, #tpu.memory_space<vmem_shared>> -> memref<128x8xf32, #tpu.memory_space<vmem_shared>>
      %dma_start3A_41 = arith.constant 0 : i32
      %dma_start3A_42 = tpu.memref_slice %arg9[%add3A_32, %dma_start3A_41] : memref<10240x8xf32, #tpu.memory_space<vmem_shared>> -> memref<128x8xf32, #tpu.memory_space<vmem_shared>>
      tpu.enqueue_dma source(%dma_start3A_42 : memref<128x8xf32, #tpu.memory_space<vmem_shared>>) target(%arg8 : memref<128x8xf32, #tpu.memory_space<vmem>>) target_semaphore(%run_scoped3A_39 : memref<!tpu.dma_semaphore, #tpu.memory_space<semaphore_mem>>)
      %dma_wait3A = arith.constant 0 : i32
      %dma_wait3A_43 = tpu.memref_slice %arg9[%add3A_32, %dma_wait3A] : memref<10240x8xf32, #tpu.memory_space<vmem_shared>> -> memref<128x8xf32, #tpu.memory_space<vmem_shared>>
      %dma_wait3A_44 = arith.constant 0 : i32
      %dma_wait3A_45 = tpu.memref_slice %arg9[%add3A_32, %dma_wait3A_44] : memref<10240x8xf32, #tpu.memory_space<vmem_shared>> -> memref<128x8xf32, #tpu.memory_space<vmem_shared>>
      tpu.wait_dma2 semaphore(%run_scoped3A_39 : memref<!tpu.dma_semaphore, #tpu.memory_space<semaphore_mem>>) src(%dma_wait3A_45 : memref<128x8xf32, #tpu.memory_space<vmem_shared>>) dst(%arg8 : memref<128x8xf32, #tpu.memory_space<vmem>>)
      tpu.yield
    }) : () -> ()
    %add3A_33 = arith.constant 384 : i32
    %add3A_34 = arith.addi %mul3A_2, %add3A_33 : i32
    "tpu.region"() ({
      %run_scoped3A_39 = tpu.sem_alloc : memref<!tpu.dma_semaphore, #tpu.memory_space<semaphore_mem>>
      %dma_start3A = arith.constant 0 : i32
      %dma_start3A_40 = tpu.memref_slice %arg5[%arg0, %add3A_34, %dma_start3A] : memref<2x10240x8xf32, #tpu.memory_space<hbm>> -> memref<1x128x8xf32, #tpu.memory_space<hbm>>
      %dma_start3A_41 = tpu.memref_squeeze %dma_start3A_40 : memref<1x128x8xf32, #tpu.memory_space<hbm>> -> memref<128x8xf32, #tpu.memory_space<hbm>>
      %dma_start3A_42 = arith.constant 0 : i32
      %dma_start3A_43 = tpu.memref_slice %arg5[%arg0, %add3A_34, %dma_start3A_42] : memref<2x10240x8xf32, #tpu.memory_space<hbm>> -> memref<1x128x8xf32, #tpu.memory_space<hbm>>
      %dma_start3A_44 = tpu.memref_squeeze %dma_start3A_43 : memref<1x128x8xf32, #tpu.memory_space<hbm>> -> memref<128x8xf32, #tpu.memory_space<hbm>>
      tpu.enqueue_dma source(%arg8 : memref<128x8xf32, #tpu.memory_space<vmem>>) target(%dma_start3A_44 : memref<128x8xf32, #tpu.memory_space<hbm>>) target_semaphore(%run_scoped3A_39 : memref<!tpu.dma_semaphore, #tpu.memory_space<semaphore_mem>>)
      %dma_wait3A = arith.constant 0 : i32
      %dma_wait3A_45 = tpu.memref_slice %arg5[%arg0, %add3A_34, %dma_wait3A] : memref<2x10240x8xf32, #tpu.memory_space<hbm>> -> memref<1x128x8xf32, #tpu.memory_space<hbm>>
      %dma_wait3A_46 = tpu.memref_squeeze %dma_wait3A_45 : memref<1x128x8xf32, #tpu.memory_space<hbm>> -> memref<128x8xf32, #tpu.memory_space<hbm>>
      %dma_wait3A_47 = arith.constant 0 : i32
      %dma_wait3A_48 = tpu.memref_slice %arg5[%arg0, %add3A_34, %dma_wait3A_47] : memref<2x10240x8xf32, #tpu.memory_space<hbm>> -> memref<1x128x8xf32, #tpu.memory_space<hbm>>
      %dma_wait3A_49 = tpu.memref_squeeze %dma_wait3A_48 : memref<1x128x8xf32, #tpu.memory_space<hbm>> -> memref<128x8xf32, #tpu.memory_space<hbm>>
      tpu.wait_dma2 semaphore(%run_scoped3A_39 : memref<!tpu.dma_semaphore, #tpu.memory_space<semaphore_mem>>) src(%arg8 : memref<128x8xf32, #tpu.memory_space<vmem>>) dst(%dma_wait3A_49 : memref<128x8xf32, #tpu.memory_space<hbm>>)
      tpu.yield
    }) : () -> ()
    %add3A_35 = arith.constant 512 : i32
    %add3A_36 = arith.addi %mul3A_2, %add3A_35 : i32
    "tpu.region"() ({
      %run_scoped3A_39 = tpu.sem_alloc : memref<!tpu.dma_semaphore, #tpu.memory_space<semaphore_mem>>
      %dma_start3A = arith.constant 0 : i32
      %dma_start3A_40 = tpu.memref_slice %arg9[%add3A_36, %dma_start3A] : memref<10240x8xf32, #tpu.memory_space<vmem_shared>> -> memref<128x8xf32, #tpu.memory_space<vmem_shared>>
      %dma_start3A_41 = arith.constant 0 : i32
      %dma_start3A_42 = tpu.memref_slice %arg9[%add3A_36, %dma_start3A_41] : memref<10240x8xf32, #tpu.memory_space<vmem_shared>> -> memref<128x8xf32, #tpu.memory_space<vmem_shared>>
      tpu.enqueue_dma source(%dma_start3A_42 : memref<128x8xf32, #tpu.memory_space<vmem_shared>>) target(%arg8 : memref<128x8xf32, #tpu.memory_space<vmem>>) target_semaphore(%run_scoped3A_39 : memref<!tpu.dma_semaphore, #tpu.memory_space<semaphore_mem>>)
      %dma_wait3A = arith.constant 0 : i32
      %dma_wait3A_43 = tpu.memref_slice %arg9[%add3A_36, %dma_wait3A] : memref<10240x8xf32, #tpu.memory_space<vmem_shared>> -> memref<128x8xf32, #tpu.memory_space<vmem_shared>>
      %dma_wait3A_44 = arith.constant 0 : i32
      %dma_wait3A_45 = tpu.memref_slice %arg9[%add3A_36, %dma_wait3A_44] : memref<10240x8xf32, #tpu.memory_space<vmem_shared>> -> memref<128x8xf32, #tpu.memory_space<vmem_shared>>
      tpu.wait_dma2 semaphore(%run_scoped3A_39 : memref<!tpu.dma_semaphore, #tpu.memory_space<semaphore_mem>>) src(%dma_wait3A_45 : memref<128x8xf32, #tpu.memory_space<vmem_shared>>) dst(%arg8 : memref<128x8xf32, #tpu.memory_space<vmem>>)
      tpu.yield
    }) : () -> ()
    %add3A_37 = arith.constant 512 : i32
    %add3A_38 = arith.addi %mul3A_2, %add3A_37 : i32
    "tpu.region"() ({
      %run_scoped3A_39 = tpu.sem_alloc : memref<!tpu.dma_semaphore, #tpu.memory_space<semaphore_mem>>
      %dma_start3A = arith.constant 0 : i32
      %dma_start3A_40 = tpu.memref_slice %arg5[%arg0, %add3A_38, %dma_start3A] : memref<2x10240x8xf32, #tpu.memory_space<hbm>> -> memref<1x128x8xf32, #tpu.memory_space<hbm>>
      %dma_start3A_41 = tpu.memref_squeeze %dma_start3A_40 : memref<1x128x8xf32, #tpu.memory_space<hbm>> -> memref<128x8xf32, #tpu.memory_space<hbm>>
      %dma_start3A_42 = arith.constant 0 : i32
      %dma_start3A_43 = tpu.memref_slice %arg5[%arg0, %add3A_38, %dma_start3A_42] : memref<2x10240x8xf32, #tpu.memory_space<hbm>> -> memref<1x128x8xf32, #tpu.memory_space<hbm>>
      %dma_start3A_44 = tpu.memref_squeeze %dma_start3A_43 : memref<1x128x8xf32, #tpu.memory_space<hbm>> -> memref<128x8xf32, #tpu.memory_space<hbm>>
      tpu.enqueue_dma source(%arg8 : memref<128x8xf32, #tpu.memory_space<vmem>>) target(%dma_start3A_44 : memref<128x8xf32, #tpu.memory_space<hbm>>) target_semaphore(%run_scoped3A_39 : memref<!tpu.dma_semaphore, #tpu.memory_space<semaphore_mem>>)
      %dma_wait3A = arith.constant 0 : i32
      %dma_wait3A_45 = tpu.memref_slice %arg5[%arg0, %add3A_38, %dma_wait3A] : memref<2x10240x8xf32, #tpu.memory_space<hbm>> -> memref<1x128x8xf32, #tpu.memory_space<hbm>>
      %dma_wait3A_46 = tpu.memref_squeeze %dma_wait3A_45 : memref<1x128x8xf32, #tpu.memory_space<hbm>> -> memref<128x8xf32, #tpu.memory_space<hbm>>
      %dma_wait3A_47 = arith.constant 0 : i32
      %dma_wait3A_48 = tpu.memref_slice %arg5[%arg0, %add3A_38, %dma_wait3A_47] : memref<2x10240x8xf32, #tpu.memory_space<hbm>> -> memref<1x128x8xf32, #tpu.memory_space<hbm>>
      %dma_wait3A_49 = tpu.memref_squeeze %dma_wait3A_48 : memref<1x128x8xf32, #tpu.memory_space<hbm>> -> memref<128x8xf32, #tpu.memory_space<hbm>>
      tpu.wait_dma2 semaphore(%run_scoped3A_39 : memref<!tpu.dma_semaphore, #tpu.memory_space<semaphore_mem>>) src(%arg8 : memref<128x8xf32, #tpu.memory_space<vmem>>) dst(%dma_wait3A_49 : memref<128x8xf32, #tpu.memory_space<hbm>>)
      tpu.yield
    }) : () -> ()
    return
  }
}

#map = affine_map<(d0, d1) -> (0, 0, 0, 0)>
#map1 = affine_map<(d0, d1) -> (0, 0)>
#map2 = affine_map<(d0, d1) -> (0, 0, 0)>
module attributes {stable_mosaic.version = 14 : i64} {
  func.func @sck(%arg0: i32, %arg1: i32, %arg2: memref<2x32x80x128xi32, #tpu.memory_space<hbm>>, %arg3: memref<10240x64xf32, #tpu.memory_space<hbm>>, %arg4: memref<128x64xf32, #tpu.memory_space<hbm>>, %arg5: memref<2x10240x64xf32, #tpu.memory_space<hbm>>, %arg6: memref<80x128xi32, #tpu.memory_space<vmem>>, %arg7: memref<80x128xi32, #tpu.memory_space<vmem>>, %arg8: memref<128x64xf32, #tpu.memory_space<vmem>>, %arg9: memref<128x64xf32, #tpu.memory_space<vmem>>, %arg10: memref<128x64xf32, #tpu.memory_space<vmem>>, %arg11: memref<128x64xf32, #tpu.memory_space<vmem>>, %arg12: memref<128x64xf32, #tpu.memory_space<vmem>>, %arg13: memref<10240x64xf32, #tpu.memory_space<vmem_shared>>, %arg14: memref<!tpu.dma_semaphore, #tpu.memory_space<semaphore_mem>>, %arg15: memref<!tpu.dma_semaphore, #tpu.memory_space<semaphore_mem>>, %arg16: memref<!tpu.dma_semaphore, #tpu.memory_space<semaphore_mem>>, %arg17: memref<!tpu.dma_semaphore, #tpu.memory_space<semaphore_mem>>) attributes {dimension_semantics = [#tpu.dimension_semantics<core_parallel>, #tpu.dimension_semantics<subcore_parallel>], iteration_bounds = array<i64: 2, 16>, scalar_prefetch = 0 : i64, scratch_operands = 12 : i64, tpu.core_type = #tpu.core_type<sc_vector_subcore>, window_params = [{transform_indices = #map}, {transform_indices = #map1}, {transform_indices = #map1}, {transform_indices = #map2}]} {
    %mul3A = arith.constant 16 : i32
    %mul3A_0 = arith.muli %arg0, %mul3A : i32
    %add3A = arith.addi %mul3A_0, %arg1 : i32
    %run_scoped3A = arith.constant 0 : i32
    "tpu.region"() ({
      %run_scoped3A_67 = tpu.sem_alloc : memref<!tpu.dma_semaphore, #tpu.memory_space<semaphore_mem>>
      %dma_start3A_68 = arith.constant 0 : i32
      %dma_start3A_69 = arith.constant 0 : i32
      %dma_start3A_70 = tpu.memref_slice %arg2[%run_scoped3A, %add3A, %dma_start3A_68, %dma_start3A_69] : memref<2x32x80x128xi32, #tpu.memory_space<hbm>> -> memref<1x1x80x128xi32, #tpu.memory_space<hbm>>
      %dma_start3A_71 = tpu.memref_squeeze %dma_start3A_70 : memref<1x1x80x128xi32, #tpu.memory_space<hbm>> -> memref<80x128xi32, #tpu.memory_space<hbm>>
      %dma_start3A_72 = arith.constant 0 : i32
      %dma_start3A_73 = arith.constant 0 : i32
      %dma_start3A_74 = tpu.memref_slice %arg2[%run_scoped3A, %add3A, %dma_start3A_72, %dma_start3A_73] : memref<2x32x80x128xi32, #tpu.memory_space<hbm>> -> memref<1x1x80x128xi32, #tpu.memory_space<hbm>>
      %dma_start3A_75 = tpu.memref_squeeze %dma_start3A_74 : memref<1x1x80x128xi32, #tpu.memory_space<hbm>> -> memref<80x128xi32, #tpu.memory_space<hbm>>
      tpu.enqueue_dma source(%dma_start3A_75 : memref<80x128xi32, #tpu.memory_space<hbm>>) target(%arg6 : memref<80x128xi32, #tpu.memory_space<vmem>>) target_semaphore(%run_scoped3A_67 : memref<!tpu.dma_semaphore, #tpu.memory_space<semaphore_mem>>)
      %dma_wait3A = arith.constant 0 : i32
      %dma_wait3A_76 = arith.constant 0 : i32
      %dma_wait3A_77 = tpu.memref_slice %arg2[%run_scoped3A, %add3A, %dma_wait3A, %dma_wait3A_76] : memref<2x32x80x128xi32, #tpu.memory_space<hbm>> -> memref<1x1x80x128xi32, #tpu.memory_space<hbm>>
      %dma_wait3A_78 = tpu.memref_squeeze %dma_wait3A_77 : memref<1x1x80x128xi32, #tpu.memory_space<hbm>> -> memref<80x128xi32, #tpu.memory_space<hbm>>
      %dma_wait3A_79 = arith.constant 0 : i32
      %dma_wait3A_80 = arith.constant 0 : i32
      %dma_wait3A_81 = tpu.memref_slice %arg2[%run_scoped3A, %add3A, %dma_wait3A_79, %dma_wait3A_80] : memref<2x32x80x128xi32, #tpu.memory_space<hbm>> -> memref<1x1x80x128xi32, #tpu.memory_space<hbm>>
      %dma_wait3A_82 = tpu.memref_squeeze %dma_wait3A_81 : memref<1x1x80x128xi32, #tpu.memory_space<hbm>> -> memref<80x128xi32, #tpu.memory_space<hbm>>
      tpu.wait_dma2 semaphore(%run_scoped3A_67 : memref<!tpu.dma_semaphore, #tpu.memory_space<semaphore_mem>>) src(%dma_wait3A_82 : memref<80x128xi32, #tpu.memory_space<hbm>>) dst(%arg6 : memref<80x128xi32, #tpu.memory_space<vmem>>)
      tpu.yield
    }) : () -> ()
    %run_scoped3A_1 = arith.constant 1 : i32
    "tpu.region"() ({
      %run_scoped3A_67 = tpu.sem_alloc : memref<!tpu.dma_semaphore, #tpu.memory_space<semaphore_mem>>
      %dma_start3A_68 = arith.constant 0 : i32
      %dma_start3A_69 = arith.constant 0 : i32
      %dma_start3A_70 = tpu.memref_slice %arg2[%run_scoped3A_1, %add3A, %dma_start3A_68, %dma_start3A_69] : memref<2x32x80x128xi32, #tpu.memory_space<hbm>> -> memref<1x1x80x128xi32, #tpu.memory_space<hbm>>
      %dma_start3A_71 = tpu.memref_squeeze %dma_start3A_70 : memref<1x1x80x128xi32, #tpu.memory_space<hbm>> -> memref<80x128xi32, #tpu.memory_space<hbm>>
      %dma_start3A_72 = arith.constant 0 : i32
      %dma_start3A_73 = arith.constant 0 : i32
      %dma_start3A_74 = tpu.memref_slice %arg2[%run_scoped3A_1, %add3A, %dma_start3A_72, %dma_start3A_73] : memref<2x32x80x128xi32, #tpu.memory_space<hbm>> -> memref<1x1x80x128xi32, #tpu.memory_space<hbm>>
      %dma_start3A_75 = tpu.memref_squeeze %dma_start3A_74 : memref<1x1x80x128xi32, #tpu.memory_space<hbm>> -> memref<80x128xi32, #tpu.memory_space<hbm>>
      tpu.enqueue_dma source(%dma_start3A_75 : memref<80x128xi32, #tpu.memory_space<hbm>>) target(%arg7 : memref<80x128xi32, #tpu.memory_space<vmem>>) target_semaphore(%run_scoped3A_67 : memref<!tpu.dma_semaphore, #tpu.memory_space<semaphore_mem>>)
      %dma_wait3A = arith.constant 0 : i32
      %dma_wait3A_76 = arith.constant 0 : i32
      %dma_wait3A_77 = tpu.memref_slice %arg2[%run_scoped3A_1, %add3A, %dma_wait3A, %dma_wait3A_76] : memref<2x32x80x128xi32, #tpu.memory_space<hbm>> -> memref<1x1x80x128xi32, #tpu.memory_space<hbm>>
      %dma_wait3A_78 = tpu.memref_squeeze %dma_wait3A_77 : memref<1x1x80x128xi32, #tpu.memory_space<hbm>> -> memref<80x128xi32, #tpu.memory_space<hbm>>
      %dma_wait3A_79 = arith.constant 0 : i32
      %dma_wait3A_80 = arith.constant 0 : i32
      %dma_wait3A_81 = tpu.memref_slice %arg2[%run_scoped3A_1, %add3A, %dma_wait3A_79, %dma_wait3A_80] : memref<2x32x80x128xi32, #tpu.memory_space<hbm>> -> memref<1x1x80x128xi32, #tpu.memory_space<hbm>>
      %dma_wait3A_82 = tpu.memref_squeeze %dma_wait3A_81 : memref<1x1x80x128xi32, #tpu.memory_space<hbm>> -> memref<80x128xi32, #tpu.memory_space<hbm>>
      tpu.wait_dma2 semaphore(%run_scoped3A_67 : memref<!tpu.dma_semaphore, #tpu.memory_space<semaphore_mem>>) src(%dma_wait3A_82 : memref<80x128xi32, #tpu.memory_space<hbm>>) dst(%arg7 : memref<80x128xi32, #tpu.memory_space<vmem>>)
      tpu.yield
    }) : () -> ()
    "tpu.region"() ({
      %run_scoped3A_67 = tpu.sem_alloc : memref<!tpu.dma_semaphore, #tpu.memory_space<semaphore_mem>>
      tpu.enqueue_dma source(%arg4 : memref<128x64xf32, #tpu.memory_space<hbm>>) target(%arg12 : memref<128x64xf32, #tpu.memory_space<vmem>>) target_semaphore(%run_scoped3A_67 : memref<!tpu.dma_semaphore, #tpu.memory_space<semaphore_mem>>)
      tpu.wait_dma2 semaphore(%run_scoped3A_67 : memref<!tpu.dma_semaphore, #tpu.memory_space<semaphore_mem>>) src(%arg4 : memref<128x64xf32, #tpu.memory_space<hbm>>) dst(%arg12 : memref<128x64xf32, #tpu.memory_space<vmem>>)
      tpu.yield
    }) : () -> ()
    %mul3A_2 = arith.constant 640 : i32
    %mul3A_3 = arith.muli %arg1, %mul3A_2 : i32
    %add3A_4 = arith.constant 0 : i32
    %add3A_5 = arith.addi %mul3A_3, %add3A_4 : i32
    "tpu.region"() ({
      %run_scoped3A_67 = tpu.sem_alloc : memref<!tpu.dma_semaphore, #tpu.memory_space<semaphore_mem>>
      %dma_start3A_68 = arith.constant 0 : i32
      %dma_start3A_69 = tpu.memref_slice %arg13[%add3A_5, %dma_start3A_68] : memref<10240x64xf32, #tpu.memory_space<vmem_shared>> -> memref<128x64xf32, #tpu.memory_space<vmem_shared>>
      %dma_start3A_70 = arith.constant 0 : i32
      %dma_start3A_71 = tpu.memref_slice %arg13[%add3A_5, %dma_start3A_70] : memref<10240x64xf32, #tpu.memory_space<vmem_shared>> -> memref<128x64xf32, #tpu.memory_space<vmem_shared>>
      tpu.enqueue_dma source(%arg12 : memref<128x64xf32, #tpu.memory_space<vmem>>) target(%dma_start3A_71 : memref<128x64xf32, #tpu.memory_space<vmem_shared>>) target_semaphore(%run_scoped3A_67 : memref<!tpu.dma_semaphore, #tpu.memory_space<semaphore_mem>>)
      %dma_wait3A = arith.constant 0 : i32
      %dma_wait3A_72 = tpu.memref_slice %arg13[%add3A_5, %dma_wait3A] : memref<10240x64xf32, #tpu.memory_space<vmem_shared>> -> memref<128x64xf32, #tpu.memory_space<vmem_shared>>
      %dma_wait3A_73 = arith.constant 0 : i32
      %dma_wait3A_74 = tpu.memref_slice %arg13[%add3A_5, %dma_wait3A_73] : memref<10240x64xf32, #tpu.memory_space<vmem_shared>> -> memref<128x64xf32, #tpu.memory_space<vmem_shared>>
      tpu.wait_dma2 semaphore(%run_scoped3A_67 : memref<!tpu.dma_semaphore, #tpu.memory_space<semaphore_mem>>) src(%arg12 : memref<128x64xf32, #tpu.memory_space<vmem>>) dst(%dma_wait3A_74 : memref<128x64xf32, #tpu.memory_space<vmem_shared>>)
      tpu.yield
    }) : () -> ()
    %add3A_6 = arith.constant 128 : i32
    %add3A_7 = arith.addi %mul3A_3, %add3A_6 : i32
    "tpu.region"() ({
      %run_scoped3A_67 = tpu.sem_alloc : memref<!tpu.dma_semaphore, #tpu.memory_space<semaphore_mem>>
      %dma_start3A_68 = arith.constant 0 : i32
      %dma_start3A_69 = tpu.memref_slice %arg13[%add3A_7, %dma_start3A_68] : memref<10240x64xf32, #tpu.memory_space<vmem_shared>> -> memref<128x64xf32, #tpu.memory_space<vmem_shared>>
      %dma_start3A_70 = arith.constant 0 : i32
      %dma_start3A_71 = tpu.memref_slice %arg13[%add3A_7, %dma_start3A_70] : memref<10240x64xf32, #tpu.memory_space<vmem_shared>> -> memref<128x64xf32, #tpu.memory_space<vmem_shared>>
      tpu.enqueue_dma source(%arg12 : memref<128x64xf32, #tpu.memory_space<vmem>>) target(%dma_start3A_71 : memref<128x64xf32, #tpu.memory_space<vmem_shared>>) target_semaphore(%run_scoped3A_67 : memref<!tpu.dma_semaphore, #tpu.memory_space<semaphore_mem>>)
      %dma_wait3A = arith.constant 0 : i32
      %dma_wait3A_72 = tpu.memref_slice %arg13[%add3A_7, %dma_wait3A] : memref<10240x64xf32, #tpu.memory_space<vmem_shared>> -> memref<128x64xf32, #tpu.memory_space<vmem_shared>>
      %dma_wait3A_73 = arith.constant 0 : i32
      %dma_wait3A_74 = tpu.memref_slice %arg13[%add3A_7, %dma_wait3A_73] : memref<10240x64xf32, #tpu.memory_space<vmem_shared>> -> memref<128x64xf32, #tpu.memory_space<vmem_shared>>
      tpu.wait_dma2 semaphore(%run_scoped3A_67 : memref<!tpu.dma_semaphore, #tpu.memory_space<semaphore_mem>>) src(%arg12 : memref<128x64xf32, #tpu.memory_space<vmem>>) dst(%dma_wait3A_74 : memref<128x64xf32, #tpu.memory_space<vmem_shared>>)
      tpu.yield
    }) : () -> ()
    %add3A_8 = arith.constant 256 : i32
    %add3A_9 = arith.addi %mul3A_3, %add3A_8 : i32
    "tpu.region"() ({
      %run_scoped3A_67 = tpu.sem_alloc : memref<!tpu.dma_semaphore, #tpu.memory_space<semaphore_mem>>
      %dma_start3A_68 = arith.constant 0 : i32
      %dma_start3A_69 = tpu.memref_slice %arg13[%add3A_9, %dma_start3A_68] : memref<10240x64xf32, #tpu.memory_space<vmem_shared>> -> memref<128x64xf32, #tpu.memory_space<vmem_shared>>
      %dma_start3A_70 = arith.constant 0 : i32
      %dma_start3A_71 = tpu.memref_slice %arg13[%add3A_9, %dma_start3A_70] : memref<10240x64xf32, #tpu.memory_space<vmem_shared>> -> memref<128x64xf32, #tpu.memory_space<vmem_shared>>
      tpu.enqueue_dma source(%arg12 : memref<128x64xf32, #tpu.memory_space<vmem>>) target(%dma_start3A_71 : memref<128x64xf32, #tpu.memory_space<vmem_shared>>) target_semaphore(%run_scoped3A_67 : memref<!tpu.dma_semaphore, #tpu.memory_space<semaphore_mem>>)
      %dma_wait3A = arith.constant 0 : i32
      %dma_wait3A_72 = tpu.memref_slice %arg13[%add3A_9, %dma_wait3A] : memref<10240x64xf32, #tpu.memory_space<vmem_shared>> -> memref<128x64xf32, #tpu.memory_space<vmem_shared>>
      %dma_wait3A_73 = arith.constant 0 : i32
      %dma_wait3A_74 = tpu.memref_slice %arg13[%add3A_9, %dma_wait3A_73] : memref<10240x64xf32, #tpu.memory_space<vmem_shared>> -> memref<128x64xf32, #tpu.memory_space<vmem_shared>>
      tpu.wait_dma2 semaphore(%run_scoped3A_67 : memref<!tpu.dma_semaphore, #tpu.memory_space<semaphore_mem>>) src(%arg12 : memref<128x64xf32, #tpu.memory_space<vmem>>) dst(%dma_wait3A_74 : memref<128x64xf32, #tpu.memory_space<vmem_shared>>)
      tpu.yield
    }) : () -> ()
    %add3A_10 = arith.constant 384 : i32
    %add3A_11 = arith.addi %mul3A_3, %add3A_10 : i32
    "tpu.region"() ({
      %run_scoped3A_67 = tpu.sem_alloc : memref<!tpu.dma_semaphore, #tpu.memory_space<semaphore_mem>>
      %dma_start3A_68 = arith.constant 0 : i32
      %dma_start3A_69 = tpu.memref_slice %arg13[%add3A_11, %dma_start3A_68] : memref<10240x64xf32, #tpu.memory_space<vmem_shared>> -> memref<128x64xf32, #tpu.memory_space<vmem_shared>>
      %dma_start3A_70 = arith.constant 0 : i32
      %dma_start3A_71 = tpu.memref_slice %arg13[%add3A_11, %dma_start3A_70] : memref<10240x64xf32, #tpu.memory_space<vmem_shared>> -> memref<128x64xf32, #tpu.memory_space<vmem_shared>>
      tpu.enqueue_dma source(%arg12 : memref<128x64xf32, #tpu.memory_space<vmem>>) target(%dma_start3A_71 : memref<128x64xf32, #tpu.memory_space<vmem_shared>>) target_semaphore(%run_scoped3A_67 : memref<!tpu.dma_semaphore, #tpu.memory_space<semaphore_mem>>)
      %dma_wait3A = arith.constant 0 : i32
      %dma_wait3A_72 = tpu.memref_slice %arg13[%add3A_11, %dma_wait3A] : memref<10240x64xf32, #tpu.memory_space<vmem_shared>> -> memref<128x64xf32, #tpu.memory_space<vmem_shared>>
      %dma_wait3A_73 = arith.constant 0 : i32
      %dma_wait3A_74 = tpu.memref_slice %arg13[%add3A_11, %dma_wait3A_73] : memref<10240x64xf32, #tpu.memory_space<vmem_shared>> -> memref<128x64xf32, #tpu.memory_space<vmem_shared>>
      tpu.wait_dma2 semaphore(%run_scoped3A_67 : memref<!tpu.dma_semaphore, #tpu.memory_space<semaphore_mem>>) src(%arg12 : memref<128x64xf32, #tpu.memory_space<vmem>>) dst(%dma_wait3A_74 : memref<128x64xf32, #tpu.memory_space<vmem_shared>>)
      tpu.yield
    }) : () -> ()
    %add3A_12 = arith.constant 512 : i32
    %add3A_13 = arith.addi %mul3A_3, %add3A_12 : i32
    "tpu.region"() ({
      %run_scoped3A_67 = tpu.sem_alloc : memref<!tpu.dma_semaphore, #tpu.memory_space<semaphore_mem>>
      %dma_start3A_68 = arith.constant 0 : i32
      %dma_start3A_69 = tpu.memref_slice %arg13[%add3A_13, %dma_start3A_68] : memref<10240x64xf32, #tpu.memory_space<vmem_shared>> -> memref<128x64xf32, #tpu.memory_space<vmem_shared>>
      %dma_start3A_70 = arith.constant 0 : i32
      %dma_start3A_71 = tpu.memref_slice %arg13[%add3A_13, %dma_start3A_70] : memref<10240x64xf32, #tpu.memory_space<vmem_shared>> -> memref<128x64xf32, #tpu.memory_space<vmem_shared>>
      tpu.enqueue_dma source(%arg12 : memref<128x64xf32, #tpu.memory_space<vmem>>) target(%dma_start3A_71 : memref<128x64xf32, #tpu.memory_space<vmem_shared>>) target_semaphore(%run_scoped3A_67 : memref<!tpu.dma_semaphore, #tpu.memory_space<semaphore_mem>>)
      %dma_wait3A = arith.constant 0 : i32
      %dma_wait3A_72 = tpu.memref_slice %arg13[%add3A_13, %dma_wait3A] : memref<10240x64xf32, #tpu.memory_space<vmem_shared>> -> memref<128x64xf32, #tpu.memory_space<vmem_shared>>
      %dma_wait3A_73 = arith.constant 0 : i32
      %dma_wait3A_74 = tpu.memref_slice %arg13[%add3A_13, %dma_wait3A_73] : memref<10240x64xf32, #tpu.memory_space<vmem_shared>> -> memref<128x64xf32, #tpu.memory_space<vmem_shared>>
      tpu.wait_dma2 semaphore(%run_scoped3A_67 : memref<!tpu.dma_semaphore, #tpu.memory_space<semaphore_mem>>) src(%arg12 : memref<128x64xf32, #tpu.memory_space<vmem>>) dst(%dma_wait3A_74 : memref<128x64xf32, #tpu.memory_space<vmem_shared>>)
      tpu.yield
    }) : () -> ()
    %barrier3A = arith.constant 0 : index
    tpu.barrier barrier_id(%barrier3A)
    %dma_start3A = arith.constant 0 : i32
    %dma_start3A_14 = arith.constant 0 : i32
    %dma_start3A_15 = tpu.memref_slice %arg6[%dma_start3A, %dma_start3A_14] : memref<80x128xi32, #tpu.memory_space<vmem>> -> memref<1x128xi32, #tpu.memory_space<vmem>>
    %dma_start3A_16 = tpu.memref_squeeze %dma_start3A_15 : memref<1x128xi32, #tpu.memory_space<vmem>> -> memref<128xi32, #tpu.memory_space<vmem>>
    %dma_start3A_17 = arith.constant 0 : i32
    %dma_start3A_18 = arith.constant 0 : i32
    %dma_start3A_19 = tpu.memref_slice %arg3[%dma_start3A_17, %dma_start3A_18] : memref<10240x64xf32, #tpu.memory_space<hbm>> -> memref<10240x64xf32, #tpu.memory_space<hbm>>
    tpu.enqueue_indirect_dma source(%dma_start3A_19 : memref<10240x64xf32, #tpu.memory_space<hbm>>) target(%arg8 : memref<128x64xf32, #tpu.memory_space<vmem>>) offsets(%dma_start3A_16 : memref<128xi32, #tpu.memory_space<vmem>>) semaphore(%arg14 : memref<!tpu.dma_semaphore, #tpu.memory_space<semaphore_mem>>)
    %dma_start3A_20 = arith.constant 1 : i32
    %dma_start3A_21 = arith.constant 0 : i32
    %dma_start3A_22 = tpu.memref_slice %arg6[%dma_start3A_20, %dma_start3A_21] : memref<80x128xi32, #tpu.memory_space<vmem>> -> memref<1x128xi32, #tpu.memory_space<vmem>>
    %dma_start3A_23 = tpu.memref_squeeze %dma_start3A_22 : memref<1x128xi32, #tpu.memory_space<vmem>> -> memref<128xi32, #tpu.memory_space<vmem>>
    %dma_start3A_24 = arith.constant 0 : i32
    %dma_start3A_25 = arith.constant 0 : i32
    %dma_start3A_26 = tpu.memref_slice %arg3[%dma_start3A_24, %dma_start3A_25] : memref<10240x64xf32, #tpu.memory_space<hbm>> -> memref<10240x64xf32, #tpu.memory_space<hbm>>
    tpu.enqueue_indirect_dma source(%dma_start3A_26 : memref<10240x64xf32, #tpu.memory_space<hbm>>) target(%arg9 : memref<128x64xf32, #tpu.memory_space<vmem>>) offsets(%dma_start3A_23 : memref<128xi32, #tpu.memory_space<vmem>>) semaphore(%arg15 : memref<!tpu.dma_semaphore, #tpu.memory_space<semaphore_mem>>)
    %dma_start3A_27 = arith.constant 2 : i32
    %dma_start3A_28 = arith.constant 0 : i32
    %dma_start3A_29 = tpu.memref_slice %arg6[%dma_start3A_27, %dma_start3A_28] : memref<80x128xi32, #tpu.memory_space<vmem>> -> memref<1x128xi32, #tpu.memory_space<vmem>>
    %dma_start3A_30 = tpu.memref_squeeze %dma_start3A_29 : memref<1x128xi32, #tpu.memory_space<vmem>> -> memref<128xi32, #tpu.memory_space<vmem>>
    %dma_start3A_31 = arith.constant 0 : i32
    %dma_start3A_32 = arith.constant 0 : i32
    %dma_start3A_33 = tpu.memref_slice %arg3[%dma_start3A_31, %dma_start3A_32] : memref<10240x64xf32, #tpu.memory_space<hbm>> -> memref<10240x64xf32, #tpu.memory_space<hbm>>
    tpu.enqueue_indirect_dma source(%dma_start3A_33 : memref<10240x64xf32, #tpu.memory_space<hbm>>) target(%arg10 : memref<128x64xf32, #tpu.memory_space<vmem>>) offsets(%dma_start3A_30 : memref<128xi32, #tpu.memory_space<vmem>>) semaphore(%arg16 : memref<!tpu.dma_semaphore, #tpu.memory_space<semaphore_mem>>)
    %dma_start3A_34 = arith.constant 3 : i32
    %dma_start3A_35 = arith.constant 0 : i32
    %dma_start3A_36 = tpu.memref_slice %arg6[%dma_start3A_34, %dma_start3A_35] : memref<80x128xi32, #tpu.memory_space<vmem>> -> memref<1x128xi32, #tpu.memory_space<vmem>>
    %dma_start3A_37 = tpu.memref_squeeze %dma_start3A_36 : memref<1x128xi32, #tpu.memory_space<vmem>> -> memref<128xi32, #tpu.memory_space<vmem>>
    %dma_start3A_38 = arith.constant 0 : i32
    %dma_start3A_39 = arith.constant 0 : i32
    %dma_start3A_40 = tpu.memref_slice %arg3[%dma_start3A_38, %dma_start3A_39] : memref<10240x64xf32, #tpu.memory_space<hbm>> -> memref<10240x64xf32, #tpu.memory_space<hbm>>
    tpu.enqueue_indirect_dma source(%dma_start3A_40 : memref<10240x64xf32, #tpu.memory_space<hbm>>) target(%arg11 : memref<128x64xf32, #tpu.memory_space<vmem>>) offsets(%dma_start3A_37 : memref<128xi32, #tpu.memory_space<vmem>>) semaphore(%arg17 : memref<!tpu.dma_semaphore, #tpu.memory_space<semaphore_mem>>)
    %scan3A = arith.constant 0 : i32
    %scan3A_41 = arith.constant 0 : i32
    %scan3A_42 = arith.constant 20 : i32
    %scan3A_43 = arith.addi %scan3A_41, %scan3A_42 : i32
    %scan3A_44 = arith.constant 1 : i32
    scf.for %scan3A_67 = %scan3A_41 to %scan3A_43 step %scan3A_44  : i32 {
      %mul3A_68 = arith.constant 4 : i32
      %mul3A_69 = arith.muli %scan3A_67, %mul3A_68 : i32
      %add3A_70 = arith.constant 0 : i32
      %add3A_71 = arith.addi %mul3A_69, %add3A_70 : i32
      %dma_wait3A = arith.constant 0 : i32
      %dma_wait3A_72 = tpu.memref_slice %arg6[%add3A_71, %dma_wait3A] : memref<80x128xi32, #tpu.memory_space<vmem>> -> memref<1x128xi32, #tpu.memory_space<vmem>>
      %dma_wait3A_73 = tpu.memref_squeeze %dma_wait3A_72 : memref<1x128xi32, #tpu.memory_space<vmem>> -> memref<128xi32, #tpu.memory_space<vmem>>
      %dma_wait3A_74 = arith.constant 0 : i32
      %dma_wait3A_75 = arith.constant 0 : i32
      %dma_wait3A_76 = tpu.memref_slice %arg3[%dma_wait3A_74, %dma_wait3A_75] : memref<10240x64xf32, #tpu.memory_space<hbm>> -> memref<10240x64xf32, #tpu.memory_space<hbm>>
      tpu.wait_indirect_dma semaphore(%arg14 : memref<!tpu.dma_semaphore, #tpu.memory_space<semaphore_mem>>) src(%dma_wait3A_76 : memref<10240x64xf32, #tpu.memory_space<hbm>>) dst(%arg8 : memref<128x64xf32, #tpu.memory_space<vmem>>)
      "tpu.region"() ({
        %run_scoped3A_132 = tpu.sem_alloc : memref<!tpu.dma_semaphore, #tpu.memory_space<semaphore_mem>>
        %dma_start3A_133 = arith.constant 0 : i32
        %dma_start3A_134 = tpu.memref_slice %arg7[%add3A_71, %dma_start3A_133] : memref<80x128xi32, #tpu.memory_space<vmem>> -> memref<1x128xi32, #tpu.memory_space<vmem>>
        %dma_start3A_135 = tpu.memref_squeeze %dma_start3A_134 : memref<1x128xi32, #tpu.memory_space<vmem>> -> memref<128xi32, #tpu.memory_space<vmem>>
        %dma_start3A_136 = arith.constant 0 : i32
        %dma_start3A_137 = arith.constant 0 : i32
        %dma_start3A_138 = tpu.memref_slice %arg13[%dma_start3A_136, %dma_start3A_137] : memref<10240x64xf32, #tpu.memory_space<vmem_shared>> -> memref<10240x64xf32, #tpu.memory_space<vmem_shared>>
        tpu.enqueue_indirect_dma source(%arg8 : memref<128x64xf32, #tpu.memory_space<vmem>>) target(%dma_start3A_138 : memref<10240x64xf32, #tpu.memory_space<vmem_shared>>) offsets(%dma_start3A_135 : memref<128xi32, #tpu.memory_space<vmem>>) semaphore(%run_scoped3A_132 : memref<!tpu.dma_semaphore, #tpu.memory_space<semaphore_mem>>) {add = true}
        %dma_wait3A_139 = arith.constant 0 : i32
        %dma_wait3A_140 = tpu.memref_slice %arg7[%add3A_71, %dma_wait3A_139] : memref<80x128xi32, #tpu.memory_space<vmem>> -> memref<1x128xi32, #tpu.memory_space<vmem>>
        %dma_wait3A_141 = tpu.memref_squeeze %dma_wait3A_140 : memref<1x128xi32, #tpu.memory_space<vmem>> -> memref<128xi32, #tpu.memory_space<vmem>>
        %dma_wait3A_142 = arith.constant 0 : i32
        %dma_wait3A_143 = arith.constant 0 : i32
        %dma_wait3A_144 = tpu.memref_slice %arg13[%dma_wait3A_142, %dma_wait3A_143] : memref<10240x64xf32, #tpu.memory_space<vmem_shared>> -> memref<10240x64xf32, #tpu.memory_space<vmem_shared>>
        tpu.wait_indirect_dma semaphore(%run_scoped3A_132 : memref<!tpu.dma_semaphore, #tpu.memory_space<semaphore_mem>>) src(%arg8 : memref<128x64xf32, #tpu.memory_space<vmem>>) dst(%dma_wait3A_144 : memref<10240x64xf32, #tpu.memory_space<vmem_shared>>)
        tpu.yield
      }) : () -> ()
      %add3A_77 = arith.constant 4 : i32
      %add3A_78 = arith.addi %add3A_71, %add3A_77 : i32
      %lt3A = arith.constant 80 : i32
      %lt3A_79 = arith.cmpi slt, %add3A_78, %lt3A : i32
      %convert_element_type3A = arith.extui %lt3A_79 : i1 to i32
      %cond3A = arith.constant 0 : i32
      %cond3A_80 = arith.cmpi ne, %convert_element_type3A, %cond3A : i32
      scf.if %cond3A_80 {
        %add3A_132 = arith.constant 4 : i32
        %add3A_133 = arith.addi %add3A_71, %add3A_132 : i32
        %dma_start3A_134 = arith.constant 0 : i32
        %dma_start3A_135 = tpu.memref_slice %arg6[%add3A_133, %dma_start3A_134] : memref<80x128xi32, #tpu.memory_space<vmem>> -> memref<1x128xi32, #tpu.memory_space<vmem>>
        %dma_start3A_136 = tpu.memref_squeeze %dma_start3A_135 : memref<1x128xi32, #tpu.memory_space<vmem>> -> memref<128xi32, #tpu.memory_space<vmem>>
        %dma_start3A_137 = arith.constant 0 : i32
        %dma_start3A_138 = arith.constant 0 : i32
        %dma_start3A_139 = tpu.memref_slice %arg3[%dma_start3A_137, %dma_start3A_138] : memref<10240x64xf32, #tpu.memory_space<hbm>> -> memref<10240x64xf32, #tpu.memory_space<hbm>>
        tpu.enqueue_indirect_dma source(%dma_start3A_139 : memref<10240x64xf32, #tpu.memory_space<hbm>>) target(%arg8 : memref<128x64xf32, #tpu.memory_space<vmem>>) offsets(%dma_start3A_136 : memref<128xi32, #tpu.memory_space<vmem>>) semaphore(%arg14 : memref<!tpu.dma_semaphore, #tpu.memory_space<semaphore_mem>>)
      } else {
      }
      %mul3A_81 = arith.constant 4 : i32
      %mul3A_82 = arith.muli %scan3A_67, %mul3A_81 : i32
      %add3A_83 = arith.constant 1 : i32
      %add3A_84 = arith.addi %mul3A_82, %add3A_83 : i32
      %dma_wait3A_85 = arith.constant 0 : i32
      %dma_wait3A_86 = tpu.memref_slice %arg6[%add3A_84, %dma_wait3A_85] : memref<80x128xi32, #tpu.memory_space<vmem>> -> memref<1x128xi32, #tpu.memory_space<vmem>>
      %dma_wait3A_87 = tpu.memref_squeeze %dma_wait3A_86 : memref<1x128xi32, #tpu.memory_space<vmem>> -> memref<128xi32, #tpu.memory_space<vmem>>
      %dma_wait3A_88 = arith.constant 0 : i32
      %dma_wait3A_89 = arith.constant 0 : i32
      %dma_wait3A_90 = tpu.memref_slice %arg3[%dma_wait3A_88, %dma_wait3A_89] : memref<10240x64xf32, #tpu.memory_space<hbm>> -> memref<10240x64xf32, #tpu.memory_space<hbm>>
      tpu.wait_indirect_dma semaphore(%arg15 : memref<!tpu.dma_semaphore, #tpu.memory_space<semaphore_mem>>) src(%dma_wait3A_90 : memref<10240x64xf32, #tpu.memory_space<hbm>>) dst(%arg9 : memref<128x64xf32, #tpu.memory_space<vmem>>)
      "tpu.region"() ({
        %run_scoped3A_132 = tpu.sem_alloc : memref<!tpu.dma_semaphore, #tpu.memory_space<semaphore_mem>>
        %dma_start3A_133 = arith.constant 0 : i32
        %dma_start3A_134 = tpu.memref_slice %arg7[%add3A_84, %dma_start3A_133] : memref<80x128xi32, #tpu.memory_space<vmem>> -> memref<1x128xi32, #tpu.memory_space<vmem>>
        %dma_start3A_135 = tpu.memref_squeeze %dma_start3A_134 : memref<1x128xi32, #tpu.memory_space<vmem>> -> memref<128xi32, #tpu.memory_space<vmem>>
        %dma_start3A_136 = arith.constant 0 : i32
        %dma_start3A_137 = arith.constant 0 : i32
        %dma_start3A_138 = tpu.memref_slice %arg13[%dma_start3A_136, %dma_start3A_137] : memref<10240x64xf32, #tpu.memory_space<vmem_shared>> -> memref<10240x64xf32, #tpu.memory_space<vmem_shared>>
        tpu.enqueue_indirect_dma source(%arg9 : memref<128x64xf32, #tpu.memory_space<vmem>>) target(%dma_start3A_138 : memref<10240x64xf32, #tpu.memory_space<vmem_shared>>) offsets(%dma_start3A_135 : memref<128xi32, #tpu.memory_space<vmem>>) semaphore(%run_scoped3A_132 : memref<!tpu.dma_semaphore, #tpu.memory_space<semaphore_mem>>) {add = true}
        %dma_wait3A_139 = arith.constant 0 : i32
        %dma_wait3A_140 = tpu.memref_slice %arg7[%add3A_84, %dma_wait3A_139] : memref<80x128xi32, #tpu.memory_space<vmem>> -> memref<1x128xi32, #tpu.memory_space<vmem>>
        %dma_wait3A_141 = tpu.memref_squeeze %dma_wait3A_140 : memref<1x128xi32, #tpu.memory_space<vmem>> -> memref<128xi32, #tpu.memory_space<vmem>>
        %dma_wait3A_142 = arith.constant 0 : i32
        %dma_wait3A_143 = arith.constant 0 : i32
        %dma_wait3A_144 = tpu.memref_slice %arg13[%dma_wait3A_142, %dma_wait3A_143] : memref<10240x64xf32, #tpu.memory_space<vmem_shared>> -> memref<10240x64xf32, #tpu.memory_space<vmem_shared>>
        tpu.wait_indirect_dma semaphore(%run_scoped3A_132 : memref<!tpu.dma_semaphore, #tpu.memory_space<semaphore_mem>>) src(%arg9 : memref<128x64xf32, #tpu.memory_space<vmem>>) dst(%dma_wait3A_144 : memref<10240x64xf32, #tpu.memory_space<vmem_shared>>)
        tpu.yield
      }) : () -> ()
      %add3A_91 = arith.constant 4 : i32
      %add3A_92 = arith.addi %add3A_84, %add3A_91 : i32
      %lt3A_93 = arith.constant 80 : i32
      %lt3A_94 = arith.cmpi slt, %add3A_92, %lt3A_93 : i32
      %convert_element_type3A_95 = arith.extui %lt3A_94 : i1 to i32
      %cond3A_96 = arith.constant 0 : i32
      %cond3A_97 = arith.cmpi ne, %convert_element_type3A_95, %cond3A_96 : i32
      scf.if %cond3A_97 {
        %add3A_132 = arith.constant 4 : i32
        %add3A_133 = arith.addi %add3A_84, %add3A_132 : i32
        %dma_start3A_134 = arith.constant 0 : i32
        %dma_start3A_135 = tpu.memref_slice %arg6[%add3A_133, %dma_start3A_134] : memref<80x128xi32, #tpu.memory_space<vmem>> -> memref<1x128xi32, #tpu.memory_space<vmem>>
        %dma_start3A_136 = tpu.memref_squeeze %dma_start3A_135 : memref<1x128xi32, #tpu.memory_space<vmem>> -> memref<128xi32, #tpu.memory_space<vmem>>
        %dma_start3A_137 = arith.constant 0 : i32
        %dma_start3A_138 = arith.constant 0 : i32
        %dma_start3A_139 = tpu.memref_slice %arg3[%dma_start3A_137, %dma_start3A_138] : memref<10240x64xf32, #tpu.memory_space<hbm>> -> memref<10240x64xf32, #tpu.memory_space<hbm>>
        tpu.enqueue_indirect_dma source(%dma_start3A_139 : memref<10240x64xf32, #tpu.memory_space<hbm>>) target(%arg9 : memref<128x64xf32, #tpu.memory_space<vmem>>) offsets(%dma_start3A_136 : memref<128xi32, #tpu.memory_space<vmem>>) semaphore(%arg15 : memref<!tpu.dma_semaphore, #tpu.memory_space<semaphore_mem>>)
      } else {
      }
      %mul3A_98 = arith.constant 4 : i32
      %mul3A_99 = arith.muli %scan3A_67, %mul3A_98 : i32
      %add3A_100 = arith.constant 2 : i32
      %add3A_101 = arith.addi %mul3A_99, %add3A_100 : i32
      %dma_wait3A_102 = arith.constant 0 : i32
      %dma_wait3A_103 = tpu.memref_slice %arg6[%add3A_101, %dma_wait3A_102] : memref<80x128xi32, #tpu.memory_space<vmem>> -> memref<1x128xi32, #tpu.memory_space<vmem>>
      %dma_wait3A_104 = tpu.memref_squeeze %dma_wait3A_103 : memref<1x128xi32, #tpu.memory_space<vmem>> -> memref<128xi32, #tpu.memory_space<vmem>>
      %dma_wait3A_105 = arith.constant 0 : i32
      %dma_wait3A_106 = arith.constant 0 : i32
      %dma_wait3A_107 = tpu.memref_slice %arg3[%dma_wait3A_105, %dma_wait3A_106] : memref<10240x64xf32, #tpu.memory_space<hbm>> -> memref<10240x64xf32, #tpu.memory_space<hbm>>
      tpu.wait_indirect_dma semaphore(%arg16 : memref<!tpu.dma_semaphore, #tpu.memory_space<semaphore_mem>>) src(%dma_wait3A_107 : memref<10240x64xf32, #tpu.memory_space<hbm>>) dst(%arg10 : memref<128x64xf32, #tpu.memory_space<vmem>>)
      "tpu.region"() ({
        %run_scoped3A_132 = tpu.sem_alloc : memref<!tpu.dma_semaphore, #tpu.memory_space<semaphore_mem>>
        %dma_start3A_133 = arith.constant 0 : i32
        %dma_start3A_134 = tpu.memref_slice %arg7[%add3A_101, %dma_start3A_133] : memref<80x128xi32, #tpu.memory_space<vmem>> -> memref<1x128xi32, #tpu.memory_space<vmem>>
        %dma_start3A_135 = tpu.memref_squeeze %dma_start3A_134 : memref<1x128xi32, #tpu.memory_space<vmem>> -> memref<128xi32, #tpu.memory_space<vmem>>
        %dma_start3A_136 = arith.constant 0 : i32
        %dma_start3A_137 = arith.constant 0 : i32
        %dma_start3A_138 = tpu.memref_slice %arg13[%dma_start3A_136, %dma_start3A_137] : memref<10240x64xf32, #tpu.memory_space<vmem_shared>> -> memref<10240x64xf32, #tpu.memory_space<vmem_shared>>
        tpu.enqueue_indirect_dma source(%arg10 : memref<128x64xf32, #tpu.memory_space<vmem>>) target(%dma_start3A_138 : memref<10240x64xf32, #tpu.memory_space<vmem_shared>>) offsets(%dma_start3A_135 : memref<128xi32, #tpu.memory_space<vmem>>) semaphore(%run_scoped3A_132 : memref<!tpu.dma_semaphore, #tpu.memory_space<semaphore_mem>>) {add = true}
        %dma_wait3A_139 = arith.constant 0 : i32
        %dma_wait3A_140 = tpu.memref_slice %arg7[%add3A_101, %dma_wait3A_139] : memref<80x128xi32, #tpu.memory_space<vmem>> -> memref<1x128xi32, #tpu.memory_space<vmem>>
        %dma_wait3A_141 = tpu.memref_squeeze %dma_wait3A_140 : memref<1x128xi32, #tpu.memory_space<vmem>> -> memref<128xi32, #tpu.memory_space<vmem>>
        %dma_wait3A_142 = arith.constant 0 : i32
        %dma_wait3A_143 = arith.constant 0 : i32
        %dma_wait3A_144 = tpu.memref_slice %arg13[%dma_wait3A_142, %dma_wait3A_143] : memref<10240x64xf32, #tpu.memory_space<vmem_shared>> -> memref<10240x64xf32, #tpu.memory_space<vmem_shared>>
        tpu.wait_indirect_dma semaphore(%run_scoped3A_132 : memref<!tpu.dma_semaphore, #tpu.memory_space<semaphore_mem>>) src(%arg10 : memref<128x64xf32, #tpu.memory_space<vmem>>) dst(%dma_wait3A_144 : memref<10240x64xf32, #tpu.memory_space<vmem_shared>>)
        tpu.yield
      }) : () -> ()
      %add3A_108 = arith.constant 4 : i32
      %add3A_109 = arith.addi %add3A_101, %add3A_108 : i32
      %lt3A_110 = arith.constant 80 : i32
      %lt3A_111 = arith.cmpi slt, %add3A_109, %lt3A_110 : i32
      %convert_element_type3A_112 = arith.extui %lt3A_111 : i1 to i32
      %cond3A_113 = arith.constant 0 : i32
      %cond3A_114 = arith.cmpi ne, %convert_element_type3A_112, %cond3A_113 : i32
      scf.if %cond3A_114 {
        %add3A_132 = arith.constant 4 : i32
        %add3A_133 = arith.addi %add3A_101, %add3A_132 : i32
        %dma_start3A_134 = arith.constant 0 : i32
        %dma_start3A_135 = tpu.memref_slice %arg6[%add3A_133, %dma_start3A_134] : memref<80x128xi32, #tpu.memory_space<vmem>> -> memref<1x128xi32, #tpu.memory_space<vmem>>
        %dma_start3A_136 = tpu.memref_squeeze %dma_start3A_135 : memref<1x128xi32, #tpu.memory_space<vmem>> -> memref<128xi32, #tpu.memory_space<vmem>>
        %dma_start3A_137 = arith.constant 0 : i32
        %dma_start3A_138 = arith.constant 0 : i32
        %dma_start3A_139 = tpu.memref_slice %arg3[%dma_start3A_137, %dma_start3A_138] : memref<10240x64xf32, #tpu.memory_space<hbm>> -> memref<10240x64xf32, #tpu.memory_space<hbm>>
        tpu.enqueue_indirect_dma source(%dma_start3A_139 : memref<10240x64xf32, #tpu.memory_space<hbm>>) target(%arg10 : memref<128x64xf32, #tpu.memory_space<vmem>>) offsets(%dma_start3A_136 : memref<128xi32, #tpu.memory_space<vmem>>) semaphore(%arg16 : memref<!tpu.dma_semaphore, #tpu.memory_space<semaphore_mem>>)
      } else {
      }
      %mul3A_115 = arith.constant 4 : i32
      %mul3A_116 = arith.muli %scan3A_67, %mul3A_115 : i32
      %add3A_117 = arith.constant 3 : i32
      %add3A_118 = arith.addi %mul3A_116, %add3A_117 : i32
      %dma_wait3A_119 = arith.constant 0 : i32
      %dma_wait3A_120 = tpu.memref_slice %arg6[%add3A_118, %dma_wait3A_119] : memref<80x128xi32, #tpu.memory_space<vmem>> -> memref<1x128xi32, #tpu.memory_space<vmem>>
      %dma_wait3A_121 = tpu.memref_squeeze %dma_wait3A_120 : memref<1x128xi32, #tpu.memory_space<vmem>> -> memref<128xi32, #tpu.memory_space<vmem>>
      %dma_wait3A_122 = arith.constant 0 : i32
      %dma_wait3A_123 = arith.constant 0 : i32
      %dma_wait3A_124 = tpu.memref_slice %arg3[%dma_wait3A_122, %dma_wait3A_123] : memref<10240x64xf32, #tpu.memory_space<hbm>> -> memref<10240x64xf32, #tpu.memory_space<hbm>>
      tpu.wait_indirect_dma semaphore(%arg17 : memref<!tpu.dma_semaphore, #tpu.memory_space<semaphore_mem>>) src(%dma_wait3A_124 : memref<10240x64xf32, #tpu.memory_space<hbm>>) dst(%arg11 : memref<128x64xf32, #tpu.memory_space<vmem>>)
      "tpu.region"() ({
        %run_scoped3A_132 = tpu.sem_alloc : memref<!tpu.dma_semaphore, #tpu.memory_space<semaphore_mem>>
        %dma_start3A_133 = arith.constant 0 : i32
        %dma_start3A_134 = tpu.memref_slice %arg7[%add3A_118, %dma_start3A_133] : memref<80x128xi32, #tpu.memory_space<vmem>> -> memref<1x128xi32, #tpu.memory_space<vmem>>
        %dma_start3A_135 = tpu.memref_squeeze %dma_start3A_134 : memref<1x128xi32, #tpu.memory_space<vmem>> -> memref<128xi32, #tpu.memory_space<vmem>>
        %dma_start3A_136 = arith.constant 0 : i32
        %dma_start3A_137 = arith.constant 0 : i32
        %dma_start3A_138 = tpu.memref_slice %arg13[%dma_start3A_136, %dma_start3A_137] : memref<10240x64xf32, #tpu.memory_space<vmem_shared>> -> memref<10240x64xf32, #tpu.memory_space<vmem_shared>>
        tpu.enqueue_indirect_dma source(%arg11 : memref<128x64xf32, #tpu.memory_space<vmem>>) target(%dma_start3A_138 : memref<10240x64xf32, #tpu.memory_space<vmem_shared>>) offsets(%dma_start3A_135 : memref<128xi32, #tpu.memory_space<vmem>>) semaphore(%run_scoped3A_132 : memref<!tpu.dma_semaphore, #tpu.memory_space<semaphore_mem>>) {add = true}
        %dma_wait3A_139 = arith.constant 0 : i32
        %dma_wait3A_140 = tpu.memref_slice %arg7[%add3A_118, %dma_wait3A_139] : memref<80x128xi32, #tpu.memory_space<vmem>> -> memref<1x128xi32, #tpu.memory_space<vmem>>
        %dma_wait3A_141 = tpu.memref_squeeze %dma_wait3A_140 : memref<1x128xi32, #tpu.memory_space<vmem>> -> memref<128xi32, #tpu.memory_space<vmem>>
        %dma_wait3A_142 = arith.constant 0 : i32
        %dma_wait3A_143 = arith.constant 0 : i32
        %dma_wait3A_144 = tpu.memref_slice %arg13[%dma_wait3A_142, %dma_wait3A_143] : memref<10240x64xf32, #tpu.memory_space<vmem_shared>> -> memref<10240x64xf32, #tpu.memory_space<vmem_shared>>
        tpu.wait_indirect_dma semaphore(%run_scoped3A_132 : memref<!tpu.dma_semaphore, #tpu.memory_space<semaphore_mem>>) src(%arg11 : memref<128x64xf32, #tpu.memory_space<vmem>>) dst(%dma_wait3A_144 : memref<10240x64xf32, #tpu.memory_space<vmem_shared>>)
        tpu.yield
      }) : () -> ()
      %add3A_125 = arith.constant 4 : i32
      %add3A_126 = arith.addi %add3A_118, %add3A_125 : i32
      %lt3A_127 = arith.constant 80 : i32
      %lt3A_128 = arith.cmpi slt, %add3A_126, %lt3A_127 : i32
      %convert_element_type3A_129 = arith.extui %lt3A_128 : i1 to i32
      %cond3A_130 = arith.constant 0 : i32
      %cond3A_131 = arith.cmpi ne, %convert_element_type3A_129, %cond3A_130 : i32
      scf.if %cond3A_131 {
        %add3A_132 = arith.constant 4 : i32
        %add3A_133 = arith.addi %add3A_118, %add3A_132 : i32
        %dma_start3A_134 = arith.constant 0 : i32
        %dma_start3A_135 = tpu.memref_slice %arg6[%add3A_133, %dma_start3A_134] : memref<80x128xi32, #tpu.memory_space<vmem>> -> memref<1x128xi32, #tpu.memory_space<vmem>>
        %dma_start3A_136 = tpu.memref_squeeze %dma_start3A_135 : memref<1x128xi32, #tpu.memory_space<vmem>> -> memref<128xi32, #tpu.memory_space<vmem>>
        %dma_start3A_137 = arith.constant 0 : i32
        %dma_start3A_138 = arith.constant 0 : i32
        %dma_start3A_139 = tpu.memref_slice %arg3[%dma_start3A_137, %dma_start3A_138] : memref<10240x64xf32, #tpu.memory_space<hbm>> -> memref<10240x64xf32, #tpu.memory_space<hbm>>
        tpu.enqueue_indirect_dma source(%dma_start3A_139 : memref<10240x64xf32, #tpu.memory_space<hbm>>) target(%arg11 : memref<128x64xf32, #tpu.memory_space<vmem>>) offsets(%dma_start3A_136 : memref<128xi32, #tpu.memory_space<vmem>>) semaphore(%arg17 : memref<!tpu.dma_semaphore, #tpu.memory_space<semaphore_mem>>)
      } else {
      }
    }
    %scan3A_45 = arith.constant 20 : i32
    %barrier3A_46 = arith.constant 0 : index
    tpu.barrier barrier_id(%barrier3A_46)
    %add3A_47 = arith.constant 0 : i32
    %add3A_48 = arith.addi %mul3A_3, %add3A_47 : i32
    "tpu.region"() ({
      %run_scoped3A_67 = tpu.sem_alloc : memref<!tpu.dma_semaphore, #tpu.memory_space<semaphore_mem>>
      %dma_start3A_68 = arith.constant 0 : i32
      %dma_start3A_69 = tpu.memref_slice %arg13[%add3A_48, %dma_start3A_68] : memref<10240x64xf32, #tpu.memory_space<vmem_shared>> -> memref<128x64xf32, #tpu.memory_space<vmem_shared>>
      %dma_start3A_70 = arith.constant 0 : i32
      %dma_start3A_71 = tpu.memref_slice %arg13[%add3A_48, %dma_start3A_70] : memref<10240x64xf32, #tpu.memory_space<vmem_shared>> -> memref<128x64xf32, #tpu.memory_space<vmem_shared>>
      tpu.enqueue_dma source(%dma_start3A_71 : memref<128x64xf32, #tpu.memory_space<vmem_shared>>) target(%arg12 : memref<128x64xf32, #tpu.memory_space<vmem>>) target_semaphore(%run_scoped3A_67 : memref<!tpu.dma_semaphore, #tpu.memory_space<semaphore_mem>>)
      %dma_wait3A = arith.constant 0 : i32
      %dma_wait3A_72 = tpu.memref_slice %arg13[%add3A_48, %dma_wait3A] : memref<10240x64xf32, #tpu.memory_space<vmem_shared>> -> memref<128x64xf32, #tpu.memory_space<vmem_shared>>
      %dma_wait3A_73 = arith.constant 0 : i32
      %dma_wait3A_74 = tpu.memref_slice %arg13[%add3A_48, %dma_wait3A_73] : memref<10240x64xf32, #tpu.memory_space<vmem_shared>> -> memref<128x64xf32, #tpu.memory_space<vmem_shared>>
      tpu.wait_dma2 semaphore(%run_scoped3A_67 : memref<!tpu.dma_semaphore, #tpu.memory_space<semaphore_mem>>) src(%dma_wait3A_74 : memref<128x64xf32, #tpu.memory_space<vmem_shared>>) dst(%arg12 : memref<128x64xf32, #tpu.memory_space<vmem>>)
      tpu.yield
    }) : () -> ()
    %add3A_49 = arith.constant 0 : i32
    %add3A_50 = arith.addi %mul3A_3, %add3A_49 : i32
    "tpu.region"() ({
      %run_scoped3A_67 = tpu.sem_alloc : memref<!tpu.dma_semaphore, #tpu.memory_space<semaphore_mem>>
      %dma_start3A_68 = arith.constant 0 : i32
      %dma_start3A_69 = tpu.memref_slice %arg5[%arg0, %add3A_50, %dma_start3A_68] : memref<2x10240x64xf32, #tpu.memory_space<hbm>> -> memref<1x128x64xf32, #tpu.memory_space<hbm>>
      %dma_start3A_70 = tpu.memref_squeeze %dma_start3A_69 : memref<1x128x64xf32, #tpu.memory_space<hbm>> -> memref<128x64xf32, #tpu.memory_space<hbm>>
      %dma_start3A_71 = arith.constant 0 : i32
      %dma_start3A_72 = tpu.memref_slice %arg5[%arg0, %add3A_50, %dma_start3A_71] : memref<2x10240x64xf32, #tpu.memory_space<hbm>> -> memref<1x128x64xf32, #tpu.memory_space<hbm>>
      %dma_start3A_73 = tpu.memref_squeeze %dma_start3A_72 : memref<1x128x64xf32, #tpu.memory_space<hbm>> -> memref<128x64xf32, #tpu.memory_space<hbm>>
      tpu.enqueue_dma source(%arg12 : memref<128x64xf32, #tpu.memory_space<vmem>>) target(%dma_start3A_73 : memref<128x64xf32, #tpu.memory_space<hbm>>) target_semaphore(%run_scoped3A_67 : memref<!tpu.dma_semaphore, #tpu.memory_space<semaphore_mem>>)
      %dma_wait3A = arith.constant 0 : i32
      %dma_wait3A_74 = tpu.memref_slice %arg5[%arg0, %add3A_50, %dma_wait3A] : memref<2x10240x64xf32, #tpu.memory_space<hbm>> -> memref<1x128x64xf32, #tpu.memory_space<hbm>>
      %dma_wait3A_75 = tpu.memref_squeeze %dma_wait3A_74 : memref<1x128x64xf32, #tpu.memory_space<hbm>> -> memref<128x64xf32, #tpu.memory_space<hbm>>
      %dma_wait3A_76 = arith.constant 0 : i32
      %dma_wait3A_77 = tpu.memref_slice %arg5[%arg0, %add3A_50, %dma_wait3A_76] : memref<2x10240x64xf32, #tpu.memory_space<hbm>> -> memref<1x128x64xf32, #tpu.memory_space<hbm>>
      %dma_wait3A_78 = tpu.memref_squeeze %dma_wait3A_77 : memref<1x128x64xf32, #tpu.memory_space<hbm>> -> memref<128x64xf32, #tpu.memory_space<hbm>>
      tpu.wait_dma2 semaphore(%run_scoped3A_67 : memref<!tpu.dma_semaphore, #tpu.memory_space<semaphore_mem>>) src(%arg12 : memref<128x64xf32, #tpu.memory_space<vmem>>) dst(%dma_wait3A_78 : memref<128x64xf32, #tpu.memory_space<hbm>>)
      tpu.yield
    }) : () -> ()
    %add3A_51 = arith.constant 128 : i32
    %add3A_52 = arith.addi %mul3A_3, %add3A_51 : i32
    "tpu.region"() ({
      %run_scoped3A_67 = tpu.sem_alloc : memref<!tpu.dma_semaphore, #tpu.memory_space<semaphore_mem>>
      %dma_start3A_68 = arith.constant 0 : i32
      %dma_start3A_69 = tpu.memref_slice %arg13[%add3A_52, %dma_start3A_68] : memref<10240x64xf32, #tpu.memory_space<vmem_shared>> -> memref<128x64xf32, #tpu.memory_space<vmem_shared>>
      %dma_start3A_70 = arith.constant 0 : i32
      %dma_start3A_71 = tpu.memref_slice %arg13[%add3A_52, %dma_start3A_70] : memref<10240x64xf32, #tpu.memory_space<vmem_shared>> -> memref<128x64xf32, #tpu.memory_space<vmem_shared>>
      tpu.enqueue_dma source(%dma_start3A_71 : memref<128x64xf32, #tpu.memory_space<vmem_shared>>) target(%arg12 : memref<128x64xf32, #tpu.memory_space<vmem>>) target_semaphore(%run_scoped3A_67 : memref<!tpu.dma_semaphore, #tpu.memory_space<semaphore_mem>>)
      %dma_wait3A = arith.constant 0 : i32
      %dma_wait3A_72 = tpu.memref_slice %arg13[%add3A_52, %dma_wait3A] : memref<10240x64xf32, #tpu.memory_space<vmem_shared>> -> memref<128x64xf32, #tpu.memory_space<vmem_shared>>
      %dma_wait3A_73 = arith.constant 0 : i32
      %dma_wait3A_74 = tpu.memref_slice %arg13[%add3A_52, %dma_wait3A_73] : memref<10240x64xf32, #tpu.memory_space<vmem_shared>> -> memref<128x64xf32, #tpu.memory_space<vmem_shared>>
      tpu.wait_dma2 semaphore(%run_scoped3A_67 : memref<!tpu.dma_semaphore, #tpu.memory_space<semaphore_mem>>) src(%dma_wait3A_74 : memref<128x64xf32, #tpu.memory_space<vmem_shared>>) dst(%arg12 : memref<128x64xf32, #tpu.memory_space<vmem>>)
      tpu.yield
    }) : () -> ()
    %add3A_53 = arith.constant 128 : i32
    %add3A_54 = arith.addi %mul3A_3, %add3A_53 : i32
    "tpu.region"() ({
      %run_scoped3A_67 = tpu.sem_alloc : memref<!tpu.dma_semaphore, #tpu.memory_space<semaphore_mem>>
      %dma_start3A_68 = arith.constant 0 : i32
      %dma_start3A_69 = tpu.memref_slice %arg5[%arg0, %add3A_54, %dma_start3A_68] : memref<2x10240x64xf32, #tpu.memory_space<hbm>> -> memref<1x128x64xf32, #tpu.memory_space<hbm>>
      %dma_start3A_70 = tpu.memref_squeeze %dma_start3A_69 : memref<1x128x64xf32, #tpu.memory_space<hbm>> -> memref<128x64xf32, #tpu.memory_space<hbm>>
      %dma_start3A_71 = arith.constant 0 : i32
      %dma_start3A_72 = tpu.memref_slice %arg5[%arg0, %add3A_54, %dma_start3A_71] : memref<2x10240x64xf32, #tpu.memory_space<hbm>> -> memref<1x128x64xf32, #tpu.memory_space<hbm>>
      %dma_start3A_73 = tpu.memref_squeeze %dma_start3A_72 : memref<1x128x64xf32, #tpu.memory_space<hbm>> -> memref<128x64xf32, #tpu.memory_space<hbm>>
      tpu.enqueue_dma source(%arg12 : memref<128x64xf32, #tpu.memory_space<vmem>>) target(%dma_start3A_73 : memref<128x64xf32, #tpu.memory_space<hbm>>) target_semaphore(%run_scoped3A_67 : memref<!tpu.dma_semaphore, #tpu.memory_space<semaphore_mem>>)
      %dma_wait3A = arith.constant 0 : i32
      %dma_wait3A_74 = tpu.memref_slice %arg5[%arg0, %add3A_54, %dma_wait3A] : memref<2x10240x64xf32, #tpu.memory_space<hbm>> -> memref<1x128x64xf32, #tpu.memory_space<hbm>>
      %dma_wait3A_75 = tpu.memref_squeeze %dma_wait3A_74 : memref<1x128x64xf32, #tpu.memory_space<hbm>> -> memref<128x64xf32, #tpu.memory_space<hbm>>
      %dma_wait3A_76 = arith.constant 0 : i32
      %dma_wait3A_77 = tpu.memref_slice %arg5[%arg0, %add3A_54, %dma_wait3A_76] : memref<2x10240x64xf32, #tpu.memory_space<hbm>> -> memref<1x128x64xf32, #tpu.memory_space<hbm>>
      %dma_wait3A_78 = tpu.memref_squeeze %dma_wait3A_77 : memref<1x128x64xf32, #tpu.memory_space<hbm>> -> memref<128x64xf32, #tpu.memory_space<hbm>>
      tpu.wait_dma2 semaphore(%run_scoped3A_67 : memref<!tpu.dma_semaphore, #tpu.memory_space<semaphore_mem>>) src(%arg12 : memref<128x64xf32, #tpu.memory_space<vmem>>) dst(%dma_wait3A_78 : memref<128x64xf32, #tpu.memory_space<hbm>>)
      tpu.yield
    }) : () -> ()
    %add3A_55 = arith.constant 256 : i32
    %add3A_56 = arith.addi %mul3A_3, %add3A_55 : i32
    "tpu.region"() ({
      %run_scoped3A_67 = tpu.sem_alloc : memref<!tpu.dma_semaphore, #tpu.memory_space<semaphore_mem>>
      %dma_start3A_68 = arith.constant 0 : i32
      %dma_start3A_69 = tpu.memref_slice %arg13[%add3A_56, %dma_start3A_68] : memref<10240x64xf32, #tpu.memory_space<vmem_shared>> -> memref<128x64xf32, #tpu.memory_space<vmem_shared>>
      %dma_start3A_70 = arith.constant 0 : i32
      %dma_start3A_71 = tpu.memref_slice %arg13[%add3A_56, %dma_start3A_70] : memref<10240x64xf32, #tpu.memory_space<vmem_shared>> -> memref<128x64xf32, #tpu.memory_space<vmem_shared>>
      tpu.enqueue_dma source(%dma_start3A_71 : memref<128x64xf32, #tpu.memory_space<vmem_shared>>) target(%arg12 : memref<128x64xf32, #tpu.memory_space<vmem>>) target_semaphore(%run_scoped3A_67 : memref<!tpu.dma_semaphore, #tpu.memory_space<semaphore_mem>>)
      %dma_wait3A = arith.constant 0 : i32
      %dma_wait3A_72 = tpu.memref_slice %arg13[%add3A_56, %dma_wait3A] : memref<10240x64xf32, #tpu.memory_space<vmem_shared>> -> memref<128x64xf32, #tpu.memory_space<vmem_shared>>
      %dma_wait3A_73 = arith.constant 0 : i32
      %dma_wait3A_74 = tpu.memref_slice %arg13[%add3A_56, %dma_wait3A_73] : memref<10240x64xf32, #tpu.memory_space<vmem_shared>> -> memref<128x64xf32, #tpu.memory_space<vmem_shared>>
      tpu.wait_dma2 semaphore(%run_scoped3A_67 : memref<!tpu.dma_semaphore, #tpu.memory_space<semaphore_mem>>) src(%dma_wait3A_74 : memref<128x64xf32, #tpu.memory_space<vmem_shared>>) dst(%arg12 : memref<128x64xf32, #tpu.memory_space<vmem>>)
      tpu.yield
    }) : () -> ()
    %add3A_57 = arith.constant 256 : i32
    %add3A_58 = arith.addi %mul3A_3, %add3A_57 : i32
    "tpu.region"() ({
      %run_scoped3A_67 = tpu.sem_alloc : memref<!tpu.dma_semaphore, #tpu.memory_space<semaphore_mem>>
      %dma_start3A_68 = arith.constant 0 : i32
      %dma_start3A_69 = tpu.memref_slice %arg5[%arg0, %add3A_58, %dma_start3A_68] : memref<2x10240x64xf32, #tpu.memory_space<hbm>> -> memref<1x128x64xf32, #tpu.memory_space<hbm>>
      %dma_start3A_70 = tpu.memref_squeeze %dma_start3A_69 : memref<1x128x64xf32, #tpu.memory_space<hbm>> -> memref<128x64xf32, #tpu.memory_space<hbm>>
      %dma_start3A_71 = arith.constant 0 : i32
      %dma_start3A_72 = tpu.memref_slice %arg5[%arg0, %add3A_58, %dma_start3A_71] : memref<2x10240x64xf32, #tpu.memory_space<hbm>> -> memref<1x128x64xf32, #tpu.memory_space<hbm>>
      %dma_start3A_73 = tpu.memref_squeeze %dma_start3A_72 : memref<1x128x64xf32, #tpu.memory_space<hbm>> -> memref<128x64xf32, #tpu.memory_space<hbm>>
      tpu.enqueue_dma source(%arg12 : memref<128x64xf32, #tpu.memory_space<vmem>>) target(%dma_start3A_73 : memref<128x64xf32, #tpu.memory_space<hbm>>) target_semaphore(%run_scoped3A_67 : memref<!tpu.dma_semaphore, #tpu.memory_space<semaphore_mem>>)
      %dma_wait3A = arith.constant 0 : i32
      %dma_wait3A_74 = tpu.memref_slice %arg5[%arg0, %add3A_58, %dma_wait3A] : memref<2x10240x64xf32, #tpu.memory_space<hbm>> -> memref<1x128x64xf32, #tpu.memory_space<hbm>>
      %dma_wait3A_75 = tpu.memref_squeeze %dma_wait3A_74 : memref<1x128x64xf32, #tpu.memory_space<hbm>> -> memref<128x64xf32, #tpu.memory_space<hbm>>
      %dma_wait3A_76 = arith.constant 0 : i32
      %dma_wait3A_77 = tpu.memref_slice %arg5[%arg0, %add3A_58, %dma_wait3A_76] : memref<2x10240x64xf32, #tpu.memory_space<hbm>> -> memref<1x128x64xf32, #tpu.memory_space<hbm>>
      %dma_wait3A_78 = tpu.memref_squeeze %dma_wait3A_77 : memref<1x128x64xf32, #tpu.memory_space<hbm>> -> memref<128x64xf32, #tpu.memory_space<hbm>>
      tpu.wait_dma2 semaphore(%run_scoped3A_67 : memref<!tpu.dma_semaphore, #tpu.memory_space<semaphore_mem>>) src(%arg12 : memref<128x64xf32, #tpu.memory_space<vmem>>) dst(%dma_wait3A_78 : memref<128x64xf32, #tpu.memory_space<hbm>>)
      tpu.yield
    }) : () -> ()
    %add3A_59 = arith.constant 384 : i32
    %add3A_60 = arith.addi %mul3A_3, %add3A_59 : i32
    "tpu.region"() ({
      %run_scoped3A_67 = tpu.sem_alloc : memref<!tpu.dma_semaphore, #tpu.memory_space<semaphore_mem>>
      %dma_start3A_68 = arith.constant 0 : i32
      %dma_start3A_69 = tpu.memref_slice %arg13[%add3A_60, %dma_start3A_68] : memref<10240x64xf32, #tpu.memory_space<vmem_shared>> -> memref<128x64xf32, #tpu.memory_space<vmem_shared>>
      %dma_start3A_70 = arith.constant 0 : i32
      %dma_start3A_71 = tpu.memref_slice %arg13[%add3A_60, %dma_start3A_70] : memref<10240x64xf32, #tpu.memory_space<vmem_shared>> -> memref<128x64xf32, #tpu.memory_space<vmem_shared>>
      tpu.enqueue_dma source(%dma_start3A_71 : memref<128x64xf32, #tpu.memory_space<vmem_shared>>) target(%arg12 : memref<128x64xf32, #tpu.memory_space<vmem>>) target_semaphore(%run_scoped3A_67 : memref<!tpu.dma_semaphore, #tpu.memory_space<semaphore_mem>>)
      %dma_wait3A = arith.constant 0 : i32
      %dma_wait3A_72 = tpu.memref_slice %arg13[%add3A_60, %dma_wait3A] : memref<10240x64xf32, #tpu.memory_space<vmem_shared>> -> memref<128x64xf32, #tpu.memory_space<vmem_shared>>
      %dma_wait3A_73 = arith.constant 0 : i32
      %dma_wait3A_74 = tpu.memref_slice %arg13[%add3A_60, %dma_wait3A_73] : memref<10240x64xf32, #tpu.memory_space<vmem_shared>> -> memref<128x64xf32, #tpu.memory_space<vmem_shared>>
      tpu.wait_dma2 semaphore(%run_scoped3A_67 : memref<!tpu.dma_semaphore, #tpu.memory_space<semaphore_mem>>) src(%dma_wait3A_74 : memref<128x64xf32, #tpu.memory_space<vmem_shared>>) dst(%arg12 : memref<128x64xf32, #tpu.memory_space<vmem>>)
      tpu.yield
    }) : () -> ()
    %add3A_61 = arith.constant 384 : i32
    %add3A_62 = arith.addi %mul3A_3, %add3A_61 : i32
    "tpu.region"() ({
      %run_scoped3A_67 = tpu.sem_alloc : memref<!tpu.dma_semaphore, #tpu.memory_space<semaphore_mem>>
      %dma_start3A_68 = arith.constant 0 : i32
      %dma_start3A_69 = tpu.memref_slice %arg5[%arg0, %add3A_62, %dma_start3A_68] : memref<2x10240x64xf32, #tpu.memory_space<hbm>> -> memref<1x128x64xf32, #tpu.memory_space<hbm>>
      %dma_start3A_70 = tpu.memref_squeeze %dma_start3A_69 : memref<1x128x64xf32, #tpu.memory_space<hbm>> -> memref<128x64xf32, #tpu.memory_space<hbm>>
      %dma_start3A_71 = arith.constant 0 : i32
      %dma_start3A_72 = tpu.memref_slice %arg5[%arg0, %add3A_62, %dma_start3A_71] : memref<2x10240x64xf32, #tpu.memory_space<hbm>> -> memref<1x128x64xf32, #tpu.memory_space<hbm>>
      %dma_start3A_73 = tpu.memref_squeeze %dma_start3A_72 : memref<1x128x64xf32, #tpu.memory_space<hbm>> -> memref<128x64xf32, #tpu.memory_space<hbm>>
      tpu.enqueue_dma source(%arg12 : memref<128x64xf32, #tpu.memory_space<vmem>>) target(%dma_start3A_73 : memref<128x64xf32, #tpu.memory_space<hbm>>) target_semaphore(%run_scoped3A_67 : memref<!tpu.dma_semaphore, #tpu.memory_space<semaphore_mem>>)
      %dma_wait3A = arith.constant 0 : i32
      %dma_wait3A_74 = tpu.memref_slice %arg5[%arg0, %add3A_62, %dma_wait3A] : memref<2x10240x64xf32, #tpu.memory_space<hbm>> -> memref<1x128x64xf32, #tpu.memory_space<hbm>>
      %dma_wait3A_75 = tpu.memref_squeeze %dma_wait3A_74 : memref<1x128x64xf32, #tpu.memory_space<hbm>> -> memref<128x64xf32, #tpu.memory_space<hbm>>
      %dma_wait3A_76 = arith.constant 0 : i32
      %dma_wait3A_77 = tpu.memref_slice %arg5[%arg0, %add3A_62, %dma_wait3A_76] : memref<2x10240x64xf32, #tpu.memory_space<hbm>> -> memref<1x128x64xf32, #tpu.memory_space<hbm>>
      %dma_wait3A_78 = tpu.memref_squeeze %dma_wait3A_77 : memref<1x128x64xf32, #tpu.memory_space<hbm>> -> memref<128x64xf32, #tpu.memory_space<hbm>>
      tpu.wait_dma2 semaphore(%run_scoped3A_67 : memref<!tpu.dma_semaphore, #tpu.memory_space<semaphore_mem>>) src(%arg12 : memref<128x64xf32, #tpu.memory_space<vmem>>) dst(%dma_wait3A_78 : memref<128x64xf32, #tpu.memory_space<hbm>>)
      tpu.yield
    }) : () -> ()
    %add3A_63 = arith.constant 512 : i32
    %add3A_64 = arith.addi %mul3A_3, %add3A_63 : i32
    "tpu.region"() ({
      %run_scoped3A_67 = tpu.sem_alloc : memref<!tpu.dma_semaphore, #tpu.memory_space<semaphore_mem>>
      %dma_start3A_68 = arith.constant 0 : i32
      %dma_start3A_69 = tpu.memref_slice %arg13[%add3A_64, %dma_start3A_68] : memref<10240x64xf32, #tpu.memory_space<vmem_shared>> -> memref<128x64xf32, #tpu.memory_space<vmem_shared>>
      %dma_start3A_70 = arith.constant 0 : i32
      %dma_start3A_71 = tpu.memref_slice %arg13[%add3A_64, %dma_start3A_70] : memref<10240x64xf32, #tpu.memory_space<vmem_shared>> -> memref<128x64xf32, #tpu.memory_space<vmem_shared>>
      tpu.enqueue_dma source(%dma_start3A_71 : memref<128x64xf32, #tpu.memory_space<vmem_shared>>) target(%arg12 : memref<128x64xf32, #tpu.memory_space<vmem>>) target_semaphore(%run_scoped3A_67 : memref<!tpu.dma_semaphore, #tpu.memory_space<semaphore_mem>>)
      %dma_wait3A = arith.constant 0 : i32
      %dma_wait3A_72 = tpu.memref_slice %arg13[%add3A_64, %dma_wait3A] : memref<10240x64xf32, #tpu.memory_space<vmem_shared>> -> memref<128x64xf32, #tpu.memory_space<vmem_shared>>
      %dma_wait3A_73 = arith.constant 0 : i32
      %dma_wait3A_74 = tpu.memref_slice %arg13[%add3A_64, %dma_wait3A_73] : memref<10240x64xf32, #tpu.memory_space<vmem_shared>> -> memref<128x64xf32, #tpu.memory_space<vmem_shared>>
      tpu.wait_dma2 semaphore(%run_scoped3A_67 : memref<!tpu.dma_semaphore, #tpu.memory_space<semaphore_mem>>) src(%dma_wait3A_74 : memref<128x64xf32, #tpu.memory_space<vmem_shared>>) dst(%arg12 : memref<128x64xf32, #tpu.memory_space<vmem>>)
      tpu.yield
    }) : () -> ()
    %add3A_65 = arith.constant 512 : i32
    %add3A_66 = arith.addi %mul3A_3, %add3A_65 : i32
    "tpu.region"() ({
      %run_scoped3A_67 = tpu.sem_alloc : memref<!tpu.dma_semaphore, #tpu.memory_space<semaphore_mem>>
      %dma_start3A_68 = arith.constant 0 : i32
      %dma_start3A_69 = tpu.memref_slice %arg5[%arg0, %add3A_66, %dma_start3A_68] : memref<2x10240x64xf32, #tpu.memory_space<hbm>> -> memref<1x128x64xf32, #tpu.memory_space<hbm>>
      %dma_start3A_70 = tpu.memref_squeeze %dma_start3A_69 : memref<1x128x64xf32, #tpu.memory_space<hbm>> -> memref<128x64xf32, #tpu.memory_space<hbm>>
      %dma_start3A_71 = arith.constant 0 : i32
      %dma_start3A_72 = tpu.memref_slice %arg5[%arg0, %add3A_66, %dma_start3A_71] : memref<2x10240x64xf32, #tpu.memory_space<hbm>> -> memref<1x128x64xf32, #tpu.memory_space<hbm>>
      %dma_start3A_73 = tpu.memref_squeeze %dma_start3A_72 : memref<1x128x64xf32, #tpu.memory_space<hbm>> -> memref<128x64xf32, #tpu.memory_space<hbm>>
      tpu.enqueue_dma source(%arg12 : memref<128x64xf32, #tpu.memory_space<vmem>>) target(%dma_start3A_73 : memref<128x64xf32, #tpu.memory_space<hbm>>) target_semaphore(%run_scoped3A_67 : memref<!tpu.dma_semaphore, #tpu.memory_space<semaphore_mem>>)
      %dma_wait3A = arith.constant 0 : i32
      %dma_wait3A_74 = tpu.memref_slice %arg5[%arg0, %add3A_66, %dma_wait3A] : memref<2x10240x64xf32, #tpu.memory_space<hbm>> -> memref<1x128x64xf32, #tpu.memory_space<hbm>>
      %dma_wait3A_75 = tpu.memref_squeeze %dma_wait3A_74 : memref<1x128x64xf32, #tpu.memory_space<hbm>> -> memref<128x64xf32, #tpu.memory_space<hbm>>
      %dma_wait3A_76 = arith.constant 0 : i32
      %dma_wait3A_77 = tpu.memref_slice %arg5[%arg0, %add3A_66, %dma_wait3A_76] : memref<2x10240x64xf32, #tpu.memory_space<hbm>> -> memref<1x128x64xf32, #tpu.memory_space<hbm>>
      %dma_wait3A_78 = tpu.memref_squeeze %dma_wait3A_77 : memref<1x128x64xf32, #tpu.memory_space<hbm>> -> memref<128x64xf32, #tpu.memory_space<hbm>>
      tpu.wait_dma2 semaphore(%run_scoped3A_67 : memref<!tpu.dma_semaphore, #tpu.memory_space<semaphore_mem>>) src(%arg12 : memref<128x64xf32, #tpu.memory_space<vmem>>) dst(%dma_wait3A_78 : memref<128x64xf32, #tpu.memory_space<hbm>>)
      tpu.yield
    }) : () -> ()
    return
  }
}

#map = affine_map<(d0, d1) -> (0, 0, 0, 0)>
#map1 = affine_map<(d0, d1) -> (0, 0)>
#map2 = affine_map<(d0, d1) -> (0, 0, 0)>
module attributes {stable_mosaic.version = 14 : i64} {
  func.func @sck(%arg0: i32, %arg1: i32, %arg2: memref<2x32x80x128xi32, #tpu.memory_space<hbm>>, %arg3: memref<10240x16xf32, #tpu.memory_space<hbm>>, %arg4: memref<128x16xf32, #tpu.memory_space<hbm>>, %arg5: memref<2x10240x16xf32, #tpu.memory_space<hbm>>, %arg6: memref<80x128xi32, #tpu.memory_space<vmem>>, %arg7: memref<80x128xi32, #tpu.memory_space<vmem>>, %arg8: memref<128x16xf32, #tpu.memory_space<vmem>>, %arg9: memref<128x16xf32, #tpu.memory_space<vmem>>, %arg10: memref<128x16xf32, #tpu.memory_space<vmem>>, %arg11: memref<128x16xf32, #tpu.memory_space<vmem>>, %arg12: memref<128x16xf32, #tpu.memory_space<vmem>>, %arg13: memref<10240x16xf32, #tpu.memory_space<vmem_shared>>, %arg14: memref<!tpu.dma_semaphore, #tpu.memory_space<semaphore_mem>>, %arg15: memref<!tpu.dma_semaphore, #tpu.memory_space<semaphore_mem>>, %arg16: memref<!tpu.dma_semaphore, #tpu.memory_space<semaphore_mem>>, %arg17: memref<!tpu.dma_semaphore, #tpu.memory_space<semaphore_mem>>) attributes {dimension_semantics = [#tpu.dimension_semantics<core_parallel>, #tpu.dimension_semantics<subcore_parallel>], iteration_bounds = array<i64: 2, 16>, scalar_prefetch = 0 : i64, scratch_operands = 12 : i64, tpu.core_type = #tpu.core_type<sc_vector_subcore>, window_params = [{transform_indices = #map}, {transform_indices = #map1}, {transform_indices = #map1}, {transform_indices = #map2}]} {
    %mul3A = arith.constant 16 : i32
    %mul3A_0 = arith.muli %arg0, %mul3A : i32
    %add3A = arith.addi %mul3A_0, %arg1 : i32
    %run_scoped3A = arith.constant 0 : i32
    "tpu.region"() ({
      %run_scoped3A_67 = tpu.sem_alloc : memref<!tpu.dma_semaphore, #tpu.memory_space<semaphore_mem>>
      %dma_start3A_68 = arith.constant 0 : i32
      %dma_start3A_69 = arith.constant 0 : i32
      %dma_start3A_70 = tpu.memref_slice %arg2[%run_scoped3A, %add3A, %dma_start3A_68, %dma_start3A_69] : memref<2x32x80x128xi32, #tpu.memory_space<hbm>> -> memref<1x1x80x128xi32, #tpu.memory_space<hbm>>
      %dma_start3A_71 = tpu.memref_squeeze %dma_start3A_70 : memref<1x1x80x128xi32, #tpu.memory_space<hbm>> -> memref<80x128xi32, #tpu.memory_space<hbm>>
      %dma_start3A_72 = arith.constant 0 : i32
      %dma_start3A_73 = arith.constant 0 : i32
      %dma_start3A_74 = tpu.memref_slice %arg2[%run_scoped3A, %add3A, %dma_start3A_72, %dma_start3A_73] : memref<2x32x80x128xi32, #tpu.memory_space<hbm>> -> memref<1x1x80x128xi32, #tpu.memory_space<hbm>>
      %dma_start3A_75 = tpu.memref_squeeze %dma_start3A_74 : memref<1x1x80x128xi32, #tpu.memory_space<hbm>> -> memref<80x128xi32, #tpu.memory_space<hbm>>
      tpu.enqueue_dma source(%dma_start3A_75 : memref<80x128xi32, #tpu.memory_space<hbm>>) target(%arg6 : memref<80x128xi32, #tpu.memory_space<vmem>>) target_semaphore(%run_scoped3A_67 : memref<!tpu.dma_semaphore, #tpu.memory_space<semaphore_mem>>)
      %dma_wait3A = arith.constant 0 : i32
      %dma_wait3A_76 = arith.constant 0 : i32
      %dma_wait3A_77 = tpu.memref_slice %arg2[%run_scoped3A, %add3A, %dma_wait3A, %dma_wait3A_76] : memref<2x32x80x128xi32, #tpu.memory_space<hbm>> -> memref<1x1x80x128xi32, #tpu.memory_space<hbm>>
      %dma_wait3A_78 = tpu.memref_squeeze %dma_wait3A_77 : memref<1x1x80x128xi32, #tpu.memory_space<hbm>> -> memref<80x128xi32, #tpu.memory_space<hbm>>
      %dma_wait3A_79 = arith.constant 0 : i32
      %dma_wait3A_80 = arith.constant 0 : i32
      %dma_wait3A_81 = tpu.memref_slice %arg2[%run_scoped3A, %add3A, %dma_wait3A_79, %dma_wait3A_80] : memref<2x32x80x128xi32, #tpu.memory_space<hbm>> -> memref<1x1x80x128xi32, #tpu.memory_space<hbm>>
      %dma_wait3A_82 = tpu.memref_squeeze %dma_wait3A_81 : memref<1x1x80x128xi32, #tpu.memory_space<hbm>> -> memref<80x128xi32, #tpu.memory_space<hbm>>
      tpu.wait_dma2 semaphore(%run_scoped3A_67 : memref<!tpu.dma_semaphore, #tpu.memory_space<semaphore_mem>>) src(%dma_wait3A_82 : memref<80x128xi32, #tpu.memory_space<hbm>>) dst(%arg6 : memref<80x128xi32, #tpu.memory_space<vmem>>)
      tpu.yield
    }) : () -> ()
    %run_scoped3A_1 = arith.constant 1 : i32
    "tpu.region"() ({
      %run_scoped3A_67 = tpu.sem_alloc : memref<!tpu.dma_semaphore, #tpu.memory_space<semaphore_mem>>
      %dma_start3A_68 = arith.constant 0 : i32
      %dma_start3A_69 = arith.constant 0 : i32
      %dma_start3A_70 = tpu.memref_slice %arg2[%run_scoped3A_1, %add3A, %dma_start3A_68, %dma_start3A_69] : memref<2x32x80x128xi32, #tpu.memory_space<hbm>> -> memref<1x1x80x128xi32, #tpu.memory_space<hbm>>
      %dma_start3A_71 = tpu.memref_squeeze %dma_start3A_70 : memref<1x1x80x128xi32, #tpu.memory_space<hbm>> -> memref<80x128xi32, #tpu.memory_space<hbm>>
      %dma_start3A_72 = arith.constant 0 : i32
      %dma_start3A_73 = arith.constant 0 : i32
      %dma_start3A_74 = tpu.memref_slice %arg2[%run_scoped3A_1, %add3A, %dma_start3A_72, %dma_start3A_73] : memref<2x32x80x128xi32, #tpu.memory_space<hbm>> -> memref<1x1x80x128xi32, #tpu.memory_space<hbm>>
      %dma_start3A_75 = tpu.memref_squeeze %dma_start3A_74 : memref<1x1x80x128xi32, #tpu.memory_space<hbm>> -> memref<80x128xi32, #tpu.memory_space<hbm>>
      tpu.enqueue_dma source(%dma_start3A_75 : memref<80x128xi32, #tpu.memory_space<hbm>>) target(%arg7 : memref<80x128xi32, #tpu.memory_space<vmem>>) target_semaphore(%run_scoped3A_67 : memref<!tpu.dma_semaphore, #tpu.memory_space<semaphore_mem>>)
      %dma_wait3A = arith.constant 0 : i32
      %dma_wait3A_76 = arith.constant 0 : i32
      %dma_wait3A_77 = tpu.memref_slice %arg2[%run_scoped3A_1, %add3A, %dma_wait3A, %dma_wait3A_76] : memref<2x32x80x128xi32, #tpu.memory_space<hbm>> -> memref<1x1x80x128xi32, #tpu.memory_space<hbm>>
      %dma_wait3A_78 = tpu.memref_squeeze %dma_wait3A_77 : memref<1x1x80x128xi32, #tpu.memory_space<hbm>> -> memref<80x128xi32, #tpu.memory_space<hbm>>
      %dma_wait3A_79 = arith.constant 0 : i32
      %dma_wait3A_80 = arith.constant 0 : i32
      %dma_wait3A_81 = tpu.memref_slice %arg2[%run_scoped3A_1, %add3A, %dma_wait3A_79, %dma_wait3A_80] : memref<2x32x80x128xi32, #tpu.memory_space<hbm>> -> memref<1x1x80x128xi32, #tpu.memory_space<hbm>>
      %dma_wait3A_82 = tpu.memref_squeeze %dma_wait3A_81 : memref<1x1x80x128xi32, #tpu.memory_space<hbm>> -> memref<80x128xi32, #tpu.memory_space<hbm>>
      tpu.wait_dma2 semaphore(%run_scoped3A_67 : memref<!tpu.dma_semaphore, #tpu.memory_space<semaphore_mem>>) src(%dma_wait3A_82 : memref<80x128xi32, #tpu.memory_space<hbm>>) dst(%arg7 : memref<80x128xi32, #tpu.memory_space<vmem>>)
      tpu.yield
    }) : () -> ()
    "tpu.region"() ({
      %run_scoped3A_67 = tpu.sem_alloc : memref<!tpu.dma_semaphore, #tpu.memory_space<semaphore_mem>>
      tpu.enqueue_dma source(%arg4 : memref<128x16xf32, #tpu.memory_space<hbm>>) target(%arg12 : memref<128x16xf32, #tpu.memory_space<vmem>>) target_semaphore(%run_scoped3A_67 : memref<!tpu.dma_semaphore, #tpu.memory_space<semaphore_mem>>)
      tpu.wait_dma2 semaphore(%run_scoped3A_67 : memref<!tpu.dma_semaphore, #tpu.memory_space<semaphore_mem>>) src(%arg4 : memref<128x16xf32, #tpu.memory_space<hbm>>) dst(%arg12 : memref<128x16xf32, #tpu.memory_space<vmem>>)
      tpu.yield
    }) : () -> ()
    %mul3A_2 = arith.constant 640 : i32
    %mul3A_3 = arith.muli %arg1, %mul3A_2 : i32
    %add3A_4 = arith.constant 0 : i32
    %add3A_5 = arith.addi %mul3A_3, %add3A_4 : i32
    "tpu.region"() ({
      %run_scoped3A_67 = tpu.sem_alloc : memref<!tpu.dma_semaphore, #tpu.memory_space<semaphore_mem>>
      %dma_start3A_68 = arith.constant 0 : i32
      %dma_start3A_69 = tpu.memref_slice %arg13[%add3A_5, %dma_start3A_68] : memref<10240x16xf32, #tpu.memory_space<vmem_shared>> -> memref<128x16xf32, #tpu.memory_space<vmem_shared>>
      %dma_start3A_70 = arith.constant 0 : i32
      %dma_start3A_71 = tpu.memref_slice %arg13[%add3A_5, %dma_start3A_70] : memref<10240x16xf32, #tpu.memory_space<vmem_shared>> -> memref<128x16xf32, #tpu.memory_space<vmem_shared>>
      tpu.enqueue_dma source(%arg12 : memref<128x16xf32, #tpu.memory_space<vmem>>) target(%dma_start3A_71 : memref<128x16xf32, #tpu.memory_space<vmem_shared>>) target_semaphore(%run_scoped3A_67 : memref<!tpu.dma_semaphore, #tpu.memory_space<semaphore_mem>>)
      %dma_wait3A = arith.constant 0 : i32
      %dma_wait3A_72 = tpu.memref_slice %arg13[%add3A_5, %dma_wait3A] : memref<10240x16xf32, #tpu.memory_space<vmem_shared>> -> memref<128x16xf32, #tpu.memory_space<vmem_shared>>
      %dma_wait3A_73 = arith.constant 0 : i32
      %dma_wait3A_74 = tpu.memref_slice %arg13[%add3A_5, %dma_wait3A_73] : memref<10240x16xf32, #tpu.memory_space<vmem_shared>> -> memref<128x16xf32, #tpu.memory_space<vmem_shared>>
      tpu.wait_dma2 semaphore(%run_scoped3A_67 : memref<!tpu.dma_semaphore, #tpu.memory_space<semaphore_mem>>) src(%arg12 : memref<128x16xf32, #tpu.memory_space<vmem>>) dst(%dma_wait3A_74 : memref<128x16xf32, #tpu.memory_space<vmem_shared>>)
      tpu.yield
    }) : () -> ()
    %add3A_6 = arith.constant 128 : i32
    %add3A_7 = arith.addi %mul3A_3, %add3A_6 : i32
    "tpu.region"() ({
      %run_scoped3A_67 = tpu.sem_alloc : memref<!tpu.dma_semaphore, #tpu.memory_space<semaphore_mem>>
      %dma_start3A_68 = arith.constant 0 : i32
      %dma_start3A_69 = tpu.memref_slice %arg13[%add3A_7, %dma_start3A_68] : memref<10240x16xf32, #tpu.memory_space<vmem_shared>> -> memref<128x16xf32, #tpu.memory_space<vmem_shared>>
      %dma_start3A_70 = arith.constant 0 : i32
      %dma_start3A_71 = tpu.memref_slice %arg13[%add3A_7, %dma_start3A_70] : memref<10240x16xf32, #tpu.memory_space<vmem_shared>> -> memref<128x16xf32, #tpu.memory_space<vmem_shared>>
      tpu.enqueue_dma source(%arg12 : memref<128x16xf32, #tpu.memory_space<vmem>>) target(%dma_start3A_71 : memref<128x16xf32, #tpu.memory_space<vmem_shared>>) target_semaphore(%run_scoped3A_67 : memref<!tpu.dma_semaphore, #tpu.memory_space<semaphore_mem>>)
      %dma_wait3A = arith.constant 0 : i32
      %dma_wait3A_72 = tpu.memref_slice %arg13[%add3A_7, %dma_wait3A] : memref<10240x16xf32, #tpu.memory_space<vmem_shared>> -> memref<128x16xf32, #tpu.memory_space<vmem_shared>>
      %dma_wait3A_73 = arith.constant 0 : i32
      %dma_wait3A_74 = tpu.memref_slice %arg13[%add3A_7, %dma_wait3A_73] : memref<10240x16xf32, #tpu.memory_space<vmem_shared>> -> memref<128x16xf32, #tpu.memory_space<vmem_shared>>
      tpu.wait_dma2 semaphore(%run_scoped3A_67 : memref<!tpu.dma_semaphore, #tpu.memory_space<semaphore_mem>>) src(%arg12 : memref<128x16xf32, #tpu.memory_space<vmem>>) dst(%dma_wait3A_74 : memref<128x16xf32, #tpu.memory_space<vmem_shared>>)
      tpu.yield
    }) : () -> ()
    %add3A_8 = arith.constant 256 : i32
    %add3A_9 = arith.addi %mul3A_3, %add3A_8 : i32
    "tpu.region"() ({
      %run_scoped3A_67 = tpu.sem_alloc : memref<!tpu.dma_semaphore, #tpu.memory_space<semaphore_mem>>
      %dma_start3A_68 = arith.constant 0 : i32
      %dma_start3A_69 = tpu.memref_slice %arg13[%add3A_9, %dma_start3A_68] : memref<10240x16xf32, #tpu.memory_space<vmem_shared>> -> memref<128x16xf32, #tpu.memory_space<vmem_shared>>
      %dma_start3A_70 = arith.constant 0 : i32
      %dma_start3A_71 = tpu.memref_slice %arg13[%add3A_9, %dma_start3A_70] : memref<10240x16xf32, #tpu.memory_space<vmem_shared>> -> memref<128x16xf32, #tpu.memory_space<vmem_shared>>
      tpu.enqueue_dma source(%arg12 : memref<128x16xf32, #tpu.memory_space<vmem>>) target(%dma_start3A_71 : memref<128x16xf32, #tpu.memory_space<vmem_shared>>) target_semaphore(%run_scoped3A_67 : memref<!tpu.dma_semaphore, #tpu.memory_space<semaphore_mem>>)
      %dma_wait3A = arith.constant 0 : i32
      %dma_wait3A_72 = tpu.memref_slice %arg13[%add3A_9, %dma_wait3A] : memref<10240x16xf32, #tpu.memory_space<vmem_shared>> -> memref<128x16xf32, #tpu.memory_space<vmem_shared>>
      %dma_wait3A_73 = arith.constant 0 : i32
      %dma_wait3A_74 = tpu.memref_slice %arg13[%add3A_9, %dma_wait3A_73] : memref<10240x16xf32, #tpu.memory_space<vmem_shared>> -> memref<128x16xf32, #tpu.memory_space<vmem_shared>>
      tpu.wait_dma2 semaphore(%run_scoped3A_67 : memref<!tpu.dma_semaphore, #tpu.memory_space<semaphore_mem>>) src(%arg12 : memref<128x16xf32, #tpu.memory_space<vmem>>) dst(%dma_wait3A_74 : memref<128x16xf32, #tpu.memory_space<vmem_shared>>)
      tpu.yield
    }) : () -> ()
    %add3A_10 = arith.constant 384 : i32
    %add3A_11 = arith.addi %mul3A_3, %add3A_10 : i32
    "tpu.region"() ({
      %run_scoped3A_67 = tpu.sem_alloc : memref<!tpu.dma_semaphore, #tpu.memory_space<semaphore_mem>>
      %dma_start3A_68 = arith.constant 0 : i32
      %dma_start3A_69 = tpu.memref_slice %arg13[%add3A_11, %dma_start3A_68] : memref<10240x16xf32, #tpu.memory_space<vmem_shared>> -> memref<128x16xf32, #tpu.memory_space<vmem_shared>>
      %dma_start3A_70 = arith.constant 0 : i32
      %dma_start3A_71 = tpu.memref_slice %arg13[%add3A_11, %dma_start3A_70] : memref<10240x16xf32, #tpu.memory_space<vmem_shared>> -> memref<128x16xf32, #tpu.memory_space<vmem_shared>>
      tpu.enqueue_dma source(%arg12 : memref<128x16xf32, #tpu.memory_space<vmem>>) target(%dma_start3A_71 : memref<128x16xf32, #tpu.memory_space<vmem_shared>>) target_semaphore(%run_scoped3A_67 : memref<!tpu.dma_semaphore, #tpu.memory_space<semaphore_mem>>)
      %dma_wait3A = arith.constant 0 : i32
      %dma_wait3A_72 = tpu.memref_slice %arg13[%add3A_11, %dma_wait3A] : memref<10240x16xf32, #tpu.memory_space<vmem_shared>> -> memref<128x16xf32, #tpu.memory_space<vmem_shared>>
      %dma_wait3A_73 = arith.constant 0 : i32
      %dma_wait3A_74 = tpu.memref_slice %arg13[%add3A_11, %dma_wait3A_73] : memref<10240x16xf32, #tpu.memory_space<vmem_shared>> -> memref<128x16xf32, #tpu.memory_space<vmem_shared>>
      tpu.wait_dma2 semaphore(%run_scoped3A_67 : memref<!tpu.dma_semaphore, #tpu.memory_space<semaphore_mem>>) src(%arg12 : memref<128x16xf32, #tpu.memory_space<vmem>>) dst(%dma_wait3A_74 : memref<128x16xf32, #tpu.memory_space<vmem_shared>>)
      tpu.yield
    }) : () -> ()
    %add3A_12 = arith.constant 512 : i32
    %add3A_13 = arith.addi %mul3A_3, %add3A_12 : i32
    "tpu.region"() ({
      %run_scoped3A_67 = tpu.sem_alloc : memref<!tpu.dma_semaphore, #tpu.memory_space<semaphore_mem>>
      %dma_start3A_68 = arith.constant 0 : i32
      %dma_start3A_69 = tpu.memref_slice %arg13[%add3A_13, %dma_start3A_68] : memref<10240x16xf32, #tpu.memory_space<vmem_shared>> -> memref<128x16xf32, #tpu.memory_space<vmem_shared>>
      %dma_start3A_70 = arith.constant 0 : i32
      %dma_start3A_71 = tpu.memref_slice %arg13[%add3A_13, %dma_start3A_70] : memref<10240x16xf32, #tpu.memory_space<vmem_shared>> -> memref<128x16xf32, #tpu.memory_space<vmem_shared>>
      tpu.enqueue_dma source(%arg12 : memref<128x16xf32, #tpu.memory_space<vmem>>) target(%dma_start3A_71 : memref<128x16xf32, #tpu.memory_space<vmem_shared>>) target_semaphore(%run_scoped3A_67 : memref<!tpu.dma_semaphore, #tpu.memory_space<semaphore_mem>>)
      %dma_wait3A = arith.constant 0 : i32
      %dma_wait3A_72 = tpu.memref_slice %arg13[%add3A_13, %dma_wait3A] : memref<10240x16xf32, #tpu.memory_space<vmem_shared>> -> memref<128x16xf32, #tpu.memory_space<vmem_shared>>
      %dma_wait3A_73 = arith.constant 0 : i32
      %dma_wait3A_74 = tpu.memref_slice %arg13[%add3A_13, %dma_wait3A_73] : memref<10240x16xf32, #tpu.memory_space<vmem_shared>> -> memref<128x16xf32, #tpu.memory_space<vmem_shared>>
      tpu.wait_dma2 semaphore(%run_scoped3A_67 : memref<!tpu.dma_semaphore, #tpu.memory_space<semaphore_mem>>) src(%arg12 : memref<128x16xf32, #tpu.memory_space<vmem>>) dst(%dma_wait3A_74 : memref<128x16xf32, #tpu.memory_space<vmem_shared>>)
      tpu.yield
    }) : () -> ()
    %barrier3A = arith.constant 0 : index
    tpu.barrier barrier_id(%barrier3A)
    %dma_start3A = arith.constant 0 : i32
    %dma_start3A_14 = arith.constant 0 : i32
    %dma_start3A_15 = tpu.memref_slice %arg6[%dma_start3A, %dma_start3A_14] : memref<80x128xi32, #tpu.memory_space<vmem>> -> memref<1x128xi32, #tpu.memory_space<vmem>>
    %dma_start3A_16 = tpu.memref_squeeze %dma_start3A_15 : memref<1x128xi32, #tpu.memory_space<vmem>> -> memref<128xi32, #tpu.memory_space<vmem>>
    %dma_start3A_17 = arith.constant 0 : i32
    %dma_start3A_18 = arith.constant 0 : i32
    %dma_start3A_19 = tpu.memref_slice %arg3[%dma_start3A_17, %dma_start3A_18] : memref<10240x16xf32, #tpu.memory_space<hbm>> -> memref<10240x16xf32, #tpu.memory_space<hbm>>
    tpu.enqueue_indirect_dma source(%dma_start3A_19 : memref<10240x16xf32, #tpu.memory_space<hbm>>) target(%arg8 : memref<128x16xf32, #tpu.memory_space<vmem>>) offsets(%dma_start3A_16 : memref<128xi32, #tpu.memory_space<vmem>>) semaphore(%arg14 : memref<!tpu.dma_semaphore, #tpu.memory_space<semaphore_mem>>)
    %dma_start3A_20 = arith.constant 1 : i32
    %dma_start3A_21 = arith.constant 0 : i32
    %dma_start3A_22 = tpu.memref_slice %arg6[%dma_start3A_20, %dma_start3A_21] : memref<80x128xi32, #tpu.memory_space<vmem>> -> memref<1x128xi32, #tpu.memory_space<vmem>>
    %dma_start3A_23 = tpu.memref_squeeze %dma_start3A_22 : memref<1x128xi32, #tpu.memory_space<vmem>> -> memref<128xi32, #tpu.memory_space<vmem>>
    %dma_start3A_24 = arith.constant 0 : i32
    %dma_start3A_25 = arith.constant 0 : i32
    %dma_start3A_26 = tpu.memref_slice %arg3[%dma_start3A_24, %dma_start3A_25] : memref<10240x16xf32, #tpu.memory_space<hbm>> -> memref<10240x16xf32, #tpu.memory_space<hbm>>
    tpu.enqueue_indirect_dma source(%dma_start3A_26 : memref<10240x16xf32, #tpu.memory_space<hbm>>) target(%arg9 : memref<128x16xf32, #tpu.memory_space<vmem>>) offsets(%dma_start3A_23 : memref<128xi32, #tpu.memory_space<vmem>>) semaphore(%arg15 : memref<!tpu.dma_semaphore, #tpu.memory_space<semaphore_mem>>)
    %dma_start3A_27 = arith.constant 2 : i32
    %dma_start3A_28 = arith.constant 0 : i32
    %dma_start3A_29 = tpu.memref_slice %arg6[%dma_start3A_27, %dma_start3A_28] : memref<80x128xi32, #tpu.memory_space<vmem>> -> memref<1x128xi32, #tpu.memory_space<vmem>>
    %dma_start3A_30 = tpu.memref_squeeze %dma_start3A_29 : memref<1x128xi32, #tpu.memory_space<vmem>> -> memref<128xi32, #tpu.memory_space<vmem>>
    %dma_start3A_31 = arith.constant 0 : i32
    %dma_start3A_32 = arith.constant 0 : i32
    %dma_start3A_33 = tpu.memref_slice %arg3[%dma_start3A_31, %dma_start3A_32] : memref<10240x16xf32, #tpu.memory_space<hbm>> -> memref<10240x16xf32, #tpu.memory_space<hbm>>
    tpu.enqueue_indirect_dma source(%dma_start3A_33 : memref<10240x16xf32, #tpu.memory_space<hbm>>) target(%arg10 : memref<128x16xf32, #tpu.memory_space<vmem>>) offsets(%dma_start3A_30 : memref<128xi32, #tpu.memory_space<vmem>>) semaphore(%arg16 : memref<!tpu.dma_semaphore, #tpu.memory_space<semaphore_mem>>)
    %dma_start3A_34 = arith.constant 3 : i32
    %dma_start3A_35 = arith.constant 0 : i32
    %dma_start3A_36 = tpu.memref_slice %arg6[%dma_start3A_34, %dma_start3A_35] : memref<80x128xi32, #tpu.memory_space<vmem>> -> memref<1x128xi32, #tpu.memory_space<vmem>>
    %dma_start3A_37 = tpu.memref_squeeze %dma_start3A_36 : memref<1x128xi32, #tpu.memory_space<vmem>> -> memref<128xi32, #tpu.memory_space<vmem>>
    %dma_start3A_38 = arith.constant 0 : i32
    %dma_start3A_39 = arith.constant 0 : i32
    %dma_start3A_40 = tpu.memref_slice %arg3[%dma_start3A_38, %dma_start3A_39] : memref<10240x16xf32, #tpu.memory_space<hbm>> -> memref<10240x16xf32, #tpu.memory_space<hbm>>
    tpu.enqueue_indirect_dma source(%dma_start3A_40 : memref<10240x16xf32, #tpu.memory_space<hbm>>) target(%arg11 : memref<128x16xf32, #tpu.memory_space<vmem>>) offsets(%dma_start3A_37 : memref<128xi32, #tpu.memory_space<vmem>>) semaphore(%arg17 : memref<!tpu.dma_semaphore, #tpu.memory_space<semaphore_mem>>)
    %scan3A = arith.constant 0 : i32
    %scan3A_41 = arith.constant 0 : i32
    %scan3A_42 = arith.constant 20 : i32
    %scan3A_43 = arith.addi %scan3A_41, %scan3A_42 : i32
    %scan3A_44 = arith.constant 1 : i32
    scf.for %scan3A_67 = %scan3A_41 to %scan3A_43 step %scan3A_44  : i32 {
      %mul3A_68 = arith.constant 4 : i32
      %mul3A_69 = arith.muli %scan3A_67, %mul3A_68 : i32
      %add3A_70 = arith.constant 0 : i32
      %add3A_71 = arith.addi %mul3A_69, %add3A_70 : i32
      %dma_wait3A = arith.constant 0 : i32
      %dma_wait3A_72 = tpu.memref_slice %arg6[%add3A_71, %dma_wait3A] : memref<80x128xi32, #tpu.memory_space<vmem>> -> memref<1x128xi32, #tpu.memory_space<vmem>>
      %dma_wait3A_73 = tpu.memref_squeeze %dma_wait3A_72 : memref<1x128xi32, #tpu.memory_space<vmem>> -> memref<128xi32, #tpu.memory_space<vmem>>
      %dma_wait3A_74 = arith.constant 0 : i32
      %dma_wait3A_75 = arith.constant 0 : i32
      %dma_wait3A_76 = tpu.memref_slice %arg3[%dma_wait3A_74, %dma_wait3A_75] : memref<10240x16xf32, #tpu.memory_space<hbm>> -> memref<10240x16xf32, #tpu.memory_space<hbm>>
      tpu.wait_indirect_dma semaphore(%arg14 : memref<!tpu.dma_semaphore, #tpu.memory_space<semaphore_mem>>) src(%dma_wait3A_76 : memref<10240x16xf32, #tpu.memory_space<hbm>>) dst(%arg8 : memref<128x16xf32, #tpu.memory_space<vmem>>)
      "tpu.region"() ({
        %run_scoped3A_132 = tpu.sem_alloc : memref<!tpu.dma_semaphore, #tpu.memory_space<semaphore_mem>>
        %dma_start3A_133 = arith.constant 0 : i32
        %dma_start3A_134 = tpu.memref_slice %arg7[%add3A_71, %dma_start3A_133] : memref<80x128xi32, #tpu.memory_space<vmem>> -> memref<1x128xi32, #tpu.memory_space<vmem>>
        %dma_start3A_135 = tpu.memref_squeeze %dma_start3A_134 : memref<1x128xi32, #tpu.memory_space<vmem>> -> memref<128xi32, #tpu.memory_space<vmem>>
        %dma_start3A_136 = arith.constant 0 : i32
        %dma_start3A_137 = arith.constant 0 : i32
        %dma_start3A_138 = tpu.memref_slice %arg13[%dma_start3A_136, %dma_start3A_137] : memref<10240x16xf32, #tpu.memory_space<vmem_shared>> -> memref<10240x16xf32, #tpu.memory_space<vmem_shared>>
        tpu.enqueue_indirect_dma source(%arg8 : memref<128x16xf32, #tpu.memory_space<vmem>>) target(%dma_start3A_138 : memref<10240x16xf32, #tpu.memory_space<vmem_shared>>) offsets(%dma_start3A_135 : memref<128xi32, #tpu.memory_space<vmem>>) semaphore(%run_scoped3A_132 : memref<!tpu.dma_semaphore, #tpu.memory_space<semaphore_mem>>) {add = true}
        %dma_wait3A_139 = arith.constant 0 : i32
        %dma_wait3A_140 = tpu.memref_slice %arg7[%add3A_71, %dma_wait3A_139] : memref<80x128xi32, #tpu.memory_space<vmem>> -> memref<1x128xi32, #tpu.memory_space<vmem>>
        %dma_wait3A_141 = tpu.memref_squeeze %dma_wait3A_140 : memref<1x128xi32, #tpu.memory_space<vmem>> -> memref<128xi32, #tpu.memory_space<vmem>>
        %dma_wait3A_142 = arith.constant 0 : i32
        %dma_wait3A_143 = arith.constant 0 : i32
        %dma_wait3A_144 = tpu.memref_slice %arg13[%dma_wait3A_142, %dma_wait3A_143] : memref<10240x16xf32, #tpu.memory_space<vmem_shared>> -> memref<10240x16xf32, #tpu.memory_space<vmem_shared>>
        tpu.wait_indirect_dma semaphore(%run_scoped3A_132 : memref<!tpu.dma_semaphore, #tpu.memory_space<semaphore_mem>>) src(%arg8 : memref<128x16xf32, #tpu.memory_space<vmem>>) dst(%dma_wait3A_144 : memref<10240x16xf32, #tpu.memory_space<vmem_shared>>)
        tpu.yield
      }) : () -> ()
      %add3A_77 = arith.constant 4 : i32
      %add3A_78 = arith.addi %add3A_71, %add3A_77 : i32
      %lt3A = arith.constant 80 : i32
      %lt3A_79 = arith.cmpi slt, %add3A_78, %lt3A : i32
      %convert_element_type3A = arith.extui %lt3A_79 : i1 to i32
      %cond3A = arith.constant 0 : i32
      %cond3A_80 = arith.cmpi ne, %convert_element_type3A, %cond3A : i32
      scf.if %cond3A_80 {
        %add3A_132 = arith.constant 4 : i32
        %add3A_133 = arith.addi %add3A_71, %add3A_132 : i32
        %dma_start3A_134 = arith.constant 0 : i32
        %dma_start3A_135 = tpu.memref_slice %arg6[%add3A_133, %dma_start3A_134] : memref<80x128xi32, #tpu.memory_space<vmem>> -> memref<1x128xi32, #tpu.memory_space<vmem>>
        %dma_start3A_136 = tpu.memref_squeeze %dma_start3A_135 : memref<1x128xi32, #tpu.memory_space<vmem>> -> memref<128xi32, #tpu.memory_space<vmem>>
        %dma_start3A_137 = arith.constant 0 : i32
        %dma_start3A_138 = arith.constant 0 : i32
        %dma_start3A_139 = tpu.memref_slice %arg3[%dma_start3A_137, %dma_start3A_138] : memref<10240x16xf32, #tpu.memory_space<hbm>> -> memref<10240x16xf32, #tpu.memory_space<hbm>>
        tpu.enqueue_indirect_dma source(%dma_start3A_139 : memref<10240x16xf32, #tpu.memory_space<hbm>>) target(%arg8 : memref<128x16xf32, #tpu.memory_space<vmem>>) offsets(%dma_start3A_136 : memref<128xi32, #tpu.memory_space<vmem>>) semaphore(%arg14 : memref<!tpu.dma_semaphore, #tpu.memory_space<semaphore_mem>>)
      } else {
      }
      %mul3A_81 = arith.constant 4 : i32
      %mul3A_82 = arith.muli %scan3A_67, %mul3A_81 : i32
      %add3A_83 = arith.constant 1 : i32
      %add3A_84 = arith.addi %mul3A_82, %add3A_83 : i32
      %dma_wait3A_85 = arith.constant 0 : i32
      %dma_wait3A_86 = tpu.memref_slice %arg6[%add3A_84, %dma_wait3A_85] : memref<80x128xi32, #tpu.memory_space<vmem>> -> memref<1x128xi32, #tpu.memory_space<vmem>>
      %dma_wait3A_87 = tpu.memref_squeeze %dma_wait3A_86 : memref<1x128xi32, #tpu.memory_space<vmem>> -> memref<128xi32, #tpu.memory_space<vmem>>
      %dma_wait3A_88 = arith.constant 0 : i32
      %dma_wait3A_89 = arith.constant 0 : i32
      %dma_wait3A_90 = tpu.memref_slice %arg3[%dma_wait3A_88, %dma_wait3A_89] : memref<10240x16xf32, #tpu.memory_space<hbm>> -> memref<10240x16xf32, #tpu.memory_space<hbm>>
      tpu.wait_indirect_dma semaphore(%arg15 : memref<!tpu.dma_semaphore, #tpu.memory_space<semaphore_mem>>) src(%dma_wait3A_90 : memref<10240x16xf32, #tpu.memory_space<hbm>>) dst(%arg9 : memref<128x16xf32, #tpu.memory_space<vmem>>)
      "tpu.region"() ({
        %run_scoped3A_132 = tpu.sem_alloc : memref<!tpu.dma_semaphore, #tpu.memory_space<semaphore_mem>>
        %dma_start3A_133 = arith.constant 0 : i32
        %dma_start3A_134 = tpu.memref_slice %arg7[%add3A_84, %dma_start3A_133] : memref<80x128xi32, #tpu.memory_space<vmem>> -> memref<1x128xi32, #tpu.memory_space<vmem>>
        %dma_start3A_135 = tpu.memref_squeeze %dma_start3A_134 : memref<1x128xi32, #tpu.memory_space<vmem>> -> memref<128xi32, #tpu.memory_space<vmem>>
        %dma_start3A_136 = arith.constant 0 : i32
        %dma_start3A_137 = arith.constant 0 : i32
        %dma_start3A_138 = tpu.memref_slice %arg13[%dma_start3A_136, %dma_start3A_137] : memref<10240x16xf32, #tpu.memory_space<vmem_shared>> -> memref<10240x16xf32, #tpu.memory_space<vmem_shared>>
        tpu.enqueue_indirect_dma source(%arg9 : memref<128x16xf32, #tpu.memory_space<vmem>>) target(%dma_start3A_138 : memref<10240x16xf32, #tpu.memory_space<vmem_shared>>) offsets(%dma_start3A_135 : memref<128xi32, #tpu.memory_space<vmem>>) semaphore(%run_scoped3A_132 : memref<!tpu.dma_semaphore, #tpu.memory_space<semaphore_mem>>) {add = true}
        %dma_wait3A_139 = arith.constant 0 : i32
        %dma_wait3A_140 = tpu.memref_slice %arg7[%add3A_84, %dma_wait3A_139] : memref<80x128xi32, #tpu.memory_space<vmem>> -> memref<1x128xi32, #tpu.memory_space<vmem>>
        %dma_wait3A_141 = tpu.memref_squeeze %dma_wait3A_140 : memref<1x128xi32, #tpu.memory_space<vmem>> -> memref<128xi32, #tpu.memory_space<vmem>>
        %dma_wait3A_142 = arith.constant 0 : i32
        %dma_wait3A_143 = arith.constant 0 : i32
        %dma_wait3A_144 = tpu.memref_slice %arg13[%dma_wait3A_142, %dma_wait3A_143] : memref<10240x16xf32, #tpu.memory_space<vmem_shared>> -> memref<10240x16xf32, #tpu.memory_space<vmem_shared>>
        tpu.wait_indirect_dma semaphore(%run_scoped3A_132 : memref<!tpu.dma_semaphore, #tpu.memory_space<semaphore_mem>>) src(%arg9 : memref<128x16xf32, #tpu.memory_space<vmem>>) dst(%dma_wait3A_144 : memref<10240x16xf32, #tpu.memory_space<vmem_shared>>)
        tpu.yield
      }) : () -> ()
      %add3A_91 = arith.constant 4 : i32
      %add3A_92 = arith.addi %add3A_84, %add3A_91 : i32
      %lt3A_93 = arith.constant 80 : i32
      %lt3A_94 = arith.cmpi slt, %add3A_92, %lt3A_93 : i32
      %convert_element_type3A_95 = arith.extui %lt3A_94 : i1 to i32
      %cond3A_96 = arith.constant 0 : i32
      %cond3A_97 = arith.cmpi ne, %convert_element_type3A_95, %cond3A_96 : i32
      scf.if %cond3A_97 {
        %add3A_132 = arith.constant 4 : i32
        %add3A_133 = arith.addi %add3A_84, %add3A_132 : i32
        %dma_start3A_134 = arith.constant 0 : i32
        %dma_start3A_135 = tpu.memref_slice %arg6[%add3A_133, %dma_start3A_134] : memref<80x128xi32, #tpu.memory_space<vmem>> -> memref<1x128xi32, #tpu.memory_space<vmem>>
        %dma_start3A_136 = tpu.memref_squeeze %dma_start3A_135 : memref<1x128xi32, #tpu.memory_space<vmem>> -> memref<128xi32, #tpu.memory_space<vmem>>
        %dma_start3A_137 = arith.constant 0 : i32
        %dma_start3A_138 = arith.constant 0 : i32
        %dma_start3A_139 = tpu.memref_slice %arg3[%dma_start3A_137, %dma_start3A_138] : memref<10240x16xf32, #tpu.memory_space<hbm>> -> memref<10240x16xf32, #tpu.memory_space<hbm>>
        tpu.enqueue_indirect_dma source(%dma_start3A_139 : memref<10240x16xf32, #tpu.memory_space<hbm>>) target(%arg9 : memref<128x16xf32, #tpu.memory_space<vmem>>) offsets(%dma_start3A_136 : memref<128xi32, #tpu.memory_space<vmem>>) semaphore(%arg15 : memref<!tpu.dma_semaphore, #tpu.memory_space<semaphore_mem>>)
      } else {
      }
      %mul3A_98 = arith.constant 4 : i32
      %mul3A_99 = arith.muli %scan3A_67, %mul3A_98 : i32
      %add3A_100 = arith.constant 2 : i32
      %add3A_101 = arith.addi %mul3A_99, %add3A_100 : i32
      %dma_wait3A_102 = arith.constant 0 : i32
      %dma_wait3A_103 = tpu.memref_slice %arg6[%add3A_101, %dma_wait3A_102] : memref<80x128xi32, #tpu.memory_space<vmem>> -> memref<1x128xi32, #tpu.memory_space<vmem>>
      %dma_wait3A_104 = tpu.memref_squeeze %dma_wait3A_103 : memref<1x128xi32, #tpu.memory_space<vmem>> -> memref<128xi32, #tpu.memory_space<vmem>>
      %dma_wait3A_105 = arith.constant 0 : i32
      %dma_wait3A_106 = arith.constant 0 : i32
      %dma_wait3A_107 = tpu.memref_slice %arg3[%dma_wait3A_105, %dma_wait3A_106] : memref<10240x16xf32, #tpu.memory_space<hbm>> -> memref<10240x16xf32, #tpu.memory_space<hbm>>
      tpu.wait_indirect_dma semaphore(%arg16 : memref<!tpu.dma_semaphore, #tpu.memory_space<semaphore_mem>>) src(%dma_wait3A_107 : memref<10240x16xf32, #tpu.memory_space<hbm>>) dst(%arg10 : memref<128x16xf32, #tpu.memory_space<vmem>>)
      "tpu.region"() ({
        %run_scoped3A_132 = tpu.sem_alloc : memref<!tpu.dma_semaphore, #tpu.memory_space<semaphore_mem>>
        %dma_start3A_133 = arith.constant 0 : i32
        %dma_start3A_134 = tpu.memref_slice %arg7[%add3A_101, %dma_start3A_133] : memref<80x128xi32, #tpu.memory_space<vmem>> -> memref<1x128xi32, #tpu.memory_space<vmem>>
        %dma_start3A_135 = tpu.memref_squeeze %dma_start3A_134 : memref<1x128xi32, #tpu.memory_space<vmem>> -> memref<128xi32, #tpu.memory_space<vmem>>
        %dma_start3A_136 = arith.constant 0 : i32
        %dma_start3A_137 = arith.constant 0 : i32
        %dma_start3A_138 = tpu.memref_slice %arg13[%dma_start3A_136, %dma_start3A_137] : memref<10240x16xf32, #tpu.memory_space<vmem_shared>> -> memref<10240x16xf32, #tpu.memory_space<vmem_shared>>
        tpu.enqueue_indirect_dma source(%arg10 : memref<128x16xf32, #tpu.memory_space<vmem>>) target(%dma_start3A_138 : memref<10240x16xf32, #tpu.memory_space<vmem_shared>>) offsets(%dma_start3A_135 : memref<128xi32, #tpu.memory_space<vmem>>) semaphore(%run_scoped3A_132 : memref<!tpu.dma_semaphore, #tpu.memory_space<semaphore_mem>>) {add = true}
        %dma_wait3A_139 = arith.constant 0 : i32
        %dma_wait3A_140 = tpu.memref_slice %arg7[%add3A_101, %dma_wait3A_139] : memref<80x128xi32, #tpu.memory_space<vmem>> -> memref<1x128xi32, #tpu.memory_space<vmem>>
        %dma_wait3A_141 = tpu.memref_squeeze %dma_wait3A_140 : memref<1x128xi32, #tpu.memory_space<vmem>> -> memref<128xi32, #tpu.memory_space<vmem>>
        %dma_wait3A_142 = arith.constant 0 : i32
        %dma_wait3A_143 = arith.constant 0 : i32
        %dma_wait3A_144 = tpu.memref_slice %arg13[%dma_wait3A_142, %dma_wait3A_143] : memref<10240x16xf32, #tpu.memory_space<vmem_shared>> -> memref<10240x16xf32, #tpu.memory_space<vmem_shared>>
        tpu.wait_indirect_dma semaphore(%run_scoped3A_132 : memref<!tpu.dma_semaphore, #tpu.memory_space<semaphore_mem>>) src(%arg10 : memref<128x16xf32, #tpu.memory_space<vmem>>) dst(%dma_wait3A_144 : memref<10240x16xf32, #tpu.memory_space<vmem_shared>>)
        tpu.yield
      }) : () -> ()
      %add3A_108 = arith.constant 4 : i32
      %add3A_109 = arith.addi %add3A_101, %add3A_108 : i32
      %lt3A_110 = arith.constant 80 : i32
      %lt3A_111 = arith.cmpi slt, %add3A_109, %lt3A_110 : i32
      %convert_element_type3A_112 = arith.extui %lt3A_111 : i1 to i32
      %cond3A_113 = arith.constant 0 : i32
      %cond3A_114 = arith.cmpi ne, %convert_element_type3A_112, %cond3A_113 : i32
      scf.if %cond3A_114 {
        %add3A_132 = arith.constant 4 : i32
        %add3A_133 = arith.addi %add3A_101, %add3A_132 : i32
        %dma_start3A_134 = arith.constant 0 : i32
        %dma_start3A_135 = tpu.memref_slice %arg6[%add3A_133, %dma_start3A_134] : memref<80x128xi32, #tpu.memory_space<vmem>> -> memref<1x128xi32, #tpu.memory_space<vmem>>
        %dma_start3A_136 = tpu.memref_squeeze %dma_start3A_135 : memref<1x128xi32, #tpu.memory_space<vmem>> -> memref<128xi32, #tpu.memory_space<vmem>>
        %dma_start3A_137 = arith.constant 0 : i32
        %dma_start3A_138 = arith.constant 0 : i32
        %dma_start3A_139 = tpu.memref_slice %arg3[%dma_start3A_137, %dma_start3A_138] : memref<10240x16xf32, #tpu.memory_space<hbm>> -> memref<10240x16xf32, #tpu.memory_space<hbm>>
        tpu.enqueue_indirect_dma source(%dma_start3A_139 : memref<10240x16xf32, #tpu.memory_space<hbm>>) target(%arg10 : memref<128x16xf32, #tpu.memory_space<vmem>>) offsets(%dma_start3A_136 : memref<128xi32, #tpu.memory_space<vmem>>) semaphore(%arg16 : memref<!tpu.dma_semaphore, #tpu.memory_space<semaphore_mem>>)
      } else {
      }
      %mul3A_115 = arith.constant 4 : i32
      %mul3A_116 = arith.muli %scan3A_67, %mul3A_115 : i32
      %add3A_117 = arith.constant 3 : i32
      %add3A_118 = arith.addi %mul3A_116, %add3A_117 : i32
      %dma_wait3A_119 = arith.constant 0 : i32
      %dma_wait3A_120 = tpu.memref_slice %arg6[%add3A_118, %dma_wait3A_119] : memref<80x128xi32, #tpu.memory_space<vmem>> -> memref<1x128xi32, #tpu.memory_space<vmem>>
      %dma_wait3A_121 = tpu.memref_squeeze %dma_wait3A_120 : memref<1x128xi32, #tpu.memory_space<vmem>> -> memref<128xi32, #tpu.memory_space<vmem>>
      %dma_wait3A_122 = arith.constant 0 : i32
      %dma_wait3A_123 = arith.constant 0 : i32
      %dma_wait3A_124 = tpu.memref_slice %arg3[%dma_wait3A_122, %dma_wait3A_123] : memref<10240x16xf32, #tpu.memory_space<hbm>> -> memref<10240x16xf32, #tpu.memory_space<hbm>>
      tpu.wait_indirect_dma semaphore(%arg17 : memref<!tpu.dma_semaphore, #tpu.memory_space<semaphore_mem>>) src(%dma_wait3A_124 : memref<10240x16xf32, #tpu.memory_space<hbm>>) dst(%arg11 : memref<128x16xf32, #tpu.memory_space<vmem>>)
      "tpu.region"() ({
        %run_scoped3A_132 = tpu.sem_alloc : memref<!tpu.dma_semaphore, #tpu.memory_space<semaphore_mem>>
        %dma_start3A_133 = arith.constant 0 : i32
        %dma_start3A_134 = tpu.memref_slice %arg7[%add3A_118, %dma_start3A_133] : memref<80x128xi32, #tpu.memory_space<vmem>> -> memref<1x128xi32, #tpu.memory_space<vmem>>
        %dma_start3A_135 = tpu.memref_squeeze %dma_start3A_134 : memref<1x128xi32, #tpu.memory_space<vmem>> -> memref<128xi32, #tpu.memory_space<vmem>>
        %dma_start3A_136 = arith.constant 0 : i32
        %dma_start3A_137 = arith.constant 0 : i32
        %dma_start3A_138 = tpu.memref_slice %arg13[%dma_start3A_136, %dma_start3A_137] : memref<10240x16xf32, #tpu.memory_space<vmem_shared>> -> memref<10240x16xf32, #tpu.memory_space<vmem_shared>>
        tpu.enqueue_indirect_dma source(%arg11 : memref<128x16xf32, #tpu.memory_space<vmem>>) target(%dma_start3A_138 : memref<10240x16xf32, #tpu.memory_space<vmem_shared>>) offsets(%dma_start3A_135 : memref<128xi32, #tpu.memory_space<vmem>>) semaphore(%run_scoped3A_132 : memref<!tpu.dma_semaphore, #tpu.memory_space<semaphore_mem>>) {add = true}
        %dma_wait3A_139 = arith.constant 0 : i32
        %dma_wait3A_140 = tpu.memref_slice %arg7[%add3A_118, %dma_wait3A_139] : memref<80x128xi32, #tpu.memory_space<vmem>> -> memref<1x128xi32, #tpu.memory_space<vmem>>
        %dma_wait3A_141 = tpu.memref_squeeze %dma_wait3A_140 : memref<1x128xi32, #tpu.memory_space<vmem>> -> memref<128xi32, #tpu.memory_space<vmem>>
        %dma_wait3A_142 = arith.constant 0 : i32
        %dma_wait3A_143 = arith.constant 0 : i32
        %dma_wait3A_144 = tpu.memref_slice %arg13[%dma_wait3A_142, %dma_wait3A_143] : memref<10240x16xf32, #tpu.memory_space<vmem_shared>> -> memref<10240x16xf32, #tpu.memory_space<vmem_shared>>
        tpu.wait_indirect_dma semaphore(%run_scoped3A_132 : memref<!tpu.dma_semaphore, #tpu.memory_space<semaphore_mem>>) src(%arg11 : memref<128x16xf32, #tpu.memory_space<vmem>>) dst(%dma_wait3A_144 : memref<10240x16xf32, #tpu.memory_space<vmem_shared>>)
        tpu.yield
      }) : () -> ()
      %add3A_125 = arith.constant 4 : i32
      %add3A_126 = arith.addi %add3A_118, %add3A_125 : i32
      %lt3A_127 = arith.constant 80 : i32
      %lt3A_128 = arith.cmpi slt, %add3A_126, %lt3A_127 : i32
      %convert_element_type3A_129 = arith.extui %lt3A_128 : i1 to i32
      %cond3A_130 = arith.constant 0 : i32
      %cond3A_131 = arith.cmpi ne, %convert_element_type3A_129, %cond3A_130 : i32
      scf.if %cond3A_131 {
        %add3A_132 = arith.constant 4 : i32
        %add3A_133 = arith.addi %add3A_118, %add3A_132 : i32
        %dma_start3A_134 = arith.constant 0 : i32
        %dma_start3A_135 = tpu.memref_slice %arg6[%add3A_133, %dma_start3A_134] : memref<80x128xi32, #tpu.memory_space<vmem>> -> memref<1x128xi32, #tpu.memory_space<vmem>>
        %dma_start3A_136 = tpu.memref_squeeze %dma_start3A_135 : memref<1x128xi32, #tpu.memory_space<vmem>> -> memref<128xi32, #tpu.memory_space<vmem>>
        %dma_start3A_137 = arith.constant 0 : i32
        %dma_start3A_138 = arith.constant 0 : i32
        %dma_start3A_139 = tpu.memref_slice %arg3[%dma_start3A_137, %dma_start3A_138] : memref<10240x16xf32, #tpu.memory_space<hbm>> -> memref<10240x16xf32, #tpu.memory_space<hbm>>
        tpu.enqueue_indirect_dma source(%dma_start3A_139 : memref<10240x16xf32, #tpu.memory_space<hbm>>) target(%arg11 : memref<128x16xf32, #tpu.memory_space<vmem>>) offsets(%dma_start3A_136 : memref<128xi32, #tpu.memory_space<vmem>>) semaphore(%arg17 : memref<!tpu.dma_semaphore, #tpu.memory_space<semaphore_mem>>)
      } else {
      }
    }
    %scan3A_45 = arith.constant 20 : i32
    %barrier3A_46 = arith.constant 0 : index
    tpu.barrier barrier_id(%barrier3A_46)
    %add3A_47 = arith.constant 0 : i32
    %add3A_48 = arith.addi %mul3A_3, %add3A_47 : i32
    "tpu.region"() ({
      %run_scoped3A_67 = tpu.sem_alloc : memref<!tpu.dma_semaphore, #tpu.memory_space<semaphore_mem>>
      %dma_start3A_68 = arith.constant 0 : i32
      %dma_start3A_69 = tpu.memref_slice %arg13[%add3A_48, %dma_start3A_68] : memref<10240x16xf32, #tpu.memory_space<vmem_shared>> -> memref<128x16xf32, #tpu.memory_space<vmem_shared>>
      %dma_start3A_70 = arith.constant 0 : i32
      %dma_start3A_71 = tpu.memref_slice %arg13[%add3A_48, %dma_start3A_70] : memref<10240x16xf32, #tpu.memory_space<vmem_shared>> -> memref<128x16xf32, #tpu.memory_space<vmem_shared>>
      tpu.enqueue_dma source(%dma_start3A_71 : memref<128x16xf32, #tpu.memory_space<vmem_shared>>) target(%arg12 : memref<128x16xf32, #tpu.memory_space<vmem>>) target_semaphore(%run_scoped3A_67 : memref<!tpu.dma_semaphore, #tpu.memory_space<semaphore_mem>>)
      %dma_wait3A = arith.constant 0 : i32
      %dma_wait3A_72 = tpu.memref_slice %arg13[%add3A_48, %dma_wait3A] : memref<10240x16xf32, #tpu.memory_space<vmem_shared>> -> memref<128x16xf32, #tpu.memory_space<vmem_shared>>
      %dma_wait3A_73 = arith.constant 0 : i32
      %dma_wait3A_74 = tpu.memref_slice %arg13[%add3A_48, %dma_wait3A_73] : memref<10240x16xf32, #tpu.memory_space<vmem_shared>> -> memref<128x16xf32, #tpu.memory_space<vmem_shared>>
      tpu.wait_dma2 semaphore(%run_scoped3A_67 : memref<!tpu.dma_semaphore, #tpu.memory_space<semaphore_mem>>) src(%dma_wait3A_74 : memref<128x16xf32, #tpu.memory_space<vmem_shared>>) dst(%arg12 : memref<128x16xf32, #tpu.memory_space<vmem>>)
      tpu.yield
    }) : () -> ()
    %add3A_49 = arith.constant 0 : i32
    %add3A_50 = arith.addi %mul3A_3, %add3A_49 : i32
    "tpu.region"() ({
      %run_scoped3A_67 = tpu.sem_alloc : memref<!tpu.dma_semaphore, #tpu.memory_space<semaphore_mem>>
      %dma_start3A_68 = arith.constant 0 : i32
      %dma_start3A_69 = tpu.memref_slice %arg5[%arg0, %add3A_50, %dma_start3A_68] : memref<2x10240x16xf32, #tpu.memory_space<hbm>> -> memref<1x128x16xf32, #tpu.memory_space<hbm>>
      %dma_start3A_70 = tpu.memref_squeeze %dma_start3A_69 : memref<1x128x16xf32, #tpu.memory_space<hbm>> -> memref<128x16xf32, #tpu.memory_space<hbm>>
      %dma_start3A_71 = arith.constant 0 : i32
      %dma_start3A_72 = tpu.memref_slice %arg5[%arg0, %add3A_50, %dma_start3A_71] : memref<2x10240x16xf32, #tpu.memory_space<hbm>> -> memref<1x128x16xf32, #tpu.memory_space<hbm>>
      %dma_start3A_73 = tpu.memref_squeeze %dma_start3A_72 : memref<1x128x16xf32, #tpu.memory_space<hbm>> -> memref<128x16xf32, #tpu.memory_space<hbm>>
      tpu.enqueue_dma source(%arg12 : memref<128x16xf32, #tpu.memory_space<vmem>>) target(%dma_start3A_73 : memref<128x16xf32, #tpu.memory_space<hbm>>) target_semaphore(%run_scoped3A_67 : memref<!tpu.dma_semaphore, #tpu.memory_space<semaphore_mem>>)
      %dma_wait3A = arith.constant 0 : i32
      %dma_wait3A_74 = tpu.memref_slice %arg5[%arg0, %add3A_50, %dma_wait3A] : memref<2x10240x16xf32, #tpu.memory_space<hbm>> -> memref<1x128x16xf32, #tpu.memory_space<hbm>>
      %dma_wait3A_75 = tpu.memref_squeeze %dma_wait3A_74 : memref<1x128x16xf32, #tpu.memory_space<hbm>> -> memref<128x16xf32, #tpu.memory_space<hbm>>
      %dma_wait3A_76 = arith.constant 0 : i32
      %dma_wait3A_77 = tpu.memref_slice %arg5[%arg0, %add3A_50, %dma_wait3A_76] : memref<2x10240x16xf32, #tpu.memory_space<hbm>> -> memref<1x128x16xf32, #tpu.memory_space<hbm>>
      %dma_wait3A_78 = tpu.memref_squeeze %dma_wait3A_77 : memref<1x128x16xf32, #tpu.memory_space<hbm>> -> memref<128x16xf32, #tpu.memory_space<hbm>>
      tpu.wait_dma2 semaphore(%run_scoped3A_67 : memref<!tpu.dma_semaphore, #tpu.memory_space<semaphore_mem>>) src(%arg12 : memref<128x16xf32, #tpu.memory_space<vmem>>) dst(%dma_wait3A_78 : memref<128x16xf32, #tpu.memory_space<hbm>>)
      tpu.yield
    }) : () -> ()
    %add3A_51 = arith.constant 128 : i32
    %add3A_52 = arith.addi %mul3A_3, %add3A_51 : i32
    "tpu.region"() ({
      %run_scoped3A_67 = tpu.sem_alloc : memref<!tpu.dma_semaphore, #tpu.memory_space<semaphore_mem>>
      %dma_start3A_68 = arith.constant 0 : i32
      %dma_start3A_69 = tpu.memref_slice %arg13[%add3A_52, %dma_start3A_68] : memref<10240x16xf32, #tpu.memory_space<vmem_shared>> -> memref<128x16xf32, #tpu.memory_space<vmem_shared>>
      %dma_start3A_70 = arith.constant 0 : i32
      %dma_start3A_71 = tpu.memref_slice %arg13[%add3A_52, %dma_start3A_70] : memref<10240x16xf32, #tpu.memory_space<vmem_shared>> -> memref<128x16xf32, #tpu.memory_space<vmem_shared>>
      tpu.enqueue_dma source(%dma_start3A_71 : memref<128x16xf32, #tpu.memory_space<vmem_shared>>) target(%arg12 : memref<128x16xf32, #tpu.memory_space<vmem>>) target_semaphore(%run_scoped3A_67 : memref<!tpu.dma_semaphore, #tpu.memory_space<semaphore_mem>>)
      %dma_wait3A = arith.constant 0 : i32
      %dma_wait3A_72 = tpu.memref_slice %arg13[%add3A_52, %dma_wait3A] : memref<10240x16xf32, #tpu.memory_space<vmem_shared>> -> memref<128x16xf32, #tpu.memory_space<vmem_shared>>
      %dma_wait3A_73 = arith.constant 0 : i32
      %dma_wait3A_74 = tpu.memref_slice %arg13[%add3A_52, %dma_wait3A_73] : memref<10240x16xf32, #tpu.memory_space<vmem_shared>> -> memref<128x16xf32, #tpu.memory_space<vmem_shared>>
      tpu.wait_dma2 semaphore(%run_scoped3A_67 : memref<!tpu.dma_semaphore, #tpu.memory_space<semaphore_mem>>) src(%dma_wait3A_74 : memref<128x16xf32, #tpu.memory_space<vmem_shared>>) dst(%arg12 : memref<128x16xf32, #tpu.memory_space<vmem>>)
      tpu.yield
    }) : () -> ()
    %add3A_53 = arith.constant 128 : i32
    %add3A_54 = arith.addi %mul3A_3, %add3A_53 : i32
    "tpu.region"() ({
      %run_scoped3A_67 = tpu.sem_alloc : memref<!tpu.dma_semaphore, #tpu.memory_space<semaphore_mem>>
      %dma_start3A_68 = arith.constant 0 : i32
      %dma_start3A_69 = tpu.memref_slice %arg5[%arg0, %add3A_54, %dma_start3A_68] : memref<2x10240x16xf32, #tpu.memory_space<hbm>> -> memref<1x128x16xf32, #tpu.memory_space<hbm>>
      %dma_start3A_70 = tpu.memref_squeeze %dma_start3A_69 : memref<1x128x16xf32, #tpu.memory_space<hbm>> -> memref<128x16xf32, #tpu.memory_space<hbm>>
      %dma_start3A_71 = arith.constant 0 : i32
      %dma_start3A_72 = tpu.memref_slice %arg5[%arg0, %add3A_54, %dma_start3A_71] : memref<2x10240x16xf32, #tpu.memory_space<hbm>> -> memref<1x128x16xf32, #tpu.memory_space<hbm>>
      %dma_start3A_73 = tpu.memref_squeeze %dma_start3A_72 : memref<1x128x16xf32, #tpu.memory_space<hbm>> -> memref<128x16xf32, #tpu.memory_space<hbm>>
      tpu.enqueue_dma source(%arg12 : memref<128x16xf32, #tpu.memory_space<vmem>>) target(%dma_start3A_73 : memref<128x16xf32, #tpu.memory_space<hbm>>) target_semaphore(%run_scoped3A_67 : memref<!tpu.dma_semaphore, #tpu.memory_space<semaphore_mem>>)
      %dma_wait3A = arith.constant 0 : i32
      %dma_wait3A_74 = tpu.memref_slice %arg5[%arg0, %add3A_54, %dma_wait3A] : memref<2x10240x16xf32, #tpu.memory_space<hbm>> -> memref<1x128x16xf32, #tpu.memory_space<hbm>>
      %dma_wait3A_75 = tpu.memref_squeeze %dma_wait3A_74 : memref<1x128x16xf32, #tpu.memory_space<hbm>> -> memref<128x16xf32, #tpu.memory_space<hbm>>
      %dma_wait3A_76 = arith.constant 0 : i32
      %dma_wait3A_77 = tpu.memref_slice %arg5[%arg0, %add3A_54, %dma_wait3A_76] : memref<2x10240x16xf32, #tpu.memory_space<hbm>> -> memref<1x128x16xf32, #tpu.memory_space<hbm>>
      %dma_wait3A_78 = tpu.memref_squeeze %dma_wait3A_77 : memref<1x128x16xf32, #tpu.memory_space<hbm>> -> memref<128x16xf32, #tpu.memory_space<hbm>>
      tpu.wait_dma2 semaphore(%run_scoped3A_67 : memref<!tpu.dma_semaphore, #tpu.memory_space<semaphore_mem>>) src(%arg12 : memref<128x16xf32, #tpu.memory_space<vmem>>) dst(%dma_wait3A_78 : memref<128x16xf32, #tpu.memory_space<hbm>>)
      tpu.yield
    }) : () -> ()
    %add3A_55 = arith.constant 256 : i32
    %add3A_56 = arith.addi %mul3A_3, %add3A_55 : i32
    "tpu.region"() ({
      %run_scoped3A_67 = tpu.sem_alloc : memref<!tpu.dma_semaphore, #tpu.memory_space<semaphore_mem>>
      %dma_start3A_68 = arith.constant 0 : i32
      %dma_start3A_69 = tpu.memref_slice %arg13[%add3A_56, %dma_start3A_68] : memref<10240x16xf32, #tpu.memory_space<vmem_shared>> -> memref<128x16xf32, #tpu.memory_space<vmem_shared>>
      %dma_start3A_70 = arith.constant 0 : i32
      %dma_start3A_71 = tpu.memref_slice %arg13[%add3A_56, %dma_start3A_70] : memref<10240x16xf32, #tpu.memory_space<vmem_shared>> -> memref<128x16xf32, #tpu.memory_space<vmem_shared>>
      tpu.enqueue_dma source(%dma_start3A_71 : memref<128x16xf32, #tpu.memory_space<vmem_shared>>) target(%arg12 : memref<128x16xf32, #tpu.memory_space<vmem>>) target_semaphore(%run_scoped3A_67 : memref<!tpu.dma_semaphore, #tpu.memory_space<semaphore_mem>>)
      %dma_wait3A = arith.constant 0 : i32
      %dma_wait3A_72 = tpu.memref_slice %arg13[%add3A_56, %dma_wait3A] : memref<10240x16xf32, #tpu.memory_space<vmem_shared>> -> memref<128x16xf32, #tpu.memory_space<vmem_shared>>
      %dma_wait3A_73 = arith.constant 0 : i32
      %dma_wait3A_74 = tpu.memref_slice %arg13[%add3A_56, %dma_wait3A_73] : memref<10240x16xf32, #tpu.memory_space<vmem_shared>> -> memref<128x16xf32, #tpu.memory_space<vmem_shared>>
      tpu.wait_dma2 semaphore(%run_scoped3A_67 : memref<!tpu.dma_semaphore, #tpu.memory_space<semaphore_mem>>) src(%dma_wait3A_74 : memref<128x16xf32, #tpu.memory_space<vmem_shared>>) dst(%arg12 : memref<128x16xf32, #tpu.memory_space<vmem>>)
      tpu.yield
    }) : () -> ()
    %add3A_57 = arith.constant 256 : i32
    %add3A_58 = arith.addi %mul3A_3, %add3A_57 : i32
    "tpu.region"() ({
      %run_scoped3A_67 = tpu.sem_alloc : memref<!tpu.dma_semaphore, #tpu.memory_space<semaphore_mem>>
      %dma_start3A_68 = arith.constant 0 : i32
      %dma_start3A_69 = tpu.memref_slice %arg5[%arg0, %add3A_58, %dma_start3A_68] : memref<2x10240x16xf32, #tpu.memory_space<hbm>> -> memref<1x128x16xf32, #tpu.memory_space<hbm>>
      %dma_start3A_70 = tpu.memref_squeeze %dma_start3A_69 : memref<1x128x16xf32, #tpu.memory_space<hbm>> -> memref<128x16xf32, #tpu.memory_space<hbm>>
      %dma_start3A_71 = arith.constant 0 : i32
      %dma_start3A_72 = tpu.memref_slice %arg5[%arg0, %add3A_58, %dma_start3A_71] : memref<2x10240x16xf32, #tpu.memory_space<hbm>> -> memref<1x128x16xf32, #tpu.memory_space<hbm>>
      %dma_start3A_73 = tpu.memref_squeeze %dma_start3A_72 : memref<1x128x16xf32, #tpu.memory_space<hbm>> -> memref<128x16xf32, #tpu.memory_space<hbm>>
      tpu.enqueue_dma source(%arg12 : memref<128x16xf32, #tpu.memory_space<vmem>>) target(%dma_start3A_73 : memref<128x16xf32, #tpu.memory_space<hbm>>) target_semaphore(%run_scoped3A_67 : memref<!tpu.dma_semaphore, #tpu.memory_space<semaphore_mem>>)
      %dma_wait3A = arith.constant 0 : i32
      %dma_wait3A_74 = tpu.memref_slice %arg5[%arg0, %add3A_58, %dma_wait3A] : memref<2x10240x16xf32, #tpu.memory_space<hbm>> -> memref<1x128x16xf32, #tpu.memory_space<hbm>>
      %dma_wait3A_75 = tpu.memref_squeeze %dma_wait3A_74 : memref<1x128x16xf32, #tpu.memory_space<hbm>> -> memref<128x16xf32, #tpu.memory_space<hbm>>
      %dma_wait3A_76 = arith.constant 0 : i32
      %dma_wait3A_77 = tpu.memref_slice %arg5[%arg0, %add3A_58, %dma_wait3A_76] : memref<2x10240x16xf32, #tpu.memory_space<hbm>> -> memref<1x128x16xf32, #tpu.memory_space<hbm>>
      %dma_wait3A_78 = tpu.memref_squeeze %dma_wait3A_77 : memref<1x128x16xf32, #tpu.memory_space<hbm>> -> memref<128x16xf32, #tpu.memory_space<hbm>>
      tpu.wait_dma2 semaphore(%run_scoped3A_67 : memref<!tpu.dma_semaphore, #tpu.memory_space<semaphore_mem>>) src(%arg12 : memref<128x16xf32, #tpu.memory_space<vmem>>) dst(%dma_wait3A_78 : memref<128x16xf32, #tpu.memory_space<hbm>>)
      tpu.yield
    }) : () -> ()
    %add3A_59 = arith.constant 384 : i32
    %add3A_60 = arith.addi %mul3A_3, %add3A_59 : i32
    "tpu.region"() ({
      %run_scoped3A_67 = tpu.sem_alloc : memref<!tpu.dma_semaphore, #tpu.memory_space<semaphore_mem>>
      %dma_start3A_68 = arith.constant 0 : i32
      %dma_start3A_69 = tpu.memref_slice %arg13[%add3A_60, %dma_start3A_68] : memref<10240x16xf32, #tpu.memory_space<vmem_shared>> -> memref<128x16xf32, #tpu.memory_space<vmem_shared>>
      %dma_start3A_70 = arith.constant 0 : i32
      %dma_start3A_71 = tpu.memref_slice %arg13[%add3A_60, %dma_start3A_70] : memref<10240x16xf32, #tpu.memory_space<vmem_shared>> -> memref<128x16xf32, #tpu.memory_space<vmem_shared>>
      tpu.enqueue_dma source(%dma_start3A_71 : memref<128x16xf32, #tpu.memory_space<vmem_shared>>) target(%arg12 : memref<128x16xf32, #tpu.memory_space<vmem>>) target_semaphore(%run_scoped3A_67 : memref<!tpu.dma_semaphore, #tpu.memory_space<semaphore_mem>>)
      %dma_wait3A = arith.constant 0 : i32
      %dma_wait3A_72 = tpu.memref_slice %arg13[%add3A_60, %dma_wait3A] : memref<10240x16xf32, #tpu.memory_space<vmem_shared>> -> memref<128x16xf32, #tpu.memory_space<vmem_shared>>
      %dma_wait3A_73 = arith.constant 0 : i32
      %dma_wait3A_74 = tpu.memref_slice %arg13[%add3A_60, %dma_wait3A_73] : memref<10240x16xf32, #tpu.memory_space<vmem_shared>> -> memref<128x16xf32, #tpu.memory_space<vmem_shared>>
      tpu.wait_dma2 semaphore(%run_scoped3A_67 : memref<!tpu.dma_semaphore, #tpu.memory_space<semaphore_mem>>) src(%dma_wait3A_74 : memref<128x16xf32, #tpu.memory_space<vmem_shared>>) dst(%arg12 : memref<128x16xf32, #tpu.memory_space<vmem>>)
      tpu.yield
    }) : () -> ()
    %add3A_61 = arith.constant 384 : i32
    %add3A_62 = arith.addi %mul3A_3, %add3A_61 : i32
    "tpu.region"() ({
      %run_scoped3A_67 = tpu.sem_alloc : memref<!tpu.dma_semaphore, #tpu.memory_space<semaphore_mem>>
      %dma_start3A_68 = arith.constant 0 : i32
      %dma_start3A_69 = tpu.memref_slice %arg5[%arg0, %add3A_62, %dma_start3A_68] : memref<2x10240x16xf32, #tpu.memory_space<hbm>> -> memref<1x128x16xf32, #tpu.memory_space<hbm>>
      %dma_start3A_70 = tpu.memref_squeeze %dma_start3A_69 : memref<1x128x16xf32, #tpu.memory_space<hbm>> -> memref<128x16xf32, #tpu.memory_space<hbm>>
      %dma_start3A_71 = arith.constant 0 : i32
      %dma_start3A_72 = tpu.memref_slice %arg5[%arg0, %add3A_62, %dma_start3A_71] : memref<2x10240x16xf32, #tpu.memory_space<hbm>> -> memref<1x128x16xf32, #tpu.memory_space<hbm>>
      %dma_start3A_73 = tpu.memref_squeeze %dma_start3A_72 : memref<1x128x16xf32, #tpu.memory_space<hbm>> -> memref<128x16xf32, #tpu.memory_space<hbm>>
      tpu.enqueue_dma source(%arg12 : memref<128x16xf32, #tpu.memory_space<vmem>>) target(%dma_start3A_73 : memref<128x16xf32, #tpu.memory_space<hbm>>) target_semaphore(%run_scoped3A_67 : memref<!tpu.dma_semaphore, #tpu.memory_space<semaphore_mem>>)
      %dma_wait3A = arith.constant 0 : i32
      %dma_wait3A_74 = tpu.memref_slice %arg5[%arg0, %add3A_62, %dma_wait3A] : memref<2x10240x16xf32, #tpu.memory_space<hbm>> -> memref<1x128x16xf32, #tpu.memory_space<hbm>>
      %dma_wait3A_75 = tpu.memref_squeeze %dma_wait3A_74 : memref<1x128x16xf32, #tpu.memory_space<hbm>> -> memref<128x16xf32, #tpu.memory_space<hbm>>
      %dma_wait3A_76 = arith.constant 0 : i32
      %dma_wait3A_77 = tpu.memref_slice %arg5[%arg0, %add3A_62, %dma_wait3A_76] : memref<2x10240x16xf32, #tpu.memory_space<hbm>> -> memref<1x128x16xf32, #tpu.memory_space<hbm>>
      %dma_wait3A_78 = tpu.memref_squeeze %dma_wait3A_77 : memref<1x128x16xf32, #tpu.memory_space<hbm>> -> memref<128x16xf32, #tpu.memory_space<hbm>>
      tpu.wait_dma2 semaphore(%run_scoped3A_67 : memref<!tpu.dma_semaphore, #tpu.memory_space<semaphore_mem>>) src(%arg12 : memref<128x16xf32, #tpu.memory_space<vmem>>) dst(%dma_wait3A_78 : memref<128x16xf32, #tpu.memory_space<hbm>>)
      tpu.yield
    }) : () -> ()
    %add3A_63 = arith.constant 512 : i32
    %add3A_64 = arith.addi %mul3A_3, %add3A_63 : i32
    "tpu.region"() ({
      %run_scoped3A_67 = tpu.sem_alloc : memref<!tpu.dma_semaphore, #tpu.memory_space<semaphore_mem>>
      %dma_start3A_68 = arith.constant 0 : i32
      %dma_start3A_69 = tpu.memref_slice %arg13[%add3A_64, %dma_start3A_68] : memref<10240x16xf32, #tpu.memory_space<vmem_shared>> -> memref<128x16xf32, #tpu.memory_space<vmem_shared>>
      %dma_start3A_70 = arith.constant 0 : i32
      %dma_start3A_71 = tpu.memref_slice %arg13[%add3A_64, %dma_start3A_70] : memref<10240x16xf32, #tpu.memory_space<vmem_shared>> -> memref<128x16xf32, #tpu.memory_space<vmem_shared>>
      tpu.enqueue_dma source(%dma_start3A_71 : memref<128x16xf32, #tpu.memory_space<vmem_shared>>) target(%arg12 : memref<128x16xf32, #tpu.memory_space<vmem>>) target_semaphore(%run_scoped3A_67 : memref<!tpu.dma_semaphore, #tpu.memory_space<semaphore_mem>>)
      %dma_wait3A = arith.constant 0 : i32
      %dma_wait3A_72 = tpu.memref_slice %arg13[%add3A_64, %dma_wait3A] : memref<10240x16xf32, #tpu.memory_space<vmem_shared>> -> memref<128x16xf32, #tpu.memory_space<vmem_shared>>
      %dma_wait3A_73 = arith.constant 0 : i32
      %dma_wait3A_74 = tpu.memref_slice %arg13[%add3A_64, %dma_wait3A_73] : memref<10240x16xf32, #tpu.memory_space<vmem_shared>> -> memref<128x16xf32, #tpu.memory_space<vmem_shared>>
      tpu.wait_dma2 semaphore(%run_scoped3A_67 : memref<!tpu.dma_semaphore, #tpu.memory_space<semaphore_mem>>) src(%dma_wait3A_74 : memref<128x16xf32, #tpu.memory_space<vmem_shared>>) dst(%arg12 : memref<128x16xf32, #tpu.memory_space<vmem>>)
      tpu.yield
    }) : () -> ()
    %add3A_65 = arith.constant 512 : i32
    %add3A_66 = arith.addi %mul3A_3, %add3A_65 : i32
    "tpu.region"() ({
      %run_scoped3A_67 = tpu.sem_alloc : memref<!tpu.dma_semaphore, #tpu.memory_space<semaphore_mem>>
      %dma_start3A_68 = arith.constant 0 : i32
      %dma_start3A_69 = tpu.memref_slice %arg5[%arg0, %add3A_66, %dma_start3A_68] : memref<2x10240x16xf32, #tpu.memory_space<hbm>> -> memref<1x128x16xf32, #tpu.memory_space<hbm>>
      %dma_start3A_70 = tpu.memref_squeeze %dma_start3A_69 : memref<1x128x16xf32, #tpu.memory_space<hbm>> -> memref<128x16xf32, #tpu.memory_space<hbm>>
      %dma_start3A_71 = arith.constant 0 : i32
      %dma_start3A_72 = tpu.memref_slice %arg5[%arg0, %add3A_66, %dma_start3A_71] : memref<2x10240x16xf32, #tpu.memory_space<hbm>> -> memref<1x128x16xf32, #tpu.memory_space<hbm>>
      %dma_start3A_73 = tpu.memref_squeeze %dma_start3A_72 : memref<1x128x16xf32, #tpu.memory_space<hbm>> -> memref<128x16xf32, #tpu.memory_space<hbm>>
      tpu.enqueue_dma source(%arg12 : memref<128x16xf32, #tpu.memory_space<vmem>>) target(%dma_start3A_73 : memref<128x16xf32, #tpu.memory_space<hbm>>) target_semaphore(%run_scoped3A_67 : memref<!tpu.dma_semaphore, #tpu.memory_space<semaphore_mem>>)
      %dma_wait3A = arith.constant 0 : i32
      %dma_wait3A_74 = tpu.memref_slice %arg5[%arg0, %add3A_66, %dma_wait3A] : memref<2x10240x16xf32, #tpu.memory_space<hbm>> -> memref<1x128x16xf32, #tpu.memory_space<hbm>>
      %dma_wait3A_75 = tpu.memref_squeeze %dma_wait3A_74 : memref<1x128x16xf32, #tpu.memory_space<hbm>> -> memref<128x16xf32, #tpu.memory_space<hbm>>
      %dma_wait3A_76 = arith.constant 0 : i32
      %dma_wait3A_77 = tpu.memref_slice %arg5[%arg0, %add3A_66, %dma_wait3A_76] : memref<2x10240x16xf32, #tpu.memory_space<hbm>> -> memref<1x128x16xf32, #tpu.memory_space<hbm>>
      %dma_wait3A_78 = tpu.memref_squeeze %dma_wait3A_77 : memref<1x128x16xf32, #tpu.memory_space<hbm>> -> memref<128x16xf32, #tpu.memory_space<hbm>>
      tpu.wait_dma2 semaphore(%run_scoped3A_67 : memref<!tpu.dma_semaphore, #tpu.memory_space<semaphore_mem>>) src(%arg12 : memref<128x16xf32, #tpu.memory_space<vmem>>) dst(%dma_wait3A_78 : memref<128x16xf32, #tpu.memory_space<hbm>>)
      tpu.yield
    }) : () -> ()
    return
  }
}

module attributes {stable_mosaic.version = 14 : i64} {
  func.func @body(%arg0: memref<10000x128xf32, #tpu.memory_space<vmem>>, %arg1: memref<128x64xf32, #tpu.memory_space<vmem>>, %arg2: memref<10000x64xf32, #tpu.memory_space<vmem>>) attributes {dimension_semantics = [], scalar_prefetch = 0 : i64, scratch_operands = 0 : i64, tpu.core_type = #tpu.core_type<tc>} {
    %get3A = arith.constant 0 : index
    %get3A_0 = arith.constant 0 : index
    %get3A_1 = vector.load %arg0[%get3A, %get3A_0] : memref<10000x128xf32, #tpu.memory_space<vmem>>, vector<10000x128xf32>
    %get3A_2 = arith.constant 0 : index
    %get3A_3 = arith.constant 0 : index
    %get3A_4 = vector.load %arg1[%get3A_2, %get3A_3] : memref<128x64xf32, #tpu.memory_space<vmem>>, vector<128x64xf32>
    %dot_general3A = arith.constant dense<0.000000e+00> : vector<10000x64xf32>
    %dot_general3A_5 = tpu.matmul %get3A_1, %get3A_4, %dot_general3A {dimension_numbers = #tpu.dot_dimension_numbers<[1], [0], [0], [1], [0, 0, 1, 1], [], []>, transpose_lhs_hint = false} : vector<10000x128xf32>, vector<128x64xf32>, vector<10000x64xf32> -> vector<10000x64xf32>
    %swap3A = arith.constant 0 : index
    %swap3A_6 = arith.constant 0 : index
    %swap3A_7 = vector.load %arg2[%swap3A, %swap3A_6] : memref<10000x64xf32, #tpu.memory_space<vmem>>, vector<10000x64xf32>
    tpu.vector_store %arg2[%swap3A, %swap3A_6], %dot_general3A_5 {strides = array<i32>} : memref<10000x64xf32, #tpu.memory_space<vmem>>, vector<10000x64xf32>,
    return
  }
}

module attributes {stable_mosaic.version = 14 : i64} {
  func.func @body(%arg0: memref<2x10240x8xf32, #tpu.memory_space<vmem>>, %arg1: memref<10000x64xf32, #tpu.memory_space<vmem>>, %arg2: memref<10240x64xf32, #tpu.memory_space<vmem>>, %arg3: memref<10000x64xf32, #tpu.memory_space<vmem>>) attributes {dimension_semantics = [], scalar_prefetch = 0 : i64, scratch_operands = 0 : i64, tpu.core_type = #tpu.core_type<tc>} {
    %get3A = arith.constant 0 : index
    %get3A_0 = arith.constant 0 : index
    %get3A_1 = arith.constant 0 : index
    %get3A_2 = vector.load %arg0[%get3A, %get3A_0, %get3A_1] : memref<2x10240x8xf32, #tpu.memory_space<vmem>>, vector<2x10240x8xf32>
    %slice3A = vector.extract_strided_slice %get3A_2 {offsets = [0, 0, 0], sizes = [1, 10000, 1], strides = [1, 1, 1]} : vector<2x10240x8xf32> to vector<1x10000x1xf32>
    %squeeze3A = vector.shape_cast %slice3A : vector<1x10000x1xf32> to vector<10000x1xf32>
    %slice3A_3 = vector.extract_strided_slice %get3A_2 {offsets = [1, 0, 0], sizes = [1, 10000, 1], strides = [1, 1, 1]} : vector<2x10240x8xf32> to vector<1x10000x1xf32>
    %squeeze3A_4 = vector.shape_cast %slice3A_3 : vector<1x10000x1xf32> to vector<10000x1xf32>
    %add3A = arith.addf %squeeze3A, %squeeze3A_4 : vector<10000x1xf32>
    %add3A_5 = arith.constant 1.000000e+00 : f32
    %add3A_6 = vector.broadcast %add3A_5 : f32 to vector<10000x1xf32>
    %add3A_7 = arith.addf %add3A, %add3A_6 : vector<10000x1xf32>
    %rsqrt3A = math.rsqrt %add3A_7 : vector<10000x1xf32>
    %get3A_8 = arith.constant 0 : index
    %get3A_9 = arith.constant 0 : index
    %get3A_10 = vector.load %arg1[%get3A_8, %get3A_9] : memref<10000x64xf32, #tpu.memory_space<vmem>>, vector<10000x64xf32>
    %mul3A = vector.broadcast %rsqrt3A : vector<10000x1xf32> to vector<10000x64xf32>
    %mul3A_11 = arith.mulf %mul3A, %get3A_10 : vector<10000x64xf32>
    %swap3A = arith.constant 0 : index
    %swap3A_12 = arith.constant 0 : index
    %swap3A_13 = vector.load %arg2[%swap3A, %swap3A_12] : memref<10240x64xf32, #tpu.memory_space<vmem>>, vector<10000x64xf32>
    tpu.vector_store %arg2[%swap3A, %swap3A_12], %mul3A_11 {strides = array<i32>} : memref<10240x64xf32, #tpu.memory_space<vmem>>, vector<10000x64xf32>,
    %mul3A_14 = arith.mulf %rsqrt3A, %rsqrt3A : vector<10000x1xf32>
    %mul3A_15 = vector.broadcast %mul3A_14 : vector<10000x1xf32> to vector<10000x64xf32>
    %mul3A_16 = arith.mulf %mul3A_15, %get3A_10 : vector<10000x64xf32>
    %swap3A_17 = arith.constant 0 : index
    %swap3A_18 = arith.constant 0 : index
    %swap3A_19 = vector.load %arg3[%swap3A_17, %swap3A_18] : memref<10000x64xf32, #tpu.memory_space<vmem>>, vector<10000x64xf32>
    tpu.vector_store %arg3[%swap3A_17, %swap3A_18], %mul3A_16 {strides = array<i32>} : memref<10000x64xf32, #tpu.memory_space<vmem>>, vector<10000x64xf32>,
    return
  }
}

module attributes {stable_mosaic.version = 14 : i64} {
  func.func @body(%arg0: memref<2x10240x8xf32, #tpu.memory_space<vmem>>, %arg1: memref<2x10240x64xf32, #tpu.memory_space<vmem>>, %arg2: memref<10000x64xf32, #tpu.memory_space<vmem>>, %arg3: memref<1x64xf32, #tpu.memory_space<vmem>>, %arg4: memref<64x16xf32, #tpu.memory_space<vmem>>, %arg5: memref<10240x16xf32, #tpu.memory_space<vmem>>, %arg6: memref<10000x16xf32, #tpu.memory_space<vmem>>) attributes {dimension_semantics = [], scalar_prefetch = 0 : i64, scratch_operands = 0 : i64, tpu.core_type = #tpu.core_type<tc>} {
    %get3A = arith.constant 0 : index
    %get3A_0 = arith.constant 0 : index
    %get3A_1 = arith.constant 0 : index
    %get3A_2 = vector.load %arg0[%get3A, %get3A_0, %get3A_1] : memref<2x10240x8xf32, #tpu.memory_space<vmem>>, vector<2x10240x8xf32>
    %slice3A = vector.extract_strided_slice %get3A_2 {offsets = [0, 0, 0], sizes = [1, 10000, 1], strides = [1, 1, 1]} : vector<2x10240x8xf32> to vector<1x10000x1xf32>
    %squeeze3A = vector.shape_cast %slice3A : vector<1x10000x1xf32> to vector<10000x1xf32>
    %slice3A_3 = vector.extract_strided_slice %get3A_2 {offsets = [1, 0, 0], sizes = [1, 10000, 1], strides = [1, 1, 1]} : vector<2x10240x8xf32> to vector<1x10000x1xf32>
    %squeeze3A_4 = vector.shape_cast %slice3A_3 : vector<1x10000x1xf32> to vector<10000x1xf32>
    %add3A = arith.addf %squeeze3A, %squeeze3A_4 : vector<10000x1xf32>
    %add3A_5 = arith.constant 1.000000e+00 : f32
    %add3A_6 = vector.broadcast %add3A_5 : f32 to vector<10000x1xf32>
    %add3A_7 = arith.addf %add3A, %add3A_6 : vector<10000x1xf32>
    %rsqrt3A = math.rsqrt %add3A_7 : vector<10000x1xf32>
    %get3A_8 = arith.constant 0 : index
    %get3A_9 = arith.constant 0 : index
    %get3A_10 = arith.constant 0 : index
    %get3A_11 = vector.load %arg1[%get3A_8, %get3A_9, %get3A_10] : memref<2x10240x64xf32, #tpu.memory_space<vmem>>, vector<2x10240x64xf32>
    %slice3A_12 = vector.extract_strided_slice %get3A_11 {offsets = [0, 0, 0], sizes = [1, 10000, 64], strides = [1, 1, 1]} : vector<2x10240x64xf32> to vector<1x10000x64xf32>
    %squeeze3A_13 = vector.shape_cast %slice3A_12 : vector<1x10000x64xf32> to vector<10000x64xf32>
    %slice3A_14 = vector.extract_strided_slice %get3A_11 {offsets = [1, 0, 0], sizes = [1, 10000, 64], strides = [1, 1, 1]} : vector<2x10240x64xf32> to vector<1x10000x64xf32>
    %squeeze3A_15 = vector.shape_cast %slice3A_14 : vector<1x10000x64xf32> to vector<10000x64xf32>
    %add3A_16 = arith.addf %squeeze3A_13, %squeeze3A_15 : vector<10000x64xf32>
    %mul3A = vector.broadcast %rsqrt3A : vector<10000x1xf32> to vector<10000x64xf32>
    %mul3A_17 = arith.mulf %mul3A, %add3A_16 : vector<10000x64xf32>
    %get3A_18 = arith.constant 0 : index
    %get3A_19 = arith.constant 0 : index
    %get3A_20 = vector.load %arg2[%get3A_18, %get3A_19] : memref<10000x64xf32, #tpu.memory_space<vmem>>, vector<10000x64xf32>
    %add3A_21 = arith.addf %mul3A_17, %get3A_20 : vector<10000x64xf32>
    %get3A_22 = arith.constant 0 : index
    %get3A_23 = arith.constant 0 : index
    %get3A_24 = vector.load %arg3[%get3A_22, %get3A_23] : memref<1x64xf32, #tpu.memory_space<vmem>>, vector<1x64xf32>
    %add3A_25 = vector.broadcast %get3A_24 : vector<1x64xf32> to vector<10000x64xf32>
    %add3A_26 = arith.addf %add3A_21, %add3A_25 : vector<10000x64xf32>
    %max3A = arith.constant 0.000000e+00 : f32
    %max3A_27 = vector.broadcast %max3A : f32 to vector<10000x64xf32>
    %max3A_28 = arith.maximumf %add3A_26, %max3A_27 : vector<10000x64xf32>
    %get3A_29 = arith.constant 0 : index
    %get3A_30 = arith.constant 0 : index
    %get3A_31 = vector.load %arg4[%get3A_29, %get3A_30] : memref<64x16xf32, #tpu.memory_space<vmem>>, vector<64x16xf32>
    %dot_general3A = arith.constant dense<0.000000e+00> : vector<10000x16xf32>
    %dot_general3A_32 = tpu.matmul %max3A_28, %get3A_31, %dot_general3A {dimension_numbers = #tpu.dot_dimension_numbers<[1], [0], [0], [1], [0, 0, 1, 1], [], []>, transpose_lhs_hint = false} : vector<10000x64xf32>, vector<64x16xf32>, vector<10000x16xf32> -> vector<10000x16xf32>
    %mul3A_33 = vector.broadcast %rsqrt3A : vector<10000x1xf32> to vector<10000x16xf32>
    %mul3A_34 = arith.mulf %mul3A_33, %dot_general3A_32 : vector<10000x16xf32>
    %swap3A = arith.constant 0 : index
    %swap3A_35 = arith.constant 0 : index
    %swap3A_36 = vector.load %arg5[%swap3A, %swap3A_35] : memref<10240x16xf32, #tpu.memory_space<vmem>>, vector<10000x16xf32>
    tpu.vector_store %arg5[%swap3A, %swap3A_35], %mul3A_34 {strides = array<i32>} : memref<10240x16xf32, #tpu.memory_space<vmem>>, vector<10000x16xf32>,
    %mul3A_37 = vector.broadcast %rsqrt3A : vector<10000x1xf32> to vector<10000x16xf32>
    %mul3A_38 = arith.mulf %mul3A_37, %mul3A_34 : vector<10000x16xf32>
    %swap3A_39 = arith.constant 0 : index
    %swap3A_40 = arith.constant 0 : index
    %swap3A_41 = vector.load %arg6[%swap3A_39, %swap3A_40] : memref<10000x16xf32, #tpu.memory_space<vmem>>, vector<10000x16xf32>
    tpu.vector_store %arg6[%swap3A_39, %swap3A_40], %mul3A_38 {strides = array<i32>} : memref<10000x16xf32, #tpu.memory_space<vmem>>, vector<10000x16xf32>,
    return
  }
}

module attributes {stable_mosaic.version = 14 : i64} {
  func.func @body(%arg0: memref<2x10240x8xf32, #tpu.memory_space<vmem>>, %arg1: memref<2x10240x16xf32, #tpu.memory_space<vmem>>, %arg2: memref<10000x16xf32, #tpu.memory_space<vmem>>, %arg3: memref<1x16xf32, #tpu.memory_space<vmem>>, %arg4: memref<10000x16xf32, #tpu.memory_space<vmem>>) attributes {dimension_semantics = [], scalar_prefetch = 0 : i64, scratch_operands = 0 : i64, tpu.core_type = #tpu.core_type<tc>} {
    %get3A = arith.constant 0 : index
    %get3A_0 = arith.constant 0 : index
    %get3A_1 = arith.constant 0 : index
    %get3A_2 = vector.load %arg0[%get3A, %get3A_0, %get3A_1] : memref<2x10240x8xf32, #tpu.memory_space<vmem>>, vector<2x10240x8xf32>
    %slice3A = vector.extract_strided_slice %get3A_2 {offsets = [0, 0, 0], sizes = [1, 10000, 1], strides = [1, 1, 1]} : vector<2x10240x8xf32> to vector<1x10000x1xf32>
    %squeeze3A = vector.shape_cast %slice3A : vector<1x10000x1xf32> to vector<10000x1xf32>
    %slice3A_3 = vector.extract_strided_slice %get3A_2 {offsets = [1, 0, 0], sizes = [1, 10000, 1], strides = [1, 1, 1]} : vector<2x10240x8xf32> to vector<1x10000x1xf32>
    %squeeze3A_4 = vector.shape_cast %slice3A_3 : vector<1x10000x1xf32> to vector<10000x1xf32>
    %add3A = arith.addf %squeeze3A, %squeeze3A_4 : vector<10000x1xf32>
    %add3A_5 = arith.constant 1.000000e+00 : f32
    %add3A_6 = vector.broadcast %add3A_5 : f32 to vector<10000x1xf32>
    %add3A_7 = arith.addf %add3A, %add3A_6 : vector<10000x1xf32>
    %rsqrt3A = math.rsqrt %add3A_7 : vector<10000x1xf32>
    %get3A_8 = arith.constant 0 : index
    %get3A_9 = arith.constant 0 : index
    %get3A_10 = arith.constant 0 : index
    %get3A_11 = vector.load %arg1[%get3A_8, %get3A_9, %get3A_10] : memref<2x10240x16xf32, #tpu.memory_space<vmem>>, vector<2x10240x16xf32>
    %slice3A_12 = vector.extract_strided_slice %get3A_11 {offsets = [0, 0, 0], sizes = [1, 10000, 16], strides = [1, 1, 1]} : vector<2x10240x16xf32> to vector<1x10000x16xf32>
    %squeeze3A_13 = vector.shape_cast %slice3A_12 : vector<1x10000x16xf32> to vector<10000x16xf32>
    %slice3A_14 = vector.extract_strided_slice %get3A_11 {offsets = [1, 0, 0], sizes = [1, 10000, 16], strides = [1, 1, 1]} : vector<2x10240x16xf32> to vector<1x10000x16xf32>
    %squeeze3A_15 = vector.shape_cast %slice3A_14 : vector<1x10000x16xf32> to vector<10000x16xf32>
    %add3A_16 = arith.addf %squeeze3A_13, %squeeze3A_15 : vector<10000x16xf32>
    %mul3A = vector.broadcast %rsqrt3A : vector<10000x1xf32> to vector<10000x16xf32>
    %mul3A_17 = arith.mulf %mul3A, %add3A_16 : vector<10000x16xf32>
    %get3A_18 = arith.constant 0 : index
    %get3A_19 = arith.constant 0 : index
    %get3A_20 = vector.load %arg2[%get3A_18, %get3A_19] : memref<10000x16xf32, #tpu.memory_space<vmem>>, vector<10000x16xf32>
    %add3A_21 = arith.addf %mul3A_17, %get3A_20 : vector<10000x16xf32>
    %get3A_22 = arith.constant 0 : index
    %get3A_23 = arith.constant 0 : index
    %get3A_24 = vector.load %arg3[%get3A_22, %get3A_23] : memref<1x16xf32, #tpu.memory_space<vmem>>, vector<1x16xf32>
    %add3A_25 = vector.broadcast %get3A_24 : vector<1x16xf32> to vector<10000x16xf32>
    %add3A_26 = arith.addf %add3A_21, %add3A_25 : vector<10000x16xf32>
    %swap3A = arith.constant 0 : index
    %swap3A_27 = arith.constant 0 : index
    %swap3A_28 = vector.load %arg4[%swap3A, %swap3A_27] : memref<10000x16xf32, #tpu.memory_space<vmem>>, vector<10000x16xf32>
    tpu.vector_store %arg4[%swap3A, %swap3A_27], %add3A_26 {strides = array<i32>} : memref<10000x16xf32, #tpu.memory_space<vmem>>, vector<10000x16xf32>,
    return
  }
}

</mosaic_0001>

<sc_bundles>
// kernel: kernel.12.cloned.1.call-start
scs
__scs_entry_jumppad:
0x0: {  	(pc) =	sbr.rel $0x88, $3  }
0x1: {  	(tag) =	ssettag $0x0;
	lr =	simm.s32 $0x1  }
0x2: {  	[smem:$0x3F9B] =	sst lr;
	_ =	strace $0xD0000000  }
0x3: {  	_ = 	snop  }
0x4: {  	_ = 	snop  }
0x5: {  	_ = 	snop  }
0x6: {  	_ = 	snop  }
0x7: {  	_ = 	snop  }
__scs_overlays_trampoline_lowered:
0x8: {  	[smem:$0x3FAA] =	sst s0  }
0x9: {  	[smem:$0x3FAB] =	sst s1  }
0xa: {  	[smem:$0x3FAC] =	sst s2  }
0xb: {  	[smem:$0x3FAD] =	sst s3  }
0xc: {  	[smem:$0x3FAE] =	sst s4  }
0xd: {  	[smem:$0x3FAF] =	sst s5  }
0xe: {  	[smem:$0x3FB0] =	sst s6  }
0xf: {  	[smem:$0x3FB1] =	sst s7  }
0x10: {  	[smem:$0x3FB2] =	sst s8  }
0x11: {  	[smem:$0x3FB3] =	sst s9;
	s0 =	simm.s32 @!p0 $0x0  }
0x12: {  	s1 =	sld [smem:$0x3F99];
	s0 =	simm.s32 @p0 $0x1  }
0x13: {  	[smem:$0x3FB4] =	sst s0;
	s0 =	simm.s32 @!p1 $0x0  }
0x14: {  	s2 =	sld [smem:$0x3F98];
	s0 =	simm.s32 @p1 $0x1  }
0x15: {  	[smem:$0x3FB5] =	sst s0;
	s0 =	simm.s32 @!p2 $0x0  }
0x16: {  	s3 =	sld [smem:$0x3FDB];
	s0 =	simm.s32 @p2 $0x1  }
0x17: {  	s4 =	simm.s32 $0x1BF5;
	[smem:$0x3FB7] =	sst s0  }
0x18: {  	s0 =	sld [smem:$0x3F9A];
	_ =	swait.ge [sflag:s4], $0x0  }
0x19: {  	s7 =	sld [smem:$0x3F9B]  }
0x1a: {  	s8 =	sadd.s32 $0xFFFFE003, lr  }
0x1b: {  	s9 =	sadd.s32 $0xFFFFFEF7, lr;
	s5 =	simm.s32 $0xFFFFFFFF;
	p2 =	slt.u32 s8, $0xFFFFF086  }
0x1c: {  	p1 =	slt.u32 s9, $0xF7A;
	s5 =	simm.s32 @!p2 $0x0  }
0x1d: {  	s5 =	simm.s32 @p1 $0x1;
	p0 =	seq.s32 s7, s2  }
0x1e: {  	s7 =	smul.u32 @!p0 $0xF7A, s2;
	p2 =	seq.s32 @!p0 s5, $0x0  }
0x1f: {  	s9 =	smul.u32 $0xF7A, s1;
	s8 =	simm.s32 @!p0 $0x1BF5;
	p2 =	por !p2, p0  }
0x20: {  	[sflag:s8] =	ssyncset.s32 @!p0 $0xFFFFF086;
	s6 =	sadd.s32 @!p0 s3, s7;
	s7 =	simm.s32 @!p0 $0x108  }
0x21: {  	s3 =	sadd.s32 s3, s9;
	s6 =	sadd.s32 @!p0 $0x88, s6;
	s7 =	simm.s32 @p2 $0x1082  }
0x22: {  	[simem:s7], [sflag:s8] =	dma.local @!p0 [hbm:s6], $0xF7A  }
0x23: {  	s9 =	sor.u32 $0xD0000000, s2;
	s6 =	simm.s32 $0x108;
	_ =	swait.ge @!p0 [sflag:s8], $0x0  }
0x24: {  	s3 =	sadd.s32 $0x88, s3;
	s6 =	simm.s32 @!p1 $0x1082;
	[sflag:s4] =	ssyncset.s32 $0xFFFFF086  }
0x25: {  	[simem:s6], [sflag:s4] =	dma.local [hbm:s3], $0xF7A  }
0x26: {  	[smem:$0x3F9B] =	sst s1;
	(tag) =	ssettag s2;
	_ =	strace s9  }
0x27: {  	s1 =	sld [smem:$0x3FAB]  }
0x28: {  	s2 =	sld [smem:$0x3FAC]  }
0x29: {  	s4 =	sld [smem:$0x3FAE]  }
0x2a: {  	p0 =	seq.s32 s5, $0x0;
	s5 =	sld [smem:$0x3FAF]  }
0x2b: {  	s6 =	sld [smem:$0x3FB0]  }
0x2c: {  	s7 =	sld [smem:$0x3FB1]  }
0x2d: {  	s3 =	simm.s32 $0x108;
	s8 =	sld [smem:$0x3FB2]  }
0x2e: {  	s3 =	simm.s32 @!p0 $0x1082;
	s9 =	sld [smem:$0x3FB3]  }
0x2f: {  	lr =	sadd.s32 s0, s3;
	s0 =	sld [smem:$0x3FAA]  }
0x30: {  	s3 =	sld [smem:$0x3FAD]  }
0x31: {  	[smem:$0x3FB6] =	sst s10  }
0x32: {  	s10 =	sld [smem:$0x3FB4];
	_ =	sdelay $0x3  }
0x33: {  	p0 =	seq.s32 s10, $0x1;
	s10 =	sld [smem:$0x3FB6];
	_ =	sdelay $0x3  }
0x34: {  	[smem:$0x3FB6] =	sst s10  }
0x35: {  	s10 =	sld [smem:$0x3FB5];
	_ =	sdelay $0x3  }
0x36: {  	p1 =	seq.s32 s10, $0x1;
	s10 =	sld [smem:$0x3FB6];
	_ =	sdelay $0x3  }
0x37: {  	[smem:$0x3FB6] =	sst s10  }
0x38: {  	s10 =	sld [smem:$0x3FB7]  }
0x39: {  	_ = 	snop;
	(pc) =	sbr.ind lr, $3  }
0x3a: {  	_ = 	snop  }
0x3b: {  	_ = 	snop  }
0x3c: {  	p2 =	seq.s32 s10, $0x1;
	s10 =	sld [smem:$0x3FB6]  }
0x3d: {  	_ =	shalt  }
0x3e: {  	_ =	shalt  }
0x3f: {  	_ =	shalt  }
0x40: {  	_ =	shalt  }
0x41: {  	_ =	shalt  }
0x42: {  	_ =	shalt  }
0x43: {  	_ =	shalt  }
0x44: {  	_ =	shalt  }
0x45: {  	_ =	shalt  }
0x46: {  	_ =	shalt  }
0x47: {  	_ =	shalt  }
0x48: {  	_ =	shalt  }
0x49: {  	_ =	shalt  }
0x4a: {  	_ =	shalt  }
0x4b: {  	_ =	shalt  }
0x4c: {  	_ =	shalt  }
0x4d: {  	_ =	shalt  }
0x4e: {  	_ =	shalt  }
0x4f: {  	_ =	shalt  }
0x50: {  	_ =	shalt  }
0x51: {  	_ =	shalt  }
0x52: {  	_ =	shalt  }
0x53: {  	_ =	shalt  }
0x54: {  	_ =	shalt  }
0x55: {  	_ =	shalt  }
0x56: {  	_ =	shalt  }
0x57: {  	_ =	shalt  }
0x58: {  	_ =	shalt  }
0x59: {  	_ =	shalt  }
0x5a: {  	_ =	shalt  }
0x5b: {  	_ =	shalt  }
0x5c: {  	_ =	shalt  }
0x5d: {  	_ =	shalt  }
0x5e: {  	_ =	shalt  }
0x5f: {  	_ =	shalt  }
0x60: {  	_ =	shalt  }
0x61: {  	_ =	shalt  }
0x62: {  	_ =	shalt  }
0x63: {  	_ =	shalt  }
0x64: {  	_ =	shalt  }
0x65: {  	_ =	shalt  }
0x66: {  	_ =	shalt  }
0x67: {  	_ =	shalt  }
0x68: {  	_ =	shalt  }
0x69: {  	_ =	shalt  }
0x6a: {  	_ =	shalt  }
0x6b: {  	_ =	shalt  }
0x6c: {  	_ =	shalt  }
0x6d: {  	_ =	shalt  }
0x6e: {  	_ =	shalt  }
0x6f: {  	_ =	shalt  }
0x70: {  	_ =	shalt  }
0x71: {  	_ =	shalt  }
0x72: {  	_ =	shalt  }
0x73: {  	_ =	shalt  }
0x74: {  	_ =	shalt  }
0x75: {  	_ =	shalt  }
0x76: {  	_ =	shalt  }
0x77: {  	_ =	shalt  }
0x78: {  	_ =	shalt  }
0x79: {  	_ =	shalt  }
0x7a: {  	_ =	shalt  }
0x7b: {  	_ =	shalt  }
0x7c: {  	_ =	shalt  }
0x7d: {  	_ =	shalt  }
0x7e: {  	_ =	shalt  }
0x7f: {  	_ =	shalt  }
0x80: {  	_ =	shalt  }
0x81: {  	_ =	shalt  }
0x82: {  	_ =	shalt  }
0x83: {  	_ =	shalt  }
0x84: {  	_ =	shalt  }
0x85: {  	_ =	shalt  }
0x86: {  	_ =	shalt  }
0x87: {  	_ =	shalt  }
.Lfunc_end0:
.L_simem_size_0:
called_computation.1_lowered:
.L_overlay_start_0:
0x88: {  	s2 =	sld [smem:$0x3FD9]  }
0x89: {  	s3 =	sld [smem:$0x3FFE];
	_ =	sdelay $0x1  }
0x8a: {  	s1 =	srdreg.scid  }
0x8b: {  	s0 =	sand.u32 $0x1, s1  }
0x8c: {  	s17 =	sshll.u32 s0, $0xA;
	s2 =	sadd.s32 s3, s2  }
0x8d: {  	s2 =	sadd.s32 s2, s17  }
0x8e: {  	[smem:$0x3FC2] =	sst s2  }
0x8f: {  	_ = 	snop  }
0x90: {  	s2 =	sld [smem:$0x3FD0];
	(tm) =	ssettm $0x1  }
0x91: {  	s18 =	sld [smem:$0x3FFB];
	_ =	sdelay $0x3  }
0x92: {  	_ =	strace s18  }
0x93: {  	s3 =	sld [smem:$0x3FFC];
	_ =	sdelay $0x3  }
0x94: {  	_ =	strace s3  }
0x95: {  	s3 =	sld [smem:$0x3FFD];
	_ =	sdelay $0x3  }
0x96: {  	_ =	strace s3  }
0x97: {  	_ =	strace $0x8FFFFFFF  }
0x98: {  	s19 =	sld [smem:$0x3FDB];
	_ =	sdelay $0x1  }
0x99: {  	s4 =	simm.s32 $_scs_section_size  }
0x9a: {  	s5 =	simm.s32 $_size__tile_overlayer_lowered;
	s6 =	simm.s32 $_tile_overlayer_lowered  }
0x9b: {  	s22 =	simm.s32 $0x1BFF;
	s21 =	sshll.u32 s6, $0x1;
	s3 =	sadd.s32 s4, s19  }
0x9c: {  	s7 =	simm.s32 $0x0;
	s20 =	sshll.u32 s5, $0x1;
	s5 =	sadd.s32 s21, s3  }
0x9d: {  	[timem:s7], [sflag:s22] =	dma.local [hbm:s5], s20  }
0x9e: {  	_ =	swait.ge [sflag:s22], s20  }
0x9f: {  	s4 =	ssub.s32 $0x0, s20;
	[sflag:s22] =	ssyncset.done $0x0  }
0xa0: {  	[sflag:s22] =	ssyncadd.s32 s4;
	_ =	sdelay $0x1  }
0xa1: {  	s23 =	simm.s32 $0x1B8B  }
0xa2: {  	_ =	swait.ge [sflag:s23], $0x1  }
0xa3: {  	[sflag:s23] =	ssyncset.done $0x0  }
0xa4: {  	s25 =	simm.s32 $0x1B8E;
	s24 =	sld [smem:$0x3FFE];
	[sflag:s23] =	ssyncadd.s32 $0xFFFFFFFF  }
0xa5: {  	s26 =	simm.s32 $execute0_lowered;
	[smem:$0x3FD2] =	sst s25  }
0xa6: {  	s5 =	sshll.u32 s26, $0x1;
	_ =	strace $0x80000049;
	[dreg:$0x1] =	wrdreg $0xFFFFFFFF  }
0xa7: {  	s28 =	simm.s32 $_size_execute0_lowered;
	s3 =	sadd.s32 s3, s5;
	[dreg:$0x0] =	wrdreg $0x0  }
0xa8: {  	s5 =	sshll.u32 s28, $0x1;
	[dreg:$0x2] =	wrdreg s3  }
0xa9: {  	[dreg:$0x3] =	wrdreg s5  }
0xaa: {  	[dreg:$0x4] =	wrdreg $0xC0  }
0xab: {  	_ =	task [dreg:s7], $0x5FFFF  }
0xac: {  	[dreg:$0x1] =	wrdreg $0xFFFFFFFF  }
0xad: {  	[dreg:$0x0] =	wrdreg $0x60  }
0xae: {  	[dreg:$0x2] =	wrdreg s24  }
0xaf: {  	[dreg:$0x3] =	wrdreg s2  }
0xb0: {  	[dreg:$0x4] =	wrdreg $0xF0000  }
0xb1: {  	[dreg:$0x5] =	wrdreg $0x9  }
0xb2: {  	_ =	task.clear_ibuf [dreg:s7], $0x6FFFF;
	_ =	strace $0x90000049  }
0xb3: {  	s29 =	simm.s32 $0x9;
	_ =	strace $0x8000004B  }
0xb4: {  	_ =	swait.ge [sflag:s29], $0x1  }
0xb5: {  	[sflag:s29] =	ssyncadd.s32 $0xFFFFFFFF  }
0xb6: {  	_ =	strace $0x9000004B  }
0xb7: {  	_ =	sfence  }
0xb8: {  	s30 =	sld [smem:$0x0];
	_ =	sdelay $0x2  }
0xb9: {  	s31 =	sshll.u32 s1, $0xD;
	s1 =	sshrl.u32 s1, $0x2  }
0xba: {  	s3 =	sand.u32 $0x4000, s31;
	s1 =	sadd.s32 s1, s30  }
0xbb: {  	s0 =	sor.u32 s3, s0;
	s1 =	sshll.u32 s1, $0x11  }
0xbc: {  	s0 =	sor.u32 s1, s0  }
0xbd: {  	s0 =	sadd.s32 $0x8F2B, s0  }
0xbe: {  	[sflag:s0] =	ssyncadd.remote.s32 $0x1  }
0xbf: {  	_ =	sfence.sel $0xFFFF  }
0xc0: {  	[dreg:$0x0] =	wrdreg $0xFFFFFFFF;
	(pc) =	sbr.abs _section_cstart, $3  }
0xc1: {  	[dreg:$0x1] =	wrdreg $0xFFFFFFFF  }
0xc2: {  	_ =	task.clear_ibuf [dreg:s7], $0x2FFFF;
	_ =	strace $0x9FFFFFFF  }
0xc3: {  	(tm) =	ssettm $0x7FFFFFFF  }
tec
execute0_lowered:
.L_overlay_start_1:
0x0: {  	(tag) =	ssettag $0x1  }
0x1: {  	s0 =	srdreg.scid;
	s1 =	rddreg [dreg:$0x0]  }
0x2: {  	s8 =	stileid.u32;
	s3 =	rddreg [dreg:$0x2];
	s4 =	simm.s32 $0x0  }
0x3: {  	s19 =	simm.s32 $0x5;
	s21 =	simm.s32 $0xD000;
	s22 =	simm.s32 $0x80  }
0x4: {  	s23 =	simm.s32 $0x5000;
	s24 =	simm.s32 $0x7000;
	s29 =	simm.s32 $0xB000  }
0x5: {  	s30 =	simm.s32 $0x1;
	s31 =	simm.s32 $0x2;
	s0 =	sand.u32 $0x1, s0  }
0x6: {  	[smem:$0x7FF] =	sst s4;
	s5 =	sadd.s32 $0x6BE00, s1;
	s12 =	smul.u32 $0xA000, s8  }
0x7: {  	s2 =	sshll.u32 s0, $0x4;
	_ =	strace $0x8000004A;
	s6 =	ssub.s32 $0x2, s0  }
0x8: {  	s0 =	smul.u32 $0xA0000, s0;
	s2 =	sor.u32 s8, s2;
	s7 =	sshrl.u32 s6, $0x1  }
0x9: {  	s8 =	sadd.s32 s12, s3;
	s25 =	sadd.s32 $0x2000, s12;
	s15 =	sadd.s32 $0x4000, s12  }
0xa: {  	s16 =	sadd.s32 $0x6000, s12;
	s17 =	sadd.s32 $0x8000, s12;
	s2 =	smul.u32 $0x2800, s2  }
0xb: {  	s18 =	ssub.s32 s6, s7;
	s9 =	sadd.s32 s25, s3;
	s10 =	sadd.s32 s15, s3  }
0xc: {  	s11 =	sadd.s32 s16, s3;
	s13 =	sadd.s32 s12, s0;
	s12 =	sadd.s32 s17, s3  }
0xd: {  	s26 =	sadd.s32 s0, s15;
	s28 =	sadd.s32 s0, s16;
	s2 =	sshrl.u32 s2, $0x3  }
0xe: {  	s13 =	sshrl.u32 s13, $0x3;
	s16 =	sshrl.u32 s28, $0x3;
	s2 =	sadd.s32 s2, s1  }
0xf: {  	s18 =	smax.u32 s18, $0x1;
	s1 =	sadd.s32 $0x7FE00, s1;
	s6 =	sadd.s32 $0x2C00, s2  }
0x10: {  	s7 =	sadd.s32 $0xCC00, s2;
	s2 =	sadd.s32 s0, s25;
	s13 =	sadd.s32 s1, s13  }
0x11: {  	s0 =	sadd.s32 s0, s17;
	s16 =	sadd.s32 s1, s16;
	s2 =	sshrl.u32 s2, $0x3  }
0x12: {  	s0 =	sshrl.u32 s0, $0x3;
	s14 =	sadd.s32 s1, s2;
	s2 =	sshrl.u32 s26, $0x3  }
0x13: {  	s17 =	sadd.s32 s1, s0;
	s26 =	simm.s32 $0x9000;
	s0 =	simm.s32 $0x4  }
0x14: {  	s15 =	sadd.s32 s1, s2;
	s1 =	simm.s32 $0x3;
	s2 =	simm.s32 $0x0  }
.LBB2_1:
0x15: {  	[tilespmem:s4], [sflag:$0x5] =	stream.linear.gather [hbm4b:s6+s4], $0x2800, $0x38;
	[tilespmem:$0x19000] =	vst v63  }
0x16: {  	_ =	swait.ge [sflag:s19], $0x2800  }
0x17: {  	[sflag:s19] =	ssyncset.done $0x0  }
0x18: {  	s20 =	simm.s32 $0x2800;
	[sflag:s19] =	ssyncadd.s32 $0xFFFFD800  }
0x19: {  	[tilespmem:s20], [sflag:$0x5] =	stream.linear.gather [hbm4b:s7+s4], $0x2800, $0x38;
	[tilespmem:$0x19000] =	vst v63  }
0x1a: {  	_ =	swait.ge [sflag:s19], $0x2800  }
0x1b: {  	[sflag:s19] =	ssyncset.done $0x0  }
0x1c: {  	[sflag:s19] =	ssyncadd.s32 $0xFFFFD800  }
0x1d: {  	s25 =	rddreg [dreg:$0x1]  }
0x1e: {  	[tilespmem:s21], [sflag:$0x5] =	stream.linear.gather [hbm4b:s25+s4], $0x2000, $0x38;
	[tilespmem:$0x19000] =	vst v63  }
0x1f: {  	_ =	swait.ge [sflag:s19], $0x2000  }
0x20: {  	[sflag:s19] =	ssyncset.done $0x0  }
0x21: {  	[sflag:s19] =	ssyncadd.s32 $0xFFFFE000  }
0x22: {  	[spmem:s8] =	stream.linear.scatter [tilespmem:s21], [sflag:$0x5], $0x2000, $0x38;
	[tilespmem:$0x19000] =	vst v63  }
0x23: {  	_ =	swait.ge [sflag:s19], $0x2000  }
0x24: {  	[sflag:s19] =	ssyncset.done $0x0  }
0x25: {  	[sflag:s19] =	ssyncadd.s32 $0xFFFFE000  }
0x26: {  	[spmem:s9] =	stream.linear.scatter [tilespmem:s21], [sflag:$0x5], $0x2000, $0x38;
	[tilespmem:$0x19000] =	vst v63  }
0x27: {  	_ =	swait.ge [sflag:s19], $0x2000  }
0x28: {  	[sflag:s19] =	ssyncset.done $0x0  }
0x29: {  	[sflag:s19] =	ssyncadd.s32 $0xFFFFE000  }
0x2a: {  	[spmem:s10] =	stream.linear.scatter [tilespmem:s21], [sflag:$0x5], $0x2000, $0x38;
	[tilespmem:$0x19000] =	vst v63  }
0x2b: {  	_ =	swait.ge [sflag:s19], $0x2000  }
0x2c: {  	[sflag:s19] =	ssyncset.done $0x0  }
0x2d: {  	[sflag:s19] =	ssyncadd.s32 $0xFFFFE000  }
0x2e: {  	[spmem:s11] =	stream.linear.scatter [tilespmem:s21], [sflag:$0x5], $0x2000, $0x38;
	[tilespmem:$0x19000] =	vst v63  }
0x2f: {  	_ =	swait.ge [sflag:s19], $0x2000  }
0x30: {  	[sflag:s19] =	ssyncset.done $0x0  }
0x31: {  	[sflag:s19] =	ssyncadd.s32 $0xFFFFE000  }
0x32: {  	[spmem:s12] =	stream.linear.scatter [tilespmem:s21], [sflag:$0x5], $0x2000, $0x38;
	[tilespmem:$0x19000] =	vst v63  }
0x33: {  	_ =	swait.ge [sflag:s19], $0x2000  }
0x34: {  	[sflag:s19] =	ssyncset.done $0x0  }
0x35: {  	[sflag:s19] =	ssyncadd.s32 $0xFFFFE000  }
0x36: {  	[bflag:$0x0] =	sbarrier.arrive $0xFFFF  }
0x37: {  	[tilespmem:s23], [sflag:$0x1] =	stream.indirect.gather [hbm4b:s5+s22], $0x40, s4, s22, $0xb8;
	[tilespmem:$0x19000] =	vst v63  }
0x38: {  	_ = 	snop  }
0x39: {  	[tilespmem:s24], [sflag:$0x2] =	stream.indirect.gather [hbm4b:s5+s22], $0x40, s22, s22, $0xb8;
	[tilespmem:$0x19000] =	vst v63  }
0x3a: {  	s28 =	simm.s32 $0x100  }
0x3b: {  	[tilespmem:s26], [sflag:$0x3] =	stream.indirect.gather [hbm4b:s5+s22], $0x40, s28, s22, $0xb8;
	[tilespmem:$0x19000] =	vst v63  }
0x3c: {  	s25 =	simm.s32 $0x180  }
0x3d: {  	[tilespmem:s29], [sflag:$0x4] =	stream.indirect.gather [hbm4b:s5+s22], $0x40, s25, s22, $0xb8;
	[tilespmem:$0x19000] =	vst v63  }
0x3e: {  	_ =	swait.ge [sflag:s30], $0x2000  }
0x3f: {  	[sflag:s30] =	ssyncset.done $0x0  }
0x40: {  	s28 =	simm.s32 $0x2800;
	[sflag:s30] =	ssyncadd.s32 $0xFFFFE000  }
0x41: {  	[spmem:s3] =	stream.indirect.scatter.add.f32 [tilespmem:s23], [sflag:$0x5], $0x40, s28, s22, $0xb8;
	[tilespmem:$0x19000] =	vst v63  }
0x42: {  	_ =	swait.ge [sflag:s19], $0x2000  }
0x43: {  	[sflag:s19] =	ssyncset.done $0x0  }
0x44: {  	s25 =	simm.s32 $0x200;
	[sflag:s19] =	ssyncadd.s32 $0xFFFFE000  }
0x45: {  	[tilespmem:s23], [sflag:$0x1] =	stream.indirect.gather [hbm4b:s5+s22], $0x40, s25, s22, $0xb8;
	[tilespmem:$0x19000] =	vst v63  }
0x46: {  	_ =	swait.ge [sflag:s31], $0x2000  }
0x47: {  	[sflag:s31] =	ssyncset.done $0x0  }
0x48: {  	s28 =	simm.s32 $0x2880;
	[sflag:s31] =	ssyncadd.s32 $0xFFFFE000  }
0x49: {  	[spmem:s3] =	stream.indirect.scatter.add.f32 [tilespmem:s24], [sflag:$0x5], $0x40, s28, s22, $0xb8;
	[tilespmem:$0x19000] =	vst v63  }
0x4a: {  	_ =	swait.ge [sflag:s19], $0x2000  }
0x4b: {  	[sflag:s19] =	ssyncset.done $0x0  }
0x4c: {  	s25 =	simm.s32 $0x280;
	[sflag:s19] =	ssyncadd.s32 $0xFFFFE000  }
0x4d: {  	[tilespmem:s24], [sflag:$0x2] =	stream.indirect.gather [hbm4b:s5+s22], $0x40, s25, s22, $0xb8;
	[tilespmem:$0x19000] =	vst v63  }
0x4e: {  	_ =	swait.ge [sflag:s1], $0x2000  }
0x4f: {  	[sflag:s1] =	ssyncset.done $0x0  }
0x50: {  	s28 =	simm.s32 $0x2900;
	[sflag:s1] =	ssyncadd.s32 $0xFFFFE000  }
0x51: {  	[spmem:s3] =	stream.indirect.scatter.add.f32 [tilespmem:s26], [sflag:$0x5], $0x40, s28, s22, $0xb8;
	[tilespmem:$0x19000] =	vst v63  }
0x52: {  	_ =	swait.ge [sflag:s19], $0x2000  }
0x53: {  	[sflag:s19] =	ssyncset.done $0x0  }
0x54: {  	s25 =	simm.s32 $0x300;
	[sflag:s19] =	ssyncadd.s32 $0xFFFFE000  }
0x55: {  	[tilespmem:s26], [sflag:$0x3] =	stream.indirect.gather [hbm4b:s5+s22], $0x40, s25, s22, $0xb8;
	[tilespmem:$0x19000] =	vst v63  }
0x56: {  	_ =	swait.ge [sflag:s0], $0x2000  }
0x57: {  	[sflag:s0] =	ssyncset.done $0x0  }
0x58: {  	s28 =	simm.s32 $0x2980;
	[sflag:s0] =	ssyncadd.s32 $0xFFFFE000  }
0x59: {  	[spmem:s3] =	stream.indirect.scatter.add.f32 [tilespmem:s29], [sflag:$0x5], $0x40, s28, s22, $0xb8;
	[tilespmem:$0x19000] =	vst v63  }
0x5a: {  	_ =	swait.ge [sflag:s19], $0x2000  }
0x5b: {  	[sflag:s19] =	ssyncset.done $0x0  }
0x5c: {  	s20 =	simm.s32 $0x800;
	s25 =	simm.s32 $0x380;
	[sflag:s19] =	ssyncadd.s32 $0xFFFFE000  }
.LBB2_2:
0x5d: {  	[tilespmem:s29], [sflag:$0x4] =	stream.indirect.gather [hbm4b:s5+s22], $0x40, s25, s22, $0xb8;
	[tilespmem:$0x19000] =	vst v63  }
0x5e: {  	s25 =	smov.u32 s20  }
0x5f: {  	p0 =	sne.s32 s20, $0x9000;
	s20 =	sadd.s32 $0x800, s20;
	_ =	swait.ge [sflag:s30], $0x2000  }
0x60: {  	s25 =	sshra.s32 s25, $0x2;
	[sflag:s30] =	ssyncset.done $0x0  }
0x61: {  	s28 =	sadd.s32 $0x2800, s25;
	[sflag:s30] =	ssyncadd.s32 $0xFFFFE000  }
0x62: {  	[spmem:s3] =	stream.indirect.scatter.add.f32 [tilespmem:s23], [sflag:$0x5], $0x40, s28, s22, $0xb8;
	[tilespmem:$0x19000] =	vst v63  }
0x63: {  	_ =	swait.ge [sflag:s19], $0x2000  }
0x64: {  	[sflag:s19] =	ssyncset.done $0x0  }
0x65: {  	s28 =	sadd.s32 $0x200, s25;
	[sflag:s19] =	ssyncadd.s32 $0xFFFFE000  }
0x66: {  	[tilespmem:s23], [sflag:$0x1] =	stream.indirect.gather [hbm4b:s5+s22], $0x40, s28, s22, $0xb8;
	[tilespmem:$0x19000] =	vst v63  }
0x67: {  	_ =	swait.ge [sflag:s31], $0x2000  }
0x68: {  	[sflag:s31] =	ssyncset.done $0x0  }
0x69: {  	s28 =	sadd.s32 $0x2880, s25;
	[sflag:s31] =	ssyncadd.s32 $0xFFFFE000  }
0x6a: {  	[spmem:s3] =	stream.indirect.scatter.add.f32 [tilespmem:s24], [sflag:$0x5], $0x40, s28, s22, $0xb8;
	[tilespmem:$0x19000] =	vst v63  }
0x6b: {  	_ =	swait.ge [sflag:s19], $0x2000  }
0x6c: {  	[sflag:s19] =	ssyncset.done $0x0  }
0x6d: {  	s28 =	sadd.s32 $0x280, s25;
	[sflag:s19] =	ssyncadd.s32 $0xFFFFE000  }
0x6e: {  	[tilespmem:s24], [sflag:$0x2] =	stream.indirect.gather [hbm4b:s5+s22], $0x40, s28, s22, $0xb8;
	[tilespmem:$0x19000] =	vst v63  }
0x6f: {  	_ =	swait.ge [sflag:s1], $0x2000  }
0x70: {  	[sflag:s1] =	ssyncset.done $0x0  }
0x71: {  	s28 =	sadd.s32 $0x2900, s25;
	[sflag:s1] =	ssyncadd.s32 $0xFFFFE000  }
0x72: {  	[spmem:s3] =	stream.indirect.scatter.add.f32 [tilespmem:s26], [sflag:$0x5], $0x40, s28, s22, $0xb8;
	[tilespmem:$0x19000] =	vst v63  }
0x73: {  	_ =	swait.ge [sflag:s19], $0x2000  }
0x74: {  	[sflag:s19] =	ssyncset.done $0x0  }
0x75: {  	s28 =	sadd.s32 $0x300, s25;
	[sflag:s19] =	ssyncadd.s32 $0xFFFFE000  }
0x76: {  	[tilespmem:s26], [sflag:$0x3] =	stream.indirect.gather [hbm4b:s5+s22], $0x40, s28, s22, $0xb8;
	[tilespmem:$0x19000] =	vst v63  }
0x77: {  	_ =	swait.ge [sflag:s0], $0x2000  }
0x78: {  	[sflag:s0] =	ssyncset.done $0x0  }
.Ltmp0:
0x79: {  	s28 =	sadd.s32 $0x2980, s25;
	[sflag:s0] =	ssyncadd.s32 $0xFFFFE000;
	(pc) =	sbr.rel @p0 .LBB2_2-.Ltmp0, $4  }
0x7a: {  	[spmem:s3] =	stream.indirect.scatter.add.f32 [tilespmem:s29], [sflag:$0x5], $0x40, s28, s22, $0xb8;
	[tilespmem:$0x19000] =	vst v63  }
0x7b: {  	_ =	swait.ge [sflag:s19], $0x2000  }
0x7c: {  	[sflag:s19] =	ssyncset.done $0x0  }
0x7d: {  	s25 =	sadd.s32 $0x380, s25;
	[sflag:s19] =	ssyncadd.s32 $0xFFFFE000  }
0x7e: {  	[tilespmem:s29], [sflag:$0x4] =	stream.indirect.gather [hbm4b:s5+s22], $0x40, s25, s22, $0xb8;
	[tilespmem:$0x19000] =	vst v63  }
0x7f: {  	_ =	swait.ge [sflag:s30], $0x2000  }
0x80: {  	[sflag:s30] =	ssyncset.done $0x0  }
0x81: {  	s20 =	simm.s32 $0x4E00;
	[sflag:s30] =	ssyncadd.s32 $0xFFFFE000  }
0x82: {  	[spmem:s3] =	stream.indirect.scatter.add.f32 [tilespmem:s23], [sflag:$0x5], $0x40, s20, s22, $0xb8;
	[tilespmem:$0x19000] =	vst v63  }
0x83: {  	_ =	swait.ge [sflag:s19], $0x2000  }
0x84: {  	[sflag:s19] =	ssyncset.done $0x0  }
0x85: {  	[sflag:s19] =	ssyncadd.s32 $0xFFFFE000  }
0x86: {  	_ =	swait.ge [sflag:s31], $0x2000  }
0x87: {  	[sflag:s31] =	ssyncset.done $0x0  }
0x88: {  	s28 =	simm.s32 $0x4E80;
	[sflag:s31] =	ssyncadd.s32 $0xFFFFE000  }
0x89: {  	[spmem:s3] =	stream.indirect.scatter.add.f32 [tilespmem:s24], [sflag:$0x5], $0x40, s28, s22, $0xb8;
	[tilespmem:$0x19000] =	vst v63  }
0x8a: {  	_ =	swait.ge [sflag:s19], $0x2000  }
0x8b: {  	[sflag:s19] =	ssyncset.done $0x0  }
0x8c: {  	[sflag:s19] =	ssyncadd.s32 $0xFFFFE000  }
0x8d: {  	_ =	swait.ge [sflag:s1], $0x2000  }
0x8e: {  	[sflag:s1] =	ssyncset.done $0x0  }
0x8f: {  	s25 =	simm.s32 $0x4F00;
	[sflag:s1] =	ssyncadd.s32 $0xFFFFE000  }
0x90: {  	[spmem:s3] =	stream.indirect.scatter.add.f32 [tilespmem:s26], [sflag:$0x5], $0x40, s25, s22, $0xb8;
	[tilespmem:$0x19000] =	vst v63  }
0x91: {  	_ =	swait.ge [sflag:s19], $0x2000  }
0x92: {  	[sflag:s19] =	ssyncset.done $0x0  }
0x93: {  	[sflag:s19] =	ssyncadd.s32 $0xFFFFE000  }
0x94: {  	_ =	swait.ge [sflag:s0], $0x2000  }
0x95: {  	[sflag:s0] =	ssyncset.done $0x0  }
0x96: {  	s28 =	simm.s32 $0x4F80;
	[sflag:s0] =	ssyncadd.s32 $0xFFFFE000  }
0x97: {  	[spmem:s3] =	stream.indirect.scatter.add.f32 [tilespmem:s29], [sflag:$0x5], $0x40, s28, s22, $0xb8;
	[tilespmem:$0x19000] =	vst v63  }
0x98: {  	_ =	swait.ge [sflag:s19], $0x2000  }
0x99: {  	[sflag:s19] =	ssyncset.done $0x0  }
0x9a: {  	[sflag:s19] =	ssyncadd.s32 $0xFFFFE000  }
0x9b: {  	[bflag:$0x0] =	sbarrier.arrive $0xFFFF  }
0x9c: {  	[tilespmem:s21], [sflag:$0x5] =	stream.linear.gather [spmem:s8], $0x2000, $0x38;
	[tilespmem:$0x19000] =	vst v63  }
0x9d: {  	_ =	swait.ge [sflag:s19], $0x2000  }
0x9e: {  	[sflag:s19] =	ssyncset.done $0x0  }
0x9f: {  	[sflag:s19] =	ssyncadd.s32 $0xFFFFE000  }
0xa0: {  	[hbm4b:s13+s4] =	stream.linear.scatter [tilespmem:s21], [sflag:$0x5], $0x2000, $0x38;
	[tilespmem:$0x19000] =	vst v63  }
0xa1: {  	_ =	swait.ge [sflag:s19], $0x2000  }
0xa2: {  	[sflag:s19] =	ssyncset.done $0x0  }
0xa3: {  	[sflag:s19] =	ssyncadd.s32 $0xFFFFE000  }
0xa4: {  	[tilespmem:s21], [sflag:$0x5] =	stream.linear.gather [spmem:s9], $0x2000, $0x38;
	[tilespmem:$0x19000] =	vst v63  }
0xa5: {  	_ =	swait.ge [sflag:s19], $0x2000  }
0xa6: {  	[sflag:s19] =	ssyncset.done $0x0  }
0xa7: {  	[sflag:s19] =	ssyncadd.s32 $0xFFFFE000  }
0xa8: {  	[hbm4b:s14+s4] =	stream.linear.scatter [tilespmem:s21], [sflag:$0x5], $0x2000, $0x38;
	[tilespmem:$0x19000] =	vst v63  }
0xa9: {  	_ =	swait.ge [sflag:s19], $0x2000  }
0xaa: {  	[sflag:s19] =	ssyncset.done $0x0  }
0xab: {  	[sflag:s19] =	ssyncadd.s32 $0xFFFFE000  }
0xac: {  	[tilespmem:s21], [sflag:$0x5] =	stream.linear.gather [spmem:s10], $0x2000, $0x38;
	[tilespmem:$0x19000] =	vst v63  }
0xad: {  	_ =	swait.ge [sflag:s19], $0x2000  }
0xae: {  	[sflag:s19] =	ssyncset.done $0x0  }
0xaf: {  	[sflag:s19] =	ssyncadd.s32 $0xFFFFE000  }
0xb0: {  	[hbm4b:s15+s4] =	stream.linear.scatter [tilespmem:s21], [sflag:$0x5], $0x2000, $0x38;
	[tilespmem:$0x19000] =	vst v63  }
0xb1: {  	_ =	swait.ge [sflag:s19], $0x2000  }
0xb2: {  	[sflag:s19] =	ssyncset.done $0x0  }
0xb3: {  	[sflag:s19] =	ssyncadd.s32 $0xFFFFE000  }
0xb4: {  	[tilespmem:s21], [sflag:$0x5] =	stream.linear.gather [spmem:s11], $0x2000, $0x38;
	[tilespmem:$0x19000] =	vst v63  }
0xb5: {  	_ =	swait.ge [sflag:s19], $0x2000  }
0xb6: {  	[sflag:s19] =	ssyncset.done $0x0  }
0xb7: {  	[sflag:s19] =	ssyncadd.s32 $0xFFFFE000  }
0xb8: {  	[hbm4b:s16+s4] =	stream.linear.scatter [tilespmem:s21], [sflag:$0x5], $0x2000, $0x38;
	[tilespmem:$0x19000] =	vst v63  }
0xb9: {  	_ =	swait.ge [sflag:s19], $0x2000  }
0xba: {  	[sflag:s19] =	ssyncset.done $0x0  }
0xbb: {  	[sflag:s19] =	ssyncadd.s32 $0xFFFFE000  }
0xbc: {  	[tilespmem:s21], [sflag:$0x5] =	stream.linear.gather [spmem:s12], $0x2000, $0x38;
	[tilespmem:$0x19000] =	vst v63  }
0xbd: {  	s2 =	sadd.s32 $0x1, s2;
	_ =	swait.ge [sflag:s19], $0x2000  }
0xbe: {  	p0 =	sne.s32 s2, s18;
	[sflag:s19] =	ssyncset.done $0x0  }
.Ltmp1:
0xbf: {  	[sflag:s19] =	ssyncadd.s32 $0xFFFFE000;
	(pc) =	sbr.rel @p0 .LBB2_1-.Ltmp1, $4  }
0xc0: {  	[hbm4b:s17+s4] =	stream.linear.scatter [tilespmem:s21], [sflag:$0x5], $0x2000, $0x38;
	[tilespmem:$0x19000] =	vst v63  }
0xc1: {  	_ =	swait.ge [sflag:s19], $0x2000  }
0xc2: {  	[sflag:s19] =	ssyncset.done $0x0  }
0xc3: {  	[sflag:s19] =	ssyncadd.s32 $0xFFFFE000  }
0xc4: {  	_ =	sfence.sel $0x180000  }
0xc5: {  	[bflag:$0x0] =	sbarrier.arrive $0xFFFF  }
0xc6: {  	_ =	strace $0x9000004A  }
0xc7: {  	s0 =	stileid.u32;
	[bflag:$0x2] =	sbarrier.arrive $0xFFFF  }
0xc8: {  	p0 =	sne.s32 s0, $0x0;
	s0 =	rddreg [dreg:$0x3]  }
0xc9: {  	s0 =	sadd.s32 @!p0 $0x100000, s0  }
0xca: {  	[sflag:s0] =	ssyncadd.tile.s32 @!p0 $0x1;
	_ =	shalt  }
.Lfunc_end2:
_tile_overlayer_lowered:
.L_overlay_start_2:
0xcb: {  	(tag) =	ssettag $0x2  }
0xcc: {  	s0 =	rddreg [dreg:$0x0];
	s2 =	stileid.u32  }
0xcd: {  	s1 =	rddreg [dreg:$0x1];
	p0 =	sne.s32 s2, $0x0  }
0xce: {  	s3 =	rddreg [dreg:$0x2];
	[bflag:$0x3] =	sbarrier.arrive $0xFFFF;
	s2 =	simm.s32 @!p0 $0x1C05  }
0xcf: {  	[timem:s3], [sflag:s2] =	dma.local @!p0 [hbm:s0], s1  }
0xd0: {  	s0 =	simm.s32 @!p0 $0x5  }
0xd1: {  	_ =	swait.ge @!p0 [sflag:s0], s1  }
0xd2: {  	s1 =	ssub.s32 @!p0 $0x0, s1;
	[sflag:s0] =	ssyncset.done @!p0 $0x0  }
0xd3: {  	[sflag:s0] =	ssyncadd.s32 @!p0 s1  }
0xd4: {  	[bflag:$0x3] =	sbarrier.arrive $0xFFFF  }
0xd5: {  	_ =	shalt  }

// kernel: kernel.15.cloned.1.call-start
scs
__scs_entry_jumppad:
0x0: {  	(pc) =	sbr.rel $0x88, $3  }
0x1: {  	(tag) =	ssettag $0x0;
	lr =	simm.s32 $0x1  }
0x2: {  	[smem:$0x3F9B] =	sst lr;
	_ =	strace $0xD0000000  }
0x3: {  	_ = 	snop  }
0x4: {  	_ = 	snop  }
0x5: {  	_ = 	snop  }
0x6: {  	_ = 	snop  }
0x7: {  	_ = 	snop  }
__scs_overlays_trampoline_lowered:
0x8: {  	[smem:$0x3FAA] =	sst s0  }
0x9: {  	[smem:$0x3FAB] =	sst s1  }
0xa: {  	[smem:$0x3FAC] =	sst s2  }
0xb: {  	[smem:$0x3FAD] =	sst s3  }
0xc: {  	[smem:$0x3FAE] =	sst s4  }
0xd: {  	[smem:$0x3FAF] =	sst s5  }
0xe: {  	[smem:$0x3FB0] =	sst s6  }
0xf: {  	[smem:$0x3FB1] =	sst s7  }
0x10: {  	[smem:$0x3FB2] =	sst s8  }
0x11: {  	[smem:$0x3FB3] =	sst s9;
	s0 =	simm.s32 @!p0 $0x0  }
0x12: {  	s1 =	sld [smem:$0x3F99];
	s0 =	simm.s32 @p0 $0x1  }
0x13: {  	[smem:$0x3FB4] =	sst s0;
	s0 =	simm.s32 @!p1 $0x0  }
0x14: {  	s2 =	sld [smem:$0x3F98];
	s0 =	simm.s32 @p1 $0x1  }
0x15: {  	[smem:$0x3FB5] =	sst s0;
	s0 =	simm.s32 @!p2 $0x0  }
0x16: {  	s3 =	sld [smem:$0x3FDB];
	s0 =	simm.s32 @p2 $0x1  }
0x17: {  	s4 =	simm.s32 $0x1BF5;
	[smem:$0x3FB7] =	sst s0  }
0x18: {  	s0 =	sld [smem:$0x3F9A];
	_ =	swait.ge [sflag:s4], $0x0  }
0x19: {  	s7 =	sld [smem:$0x3F9B]  }
0x1a: {  	s8 =	sadd.s32 $0xFFFFE003, lr  }
0x1b: {  	s9 =	sadd.s32 $0xFFFFFEF7, lr;
	s5 =	simm.s32 $0xFFFFFFFF;
	p2 =	slt.u32 s8, $0xFFFFF086  }
0x1c: {  	p1 =	slt.u32 s9, $0xF7A;
	s5 =	simm.s32 @!p2 $0x0  }
0x1d: {  	s5 =	simm.s32 @p1 $0x1;
	p0 =	seq.s32 s7, s2  }
0x1e: {  	s7 =	smul.u32 @!p0 $0xF7A, s2;
	p2 =	seq.s32 @!p0 s5, $0x0  }
0x1f: {  	s9 =	smul.u32 $0xF7A, s1;
	s8 =	simm.s32 @!p0 $0x1BF5;
	p2 =	por !p2, p0  }
0x20: {  	[sflag:s8] =	ssyncset.s32 @!p0 $0xFFFFF086;
	s6 =	sadd.s32 @!p0 s3, s7;
	s7 =	simm.s32 @!p0 $0x108  }
0x21: {  	s3 =	sadd.s32 s3, s9;
	s6 =	sadd.s32 @!p0 $0x88, s6;
	s7 =	simm.s32 @p2 $0x1082  }
0x22: {  	[simem:s7], [sflag:s8] =	dma.local @!p0 [hbm:s6], $0xF7A  }
0x23: {  	s9 =	sor.u32 $0xD0000000, s2;
	s6 =	simm.s32 $0x108;
	_ =	swait.ge @!p0 [sflag:s8], $0x0  }
0x24: {  	s3 =	sadd.s32 $0x88, s3;
	s6 =	simm.s32 @!p1 $0x1082;
	[sflag:s4] =	ssyncset.s32 $0xFFFFF086  }
0x25: {  	[simem:s6], [sflag:s4] =	dma.local [hbm:s3], $0xF7A  }
0x26: {  	[smem:$0x3F9B] =	sst s1;
	(tag) =	ssettag s2;
	_ =	strace s9  }
0x27: {  	s1 =	sld [smem:$0x3FAB]  }
0x28: {  	s2 =	sld [smem:$0x3FAC]  }
0x29: {  	s4 =	sld [smem:$0x3FAE]  }
0x2a: {  	p0 =	seq.s32 s5, $0x0;
	s5 =	sld [smem:$0x3FAF]  }
0x2b: {  	s6 =	sld [smem:$0x3FB0]  }
0x2c: {  	s7 =	sld [smem:$0x3FB1]  }
0x2d: {  	s3 =	simm.s32 $0x108;
	s8 =	sld [smem:$0x3FB2]  }
0x2e: {  	s3 =	simm.s32 @!p0 $0x1082;
	s9 =	sld [smem:$0x3FB3]  }
0x2f: {  	lr =	sadd.s32 s0, s3;
	s0 =	sld [smem:$0x3FAA]  }
0x30: {  	s3 =	sld [smem:$0x3FAD]  }
0x31: {  	[smem:$0x3FB6] =	sst s10  }
0x32: {  	s10 =	sld [smem:$0x3FB4];
	_ =	sdelay $0x3  }
0x33: {  	p0 =	seq.s32 s10, $0x1;
	s10 =	sld [smem:$0x3FB6];
	_ =	sdelay $0x3  }
0x34: {  	[smem:$0x3FB6] =	sst s10  }
0x35: {  	s10 =	sld [smem:$0x3FB5];
	_ =	sdelay $0x3  }
0x36: {  	p1 =	seq.s32 s10, $0x1;
	s10 =	sld [smem:$0x3FB6];
	_ =	sdelay $0x3  }
0x37: {  	[smem:$0x3FB6] =	sst s10  }
0x38: {  	s10 =	sld [smem:$0x3FB7]  }
0x39: {  	_ = 	snop;
	(pc) =	sbr.ind lr, $3  }
0x3a: {  	_ = 	snop  }
0x3b: {  	_ = 	snop  }
0x3c: {  	p2 =	seq.s32 s10, $0x1;
	s10 =	sld [smem:$0x3FB6]  }
0x3d: {  	_ =	shalt  }
0x3e: {  	_ =	shalt  }
0x3f: {  	_ =	shalt  }
0x40: {  	_ =	shalt  }
0x41: {  	_ =	shalt  }
0x42: {  	_ =	shalt  }
0x43: {  	_ =	shalt  }
0x44: {  	_ =	shalt  }
0x45: {  	_ =	shalt  }
0x46: {  	_ =	shalt  }
0x47: {  	_ =	shalt  }
0x48: {  	_ =	shalt  }
0x49: {  	_ =	shalt  }
0x4a: {  	_ =	shalt  }
0x4b: {  	_ =	shalt  }
0x4c: {  	_ =	shalt  }
0x4d: {  	_ =	shalt  }
0x4e: {  	_ =	shalt  }
0x4f: {  	_ =	shalt  }
0x50: {  	_ =	shalt  }
0x51: {  	_ =	shalt  }
0x52: {  	_ =	shalt  }
0x53: {  	_ =	shalt  }
0x54: {  	_ =	shalt  }
0x55: {  	_ =	shalt  }
0x56: {  	_ =	shalt  }
0x57: {  	_ =	shalt  }
0x58: {  	_ =	shalt  }
0x59: {  	_ =	shalt  }
0x5a: {  	_ =	shalt  }
0x5b: {  	_ =	shalt  }
0x5c: {  	_ =	shalt  }
0x5d: {  	_ =	shalt  }
0x5e: {  	_ =	shalt  }
0x5f: {  	_ =	shalt  }
0x60: {  	_ =	shalt  }
0x61: {  	_ =	shalt  }
0x62: {  	_ =	shalt  }
0x63: {  	_ =	shalt  }
0x64: {  	_ =	shalt  }
0x65: {  	_ =	shalt  }
0x66: {  	_ =	shalt  }
0x67: {  	_ =	shalt  }
0x68: {  	_ =	shalt  }
0x69: {  	_ =	shalt  }
0x6a: {  	_ =	shalt  }
0x6b: {  	_ =	shalt  }
0x6c: {  	_ =	shalt  }
0x6d: {  	_ =	shalt  }
0x6e: {  	_ =	shalt  }
0x6f: {  	_ =	shalt  }
0x70: {  	_ =	shalt  }
0x71: {  	_ =	shalt  }
0x72: {  	_ =	shalt  }
0x73: {  	_ =	shalt  }
0x74: {  	_ =	shalt  }
0x75: {  	_ =	shalt  }
0x76: {  	_ =	shalt  }
0x77: {  	_ =	shalt  }
0x78: {  	_ =	shalt  }
0x79: {  	_ =	shalt  }
0x7a: {  	_ =	shalt  }
0x7b: {  	_ =	shalt  }
0x7c: {  	_ =	shalt  }
0x7d: {  	_ =	shalt  }
0x7e: {  	_ =	shalt  }
0x7f: {  	_ =	shalt  }
0x80: {  	_ =	shalt  }
0x81: {  	_ =	shalt  }
0x82: {  	_ =	shalt  }
0x83: {  	_ =	shalt  }
0x84: {  	_ =	shalt  }
0x85: {  	_ =	shalt  }
0x86: {  	_ =	shalt  }
0x87: {  	_ =	shalt  }
.Lfunc_end0:
.L_simem_size_0:
called_computation.2_lowered:
.L_overlay_start_0:
0x88: {  	s2 =	sld [smem:$0x3FD9]  }
0x89: {  	s3 =	sld [smem:$0x3FFE];
	_ =	sdelay $0x1  }
0x8a: {  	s1 =	srdreg.scid  }
0x8b: {  	s0 =	sand.u32 $0x1, s1  }
0x8c: {  	s17 =	sshll.u32 s0, $0xA;
	s2 =	sadd.s32 s3, s2  }
0x8d: {  	s2 =	sadd.s32 s2, s17  }
0x8e: {  	[smem:$0x3FC2] =	sst s2  }
0x8f: {  	_ = 	snop  }
0x90: {  	s2 =	sld [smem:$0x3FD0];
	(tm) =	ssettm $0x1  }
0x91: {  	s18 =	sld [smem:$0x3FFB];
	_ =	sdelay $0x3  }
0x92: {  	_ =	strace s18  }
0x93: {  	s3 =	sld [smem:$0x3FFC];
	_ =	sdelay $0x3  }
0x94: {  	_ =	strace s3  }
0x95: {  	s3 =	sld [smem:$0x3FFD];
	_ =	sdelay $0x3  }
0x96: {  	_ =	strace s3  }
0x97: {  	_ =	strace $0x8FFFFFFF  }
0x98: {  	s19 =	sld [smem:$0x3FDB];
	_ =	sdelay $0x1  }
0x99: {  	s4 =	simm.s32 $_scs_section_size  }
0x9a: {  	s5 =	simm.s32 $_size__tile_overlayer_lowered;
	s6 =	simm.s32 $_tile_overlayer_lowered  }
0x9b: {  	s22 =	simm.s32 $0x1BFF;
	s21 =	sshll.u32 s6, $0x1;
	s3 =	sadd.s32 s4, s19  }
0x9c: {  	s7 =	simm.s32 $0x0;
	s20 =	sshll.u32 s5, $0x1;
	s5 =	sadd.s32 s21, s3  }
0x9d: {  	[timem:s7], [sflag:s22] =	dma.local [hbm:s5], s20  }
0x9e: {  	_ =	swait.ge [sflag:s22], s20  }
0x9f: {  	s4 =	ssub.s32 $0x0, s20;
	[sflag:s22] =	ssyncset.done $0x0  }
0xa0: {  	[sflag:s22] =	ssyncadd.s32 s4;
	_ =	sdelay $0x1  }
0xa1: {  	s23 =	simm.s32 $0x1B8B  }
0xa2: {  	_ =	swait.ge [sflag:s23], $0x1  }
0xa3: {  	[sflag:s23] =	ssyncset.done $0x0  }
0xa4: {  	s25 =	simm.s32 $0x1B8E;
	s24 =	sld [smem:$0x3FFE];
	[sflag:s23] =	ssyncadd.s32 $0xFFFFFFFF  }
0xa5: {  	s26 =	simm.s32 $execute0_lowered;
	[smem:$0x3FD2] =	sst s25  }
0xa6: {  	s5 =	sshll.u32 s26, $0x1;
	_ =	strace $0x8000004C;
	[dreg:$0x1] =	wrdreg $0xFFFFFFFF  }
0xa7: {  	s28 =	simm.s32 $_size_execute0_lowered;
	s3 =	sadd.s32 s3, s5;
	[dreg:$0x0] =	wrdreg $0x0  }
0xa8: {  	s5 =	sshll.u32 s28, $0x1;
	[dreg:$0x2] =	wrdreg s3  }
0xa9: {  	[dreg:$0x3] =	wrdreg s5  }
0xaa: {  	[dreg:$0x4] =	wrdreg $0xC0  }
0xab: {  	_ =	task [dreg:s7], $0x5FFFF  }
0xac: {  	[dreg:$0x1] =	wrdreg $0xFFFFFFFF  }
0xad: {  	[dreg:$0x0] =	wrdreg $0x60  }
0xae: {  	[dreg:$0x2] =	wrdreg s24  }
0xaf: {  	[dreg:$0x3] =	wrdreg s2  }
0xb0: {  	[dreg:$0x4] =	wrdreg $0x78000  }
0xb1: {  	[dreg:$0x5] =	wrdreg $0x9  }
0xb2: {  	_ =	task.clear_ibuf [dreg:s7], $0x6FFFF;
	_ =	strace $0x9000004C  }
0xb3: {  	s29 =	simm.s32 $0x9;
	_ =	strace $0x8000004E  }
0xb4: {  	_ =	swait.ge [sflag:s29], $0x1  }
0xb5: {  	[sflag:s29] =	ssyncadd.s32 $0xFFFFFFFF  }
0xb6: {  	_ =	strace $0x9000004E  }
0xb7: {  	_ =	sfence  }
0xb8: {  	s30 =	sld [smem:$0x0];
	_ =	sdelay $0x2  }
0xb9: {  	s31 =	sshll.u32 s1, $0xD;
	s1 =	sshrl.u32 s1, $0x2  }
0xba: {  	s3 =	sand.u32 $0x4000, s31;
	s1 =	sadd.s32 s1, s30  }
0xbb: {  	s0 =	sor.u32 s3, s0;
	s1 =	sshll.u32 s1, $0x11  }
0xbc: {  	s0 =	sor.u32 s1, s0  }
0xbd: {  	s0 =	sadd.s32 $0x8F2B, s0  }
0xbe: {  	[sflag:s0] =	ssyncadd.remote.s32 $0x1  }
0xbf: {  	_ =	sfence.sel $0xFFFF  }
0xc0: {  	[dreg:$0x0] =	wrdreg $0xFFFFFFFF;
	(pc) =	sbr.abs _section_cstart, $3  }
0xc1: {  	[dreg:$0x1] =	wrdreg $0xFFFFFFFF  }
0xc2: {  	_ =	task.clear_ibuf [dreg:s7], $0x2FFFF;
	_ =	strace $0x9FFFFFFF  }
0xc3: {  	(tm) =	ssettm $0x7FFFFFFF  }
tec
execute0_lowered:
.L_overlay_start_1:
0x0: {  	(tag) =	ssettag $0x1  }
0x1: {  	s0 =	srdreg.scid;
	s1 =	rddreg [dreg:$0x0]  }
0x2: {  	s8 =	stileid.u32;
	s3 =	rddreg [dreg:$0x2];
	s4 =	simm.s32 $0x0  }
0x3: {  	s19 =	simm.s32 $0x5;
	s21 =	simm.s32 $0x7000;
	s22 =	simm.s32 $0x80  }
0x4: {  	s23 =	simm.s32 $0x5000;
	s24 =	simm.s32 $0x5800;
	s29 =	simm.s32 $0x6800  }
0x5: {  	s30 =	simm.s32 $0x1;
	s31 =	simm.s32 $0x2;
	s0 =	sand.u32 $0x1, s0  }
0x6: {  	[smem:$0x7FF] =	sst s4;
	s5 =	sadd.s32 $0x16C00, s1;
	s12 =	smul.u32 $0x2800, s8  }
0x7: {  	s2 =	sshll.u32 s0, $0x4;
	_ =	strace $0x8000004D;
	s6 =	ssub.s32 $0x2, s0  }
0x8: {  	s0 =	smul.u32 $0x28000, s0;
	s2 =	sor.u32 s8, s2;
	s7 =	sshrl.u32 s6, $0x1  }
0x9: {  	s8 =	sadd.s32 s12, s3;
	s25 =	sadd.s32 $0x800, s12;
	s15 =	sadd.s32 $0x1000, s12  }
0xa: {  	s16 =	sadd.s32 $0x1800, s12;
	s17 =	sadd.s32 $0x2000, s12;
	s2 =	smul.u32 $0x2800, s2  }
0xb: {  	s18 =	ssub.s32 s6, s7;
	s9 =	sadd.s32 s25, s3;
	s10 =	sadd.s32 s15, s3  }
0xc: {  	s11 =	sadd.s32 s16, s3;
	s13 =	sadd.s32 s12, s0;
	s12 =	sadd.s32 s17, s3  }
0xd: {  	s26 =	sadd.s32 s0, s15;
	s28 =	sadd.s32 s0, s16;
	s2 =	sshrl.u32 s2, $0x3  }
0xe: {  	s13 =	sshrl.u32 s13, $0x3;
	s16 =	sshrl.u32 s28, $0x3;
	s2 =	sadd.s32 s2, s1  }
0xf: {  	s18 =	smax.u32 s18, $0x1;
	s1 =	sadd.s32 $0x6BE00, s1;
	s6 =	sadd.s32 $0x2C00, s2  }
0x10: {  	s7 =	sadd.s32 $0xCC00, s2;
	s2 =	sadd.s32 s0, s25;
	s13 =	sadd.s32 s1, s13  }
0x11: {  	s0 =	sadd.s32 s0, s17;
	s16 =	sadd.s32 s1, s16;
	s2 =	sshrl.u32 s2, $0x3  }
0x12: {  	s0 =	sshrl.u32 s0, $0x3;
	s14 =	sadd.s32 s1, s2;
	s2 =	sshrl.u32 s26, $0x3  }
0x13: {  	s17 =	sadd.s32 s1, s0;
	s26 =	simm.s32 $0x6000;
	s0 =	simm.s32 $0x4  }
0x14: {  	s15 =	sadd.s32 s1, s2;
	s1 =	simm.s32 $0x3;
	s2 =	simm.s32 $0x0  }
.LBB2_1:
0x15: {  	[tilespmem:s4], [sflag:$0x5] =	stream.linear.gather [hbm4b:s6+s4], $0x2800, $0x38;
	[tilespmem:$0xA000] =	vst v63  }
0x16: {  	_ =	swait.ge [sflag:s19], $0x2800  }
0x17: {  	[sflag:s19] =	ssyncset.done $0x0  }
0x18: {  	s20 =	simm.s32 $0x2800;
	[sflag:s19] =	ssyncadd.s32 $0xFFFFD800  }
0x19: {  	[tilespmem:s20], [sflag:$0x5] =	stream.linear.gather [hbm4b:s7+s4], $0x2800, $0x38;
	[tilespmem:$0xA000] =	vst v63  }
0x1a: {  	_ =	swait.ge [sflag:s19], $0x2800  }
0x1b: {  	[sflag:s19] =	ssyncset.done $0x0  }
0x1c: {  	[sflag:s19] =	ssyncadd.s32 $0xFFFFD800  }
0x1d: {  	s25 =	rddreg [dreg:$0x1]  }
0x1e: {  	[tilespmem:s21], [sflag:$0x5] =	stream.linear.gather [hbm4b:s25+s4], $0x800, $0x38;
	[tilespmem:$0xA000] =	vst v63  }
0x1f: {  	_ =	swait.ge [sflag:s19], $0x800  }
0x20: {  	[sflag:s19] =	ssyncset.done $0x0  }
0x21: {  	[sflag:s19] =	ssyncadd.s32 $0xFFFFF800  }
0x22: {  	[spmem:s8] =	stream.linear.scatter [tilespmem:s21], [sflag:$0x5], $0x800, $0x38;
	[tilespmem:$0xA000] =	vst v63  }
0x23: {  	_ =	swait.ge [sflag:s19], $0x800  }
0x24: {  	[sflag:s19] =	ssyncset.done $0x0  }
0x25: {  	[sflag:s19] =	ssyncadd.s32 $0xFFFFF800  }
0x26: {  	[spmem:s9] =	stream.linear.scatter [tilespmem:s21], [sflag:$0x5], $0x800, $0x38;
	[tilespmem:$0xA000] =	vst v63  }
0x27: {  	_ =	swait.ge [sflag:s19], $0x800  }
0x28: {  	[sflag:s19] =	ssyncset.done $0x0  }
0x29: {  	[sflag:s19] =	ssyncadd.s32 $0xFFFFF800  }
0x2a: {  	[spmem:s10] =	stream.linear.scatter [tilespmem:s21], [sflag:$0x5], $0x800, $0x38;
	[tilespmem:$0xA000] =	vst v63  }
0x2b: {  	_ =	swait.ge [sflag:s19], $0x800  }
0x2c: {  	[sflag:s19] =	ssyncset.done $0x0  }
0x2d: {  	[sflag:s19] =	ssyncadd.s32 $0xFFFFF800  }
0x2e: {  	[spmem:s11] =	stream.linear.scatter [tilespmem:s21], [sflag:$0x5], $0x800, $0x38;
	[tilespmem:$0xA000] =	vst v63  }
0x2f: {  	_ =	swait.ge [sflag:s19], $0x800  }
0x30: {  	[sflag:s19] =	ssyncset.done $0x0  }
0x31: {  	[sflag:s19] =	ssyncadd.s32 $0xFFFFF800  }
0x32: {  	[spmem:s12] =	stream.linear.scatter [tilespmem:s21], [sflag:$0x5], $0x800, $0x38;
	[tilespmem:$0xA000] =	vst v63  }
0x33: {  	_ =	swait.ge [sflag:s19], $0x800  }
0x34: {  	[sflag:s19] =	ssyncset.done $0x0  }
0x35: {  	[sflag:s19] =	ssyncadd.s32 $0xFFFFF800  }
0x36: {  	[bflag:$0x0] =	sbarrier.arrive $0xFFFF  }
0x37: {  	[tilespmem:s23], [sflag:$0x1] =	stream.indirect.gather [hbm4b:s5+s22], $0x10, s4, s22, $0xb8;
	[tilespmem:$0xA000] =	vst v63  }
0x38: {  	_ = 	snop  }
0x39: {  	[tilespmem:s24], [sflag:$0x2] =	stream.indirect.gather [hbm4b:s5+s22], $0x10, s22, s22, $0xb8;
	[tilespmem:$0xA000] =	vst v63  }
0x3a: {  	s28 =	simm.s32 $0x100  }
0x3b: {  	[tilespmem:s26], [sflag:$0x3] =	stream.indirect.gather [hbm4b:s5+s22], $0x10, s28, s22, $0xb8;
	[tilespmem:$0xA000] =	vst v63  }
0x3c: {  	s25 =	simm.s32 $0x180  }
0x3d: {  	[tilespmem:s29], [sflag:$0x4] =	stream.indirect.gather [hbm4b:s5+s22], $0x10, s25, s22, $0xb8;
	[tilespmem:$0xA000] =	vst v63  }
0x3e: {  	_ =	swait.ge [sflag:s30], $0x800  }
0x3f: {  	[sflag:s30] =	ssyncset.done $0x0  }
0x40: {  	s28 =	simm.s32 $0x2800;
	[sflag:s30] =	ssyncadd.s32 $0xFFFFF800  }
0x41: {  	[spmem:s3] =	stream.indirect.scatter.add.f32 [tilespmem:s23], [sflag:$0x5], $0x10, s28, s22, $0xb8;
	[tilespmem:$0xA000] =	vst v63  }
0x42: {  	_ =	swait.ge [sflag:s19], $0x800  }
0x43: {  	[sflag:s19] =	ssyncset.done $0x0  }
0x44: {  	s25 =	simm.s32 $0x200;
	[sflag:s19] =	ssyncadd.s32 $0xFFFFF800  }
0x45: {  	[tilespmem:s23], [sflag:$0x1] =	stream.indirect.gather [hbm4b:s5+s22], $0x10, s25, s22, $0xb8;
	[tilespmem:$0xA000] =	vst v63  }
0x46: {  	_ =	swait.ge [sflag:s31], $0x800  }
0x47: {  	[sflag:s31] =	ssyncset.done $0x0  }
0x48: {  	s28 =	simm.s32 $0x2880;
	[sflag:s31] =	ssyncadd.s32 $0xFFFFF800  }
0x49: {  	[spmem:s3] =	stream.indirect.scatter.add.f32 [tilespmem:s24], [sflag:$0x5], $0x10, s28, s22, $0xb8;
	[tilespmem:$0xA000] =	vst v63  }
0x4a: {  	_ =	swait.ge [sflag:s19], $0x800  }
0x4b: {  	[sflag:s19] =	ssyncset.done $0x0  }
0x4c: {  	s25 =	simm.s32 $0x280;
	[sflag:s19] =	ssyncadd.s32 $0xFFFFF800  }
0x4d: {  	[tilespmem:s24], [sflag:$0x2] =	stream.indirect.gather [hbm4b:s5+s22], $0x10, s25, s22, $0xb8;
	[tilespmem:$0xA000] =	vst v63  }
0x4e: {  	_ =	swait.ge [sflag:s1], $0x800  }
0x4f: {  	[sflag:s1] =	ssyncset.done $0x0  }
0x50: {  	s28 =	simm.s32 $0x2900;
	[sflag:s1] =	ssyncadd.s32 $0xFFFFF800  }
0x51: {  	[spmem:s3] =	stream.indirect.scatter.add.f32 [tilespmem:s26], [sflag:$0x5], $0x10, s28, s22, $0xb8;
	[tilespmem:$0xA000] =	vst v63  }
0x52: {  	_ =	swait.ge [sflag:s19], $0x800  }
0x53: {  	[sflag:s19] =	ssyncset.done $0x0  }
0x54: {  	s25 =	simm.s32 $0x300;
	[sflag:s19] =	ssyncadd.s32 $0xFFFFF800  }
0x55: {  	[tilespmem:s26], [sflag:$0x3] =	stream.indirect.gather [hbm4b:s5+s22], $0x10, s25, s22, $0xb8;
	[tilespmem:$0xA000] =	vst v63  }
0x56: {  	_ =	swait.ge [sflag:s0], $0x800  }
0x57: {  	[sflag:s0] =	ssyncset.done $0x0  }
0x58: {  	s28 =	simm.s32 $0x2980;
	[sflag:s0] =	ssyncadd.s32 $0xFFFFF800  }
0x59: {  	[spmem:s3] =	stream.indirect.scatter.add.f32 [tilespmem:s29], [sflag:$0x5], $0x10, s28, s22, $0xb8;
	[tilespmem:$0xA000] =	vst v63  }
0x5a: {  	_ =	swait.ge [sflag:s19], $0x800  }
0x5b: {  	[sflag:s19] =	ssyncset.done $0x0  }
0x5c: {  	s20 =	simm.s32 $0x800;
	s25 =	simm.s32 $0x380;
	[sflag:s19] =	ssyncadd.s32 $0xFFFFF800  }
.LBB2_2:
0x5d: {  	[tilespmem:s29], [sflag:$0x4] =	stream.indirect.gather [hbm4b:s5+s22], $0x10, s25, s22, $0xb8;
	[tilespmem:$0xA000] =	vst v63  }
0x5e: {  	s25 =	smov.u32 s20  }
0x5f: {  	p0 =	sne.s32 s20, $0x9000;
	s20 =	sadd.s32 $0x800, s20;
	_ =	swait.ge [sflag:s30], $0x800  }
0x60: {  	s25 =	sshra.s32 s25, $0x2;
	[sflag:s30] =	ssyncset.done $0x0  }
0x61: {  	s28 =	sadd.s32 $0x2800, s25;
	[sflag:s30] =	ssyncadd.s32 $0xFFFFF800  }
0x62: {  	[spmem:s3] =	stream.indirect.scatter.add.f32 [tilespmem:s23], [sflag:$0x5], $0x10, s28, s22, $0xb8;
	[tilespmem:$0xA000] =	vst v63  }
0x63: {  	_ =	swait.ge [sflag:s19], $0x800  }
0x64: {  	[sflag:s19] =	ssyncset.done $0x0  }
0x65: {  	s28 =	sadd.s32 $0x200, s25;
	[sflag:s19] =	ssyncadd.s32 $0xFFFFF800  }
0x66: {  	[tilespmem:s23], [sflag:$0x1] =	stream.indirect.gather [hbm4b:s5+s22], $0x10, s28, s22, $0xb8;
	[tilespmem:$0xA000] =	vst v63  }
0x67: {  	_ =	swait.ge [sflag:s31], $0x800  }
0x68: {  	[sflag:s31] =	ssyncset.done $0x0  }
0x69: {  	s28 =	sadd.s32 $0x2880, s25;
	[sflag:s31] =	ssyncadd.s32 $0xFFFFF800  }
0x6a: {  	[spmem:s3] =	stream.indirect.scatter.add.f32 [tilespmem:s24], [sflag:$0x5], $0x10, s28, s22, $0xb8;
	[tilespmem:$0xA000] =	vst v63  }
0x6b: {  	_ =	swait.ge [sflag:s19], $0x800  }
0x6c: {  	[sflag:s19] =	ssyncset.done $0x0  }
0x6d: {  	s28 =	sadd.s32 $0x280, s25;
	[sflag:s19] =	ssyncadd.s32 $0xFFFFF800  }
0x6e: {  	[tilespmem:s24], [sflag:$0x2] =	stream.indirect.gather [hbm4b:s5+s22], $0x10, s28, s22, $0xb8;
	[tilespmem:$0xA000] =	vst v63  }
0x6f: {  	_ =	swait.ge [sflag:s1], $0x800  }
0x70: {  	[sflag:s1] =	ssyncset.done $0x0  }
0x71: {  	s28 =	sadd.s32 $0x2900, s25;
	[sflag:s1] =	ssyncadd.s32 $0xFFFFF800  }
0x72: {  	[spmem:s3] =	stream.indirect.scatter.add.f32 [tilespmem:s26], [sflag:$0x5], $0x10, s28, s22, $0xb8;
	[tilespmem:$0xA000] =	vst v63  }
0x73: {  	_ =	swait.ge [sflag:s19], $0x800  }
0x74: {  	[sflag:s19] =	ssyncset.done $0x0  }
0x75: {  	s28 =	sadd.s32 $0x300, s25;
	[sflag:s19] =	ssyncadd.s32 $0xFFFFF800  }
0x76: {  	[tilespmem:s26], [sflag:$0x3] =	stream.indirect.gather [hbm4b:s5+s22], $0x10, s28, s22, $0xb8;
	[tilespmem:$0xA000] =	vst v63  }
0x77: {  	_ =	swait.ge [sflag:s0], $0x800  }
0x78: {  	[sflag:s0] =	ssyncset.done $0x0  }
.Ltmp0:
0x79: {  	s28 =	sadd.s32 $0x2980, s25;
	[sflag:s0] =	ssyncadd.s32 $0xFFFFF800;
	(pc) =	sbr.rel @p0 .LBB2_2-.Ltmp0, $4  }
0x7a: {  	[spmem:s3] =	stream.indirect.scatter.add.f32 [tilespmem:s29], [sflag:$0x5], $0x10, s28, s22, $0xb8;
	[tilespmem:$0xA000] =	vst v63  }
0x7b: {  	_ =	swait.ge [sflag:s19], $0x800  }
0x7c: {  	[sflag:s19] =	ssyncset.done $0x0  }
0x7d: {  	s25 =	sadd.s32 $0x380, s25;
	[sflag:s19] =	ssyncadd.s32 $0xFFFFF800  }
0x7e: {  	[tilespmem:s29], [sflag:$0x4] =	stream.indirect.gather [hbm4b:s5+s22], $0x10, s25, s22, $0xb8;
	[tilespmem:$0xA000] =	vst v63  }
0x7f: {  	_ =	swait.ge [sflag:s30], $0x800  }
0x80: {  	[sflag:s30] =	ssyncset.done $0x0  }
0x81: {  	s20 =	simm.s32 $0x4E00;
	[sflag:s30] =	ssyncadd.s32 $0xFFFFF800  }
0x82: {  	[spmem:s3] =	stream.indirect.scatter.add.f32 [tilespmem:s23], [sflag:$0x5], $0x10, s20, s22, $0xb8;
	[tilespmem:$0xA000] =	vst v63  }
0x83: {  	_ =	swait.ge [sflag:s19], $0x800  }
0x84: {  	[sflag:s19] =	ssyncset.done $0x0  }
0x85: {  	[sflag:s19] =	ssyncadd.s32 $0xFFFFF800  }
0x86: {  	_ =	swait.ge [sflag:s31], $0x800  }
0x87: {  	[sflag:s31] =	ssyncset.done $0x0  }
0x88: {  	s28 =	simm.s32 $0x4E80;
	[sflag:s31] =	ssyncadd.s32 $0xFFFFF800  }
0x89: {  	[spmem:s3] =	stream.indirect.scatter.add.f32 [tilespmem:s24], [sflag:$0x5], $0x10, s28, s22, $0xb8;
	[tilespmem:$0xA000] =	vst v63  }
0x8a: {  	_ =	swait.ge [sflag:s19], $0x800  }
0x8b: {  	[sflag:s19] =	ssyncset.done $0x0  }
0x8c: {  	[sflag:s19] =	ssyncadd.s32 $0xFFFFF800  }
0x8d: {  	_ =	swait.ge [sflag:s1], $0x800  }
0x8e: {  	[sflag:s1] =	ssyncset.done $0x0  }
0x8f: {  	s25 =	simm.s32 $0x4F00;
	[sflag:s1] =	ssyncadd.s32 $0xFFFFF800  }
0x90: {  	[spmem:s3] =	stream.indirect.scatter.add.f32 [tilespmem:s26], [sflag:$0x5], $0x10, s25, s22, $0xb8;
	[tilespmem:$0xA000] =	vst v63  }
0x91: {  	_ =	swait.ge [sflag:s19], $0x800  }
0x92: {  	[sflag:s19] =	ssyncset.done $0x0  }
0x93: {  	[sflag:s19] =	ssyncadd.s32 $0xFFFFF800  }
0x94: {  	_ =	swait.ge [sflag:s0], $0x800  }
0x95: {  	[sflag:s0] =	ssyncset.done $0x0  }
0x96: {  	s28 =	simm.s32 $0x4F80;
	[sflag:s0] =	ssyncadd.s32 $0xFFFFF800  }
0x97: {  	[spmem:s3] =	stream.indirect.scatter.add.f32 [tilespmem:s29], [sflag:$0x5], $0x10, s28, s22, $0xb8;
	[tilespmem:$0xA000] =	vst v63  }
0x98: {  	_ =	swait.ge [sflag:s19], $0x800  }
0x99: {  	[sflag:s19] =	ssyncset.done $0x0  }
0x9a: {  	[sflag:s19] =	ssyncadd.s32 $0xFFFFF800  }
0x9b: {  	[bflag:$0x0] =	sbarrier.arrive $0xFFFF  }
0x9c: {  	[tilespmem:s21], [sflag:$0x5] =	stream.linear.gather [spmem:s8], $0x800, $0x38;
	[tilespmem:$0xA000] =	vst v63  }
0x9d: {  	_ =	swait.ge [sflag:s19], $0x800  }
0x9e: {  	[sflag:s19] =	ssyncset.done $0x0  }
0x9f: {  	[sflag:s19] =	ssyncadd.s32 $0xFFFFF800  }
0xa0: {  	[hbm4b:s13+s4] =	stream.linear.scatter [tilespmem:s21], [sflag:$0x5], $0x800, $0x38;
	[tilespmem:$0xA000] =	vst v63  }
0xa1: {  	_ =	swait.ge [sflag:s19], $0x800  }
0xa2: {  	[sflag:s19] =	ssyncset.done $0x0  }
0xa3: {  	[sflag:s19] =	ssyncadd.s32 $0xFFFFF800  }
0xa4: {  	[tilespmem:s21], [sflag:$0x5] =	stream.linear.gather [spmem:s9], $0x800, $0x38;
	[tilespmem:$0xA000] =	vst v63  }
0xa5: {  	_ =	swait.ge [sflag:s19], $0x800  }
0xa6: {  	[sflag:s19] =	ssyncset.done $0x0  }
0xa7: {  	[sflag:s19] =	ssyncadd.s32 $0xFFFFF800  }
0xa8: {  	[hbm4b:s14+s4] =	stream.linear.scatter [tilespmem:s21], [sflag:$0x5], $0x800, $0x38;
	[tilespmem:$0xA000] =	vst v63  }
0xa9: {  	_ =	swait.ge [sflag:s19], $0x800  }
0xaa: {  	[sflag:s19] =	ssyncset.done $0x0  }
0xab: {  	[sflag:s19] =	ssyncadd.s32 $0xFFFFF800  }
0xac: {  	[tilespmem:s21], [sflag:$0x5] =	stream.linear.gather [spmem:s10], $0x800, $0x38;
	[tilespmem:$0xA000] =	vst v63  }
0xad: {  	_ =	swait.ge [sflag:s19], $0x800  }
0xae: {  	[sflag:s19] =	ssyncset.done $0x0  }
0xaf: {  	[sflag:s19] =	ssyncadd.s32 $0xFFFFF800  }
0xb0: {  	[hbm4b:s15+s4] =	stream.linear.scatter [tilespmem:s21], [sflag:$0x5], $0x800, $0x38;
	[tilespmem:$0xA000] =	vst v63  }
0xb1: {  	_ =	swait.ge [sflag:s19], $0x800  }
0xb2: {  	[sflag:s19] =	ssyncset.done $0x0  }
0xb3: {  	[sflag:s19] =	ssyncadd.s32 $0xFFFFF800  }
0xb4: {  	[tilespmem:s21], [sflag:$0x5] =	stream.linear.gather [spmem:s11], $0x800, $0x38;
	[tilespmem:$0xA000] =	vst v63  }
0xb5: {  	_ =	swait.ge [sflag:s19], $0x800  }
0xb6: {  	[sflag:s19] =	ssyncset.done $0x0  }
0xb7: {  	[sflag:s19] =	ssyncadd.s32 $0xFFFFF800  }
0xb8: {  	[hbm4b:s16+s4] =	stream.linear.scatter [tilespmem:s21], [sflag:$0x5], $0x800, $0x38;
	[tilespmem:$0xA000] =	vst v63  }
0xb9: {  	_ =	swait.ge [sflag:s19], $0x800  }
0xba: {  	[sflag:s19] =	ssyncset.done $0x0  }
0xbb: {  	[sflag:s19] =	ssyncadd.s32 $0xFFFFF800  }
0xbc: {  	[tilespmem:s21], [sflag:$0x5] =	stream.linear.gather [spmem:s12], $0x800, $0x38;
	[tilespmem:$0xA000] =	vst v63  }
0xbd: {  	s2 =	sadd.s32 $0x1, s2;
	_ =	swait.ge [sflag:s19], $0x800  }
0xbe: {  	p0 =	sne.s32 s2, s18;
	[sflag:s19] =	ssyncset.done $0x0  }
.Ltmp1:
0xbf: {  	[sflag:s19] =	ssyncadd.s32 $0xFFFFF800;
	(pc) =	sbr.rel @p0 .LBB2_1-.Ltmp1, $4  }
0xc0: {  	[hbm4b:s17+s4] =	stream.linear.scatter [tilespmem:s21], [sflag:$0x5], $0x800, $0x38;
	[tilespmem:$0xA000] =	vst v63  }
0xc1: {  	_ =	swait.ge [sflag:s19], $0x800  }
0xc2: {  	[sflag:s19] =	ssyncset.done $0x0  }
0xc3: {  	[sflag:s19] =	ssyncadd.s32 $0xFFFFF800  }
0xc4: {  	_ =	sfence.sel $0x180000  }
0xc5: {  	[bflag:$0x0] =	sbarrier.arrive $0xFFFF  }
0xc6: {  	_ =	strace $0x9000004D  }
0xc7: {  	s0 =	stileid.u32;
	[bflag:$0x2] =	sbarrier.arrive $0xFFFF  }
0xc8: {  	p0 =	sne.s32 s0, $0x0;
	s0 =	rddreg [dreg:$0x3]  }
0xc9: {  	s0 =	sadd.s32 @!p0 $0x100000, s0  }
0xca: {  	[sflag:s0] =	ssyncadd.tile.s32 @!p0 $0x1;
	_ =	shalt  }
.Lfunc_end2:
_tile_overlayer_lowered:
.L_overlay_start_2:
0xcb: {  	(tag) =	ssettag $0x2  }
0xcc: {  	s0 =	rddreg [dreg:$0x0];
	s2 =	stileid.u32  }
0xcd: {  	s1 =	rddreg [dreg:$0x1];
	p0 =	sne.s32 s2, $0x0  }
0xce: {  	s3 =	rddreg [dreg:$0x2];
	[bflag:$0x3] =	sbarrier.arrive $0xFFFF;
	s2 =	simm.s32 @!p0 $0x1C05  }
0xcf: {  	[timem:s3], [sflag:s2] =	dma.local @!p0 [hbm:s0], s1  }
0xd0: {  	s0 =	simm.s32 @!p0 $0x5  }
0xd1: {  	_ =	swait.ge @!p0 [sflag:s0], s1  }
0xd2: {  	s1 =	ssub.s32 @!p0 $0x0, s1;
	[sflag:s0] =	ssyncset.done @!p0 $0x0  }
0xd3: {  	[sflag:s0] =	ssyncadd.s32 @!p0 s1  }
0xd4: {  	[bflag:$0x3] =	sbarrier.arrive $0xFFFF  }
0xd5: {  	_ =	shalt  }

// kernel: kernel.9.cloned.1.call-start
scs
__scs_entry_jumppad:
0x0: {  	(pc) =	sbr.rel $0x88, $3  }
0x1: {  	(tag) =	ssettag $0x0;
	lr =	simm.s32 $0x1  }
0x2: {  	[smem:$0x3F9B] =	sst lr;
	_ =	strace $0xD0000000  }
0x3: {  	_ = 	snop  }
0x4: {  	_ = 	snop  }
0x5: {  	_ = 	snop  }
0x6: {  	_ = 	snop  }
0x7: {  	_ = 	snop  }
__scs_overlays_trampoline_lowered:
0x8: {  	[smem:$0x3FAA] =	sst s0  }
0x9: {  	[smem:$0x3FAB] =	sst s1  }
0xa: {  	[smem:$0x3FAC] =	sst s2  }
0xb: {  	[smem:$0x3FAD] =	sst s3  }
0xc: {  	[smem:$0x3FAE] =	sst s4  }
0xd: {  	[smem:$0x3FAF] =	sst s5  }
0xe: {  	[smem:$0x3FB0] =	sst s6  }
0xf: {  	[smem:$0x3FB1] =	sst s7  }
0x10: {  	[smem:$0x3FB2] =	sst s8  }
0x11: {  	[smem:$0x3FB3] =	sst s9;
	s0 =	simm.s32 @!p0 $0x0  }
0x12: {  	s1 =	sld [smem:$0x3F99];
	s0 =	simm.s32 @p0 $0x1  }
0x13: {  	[smem:$0x3FB4] =	sst s0;
	s0 =	simm.s32 @!p1 $0x0  }
0x14: {  	s2 =	sld [smem:$0x3F98];
	s0 =	simm.s32 @p1 $0x1  }
0x15: {  	[smem:$0x3FB5] =	sst s0;
	s0 =	simm.s32 @!p2 $0x0  }
0x16: {  	s3 =	sld [smem:$0x3FDB];
	s0 =	simm.s32 @p2 $0x1  }
0x17: {  	s4 =	simm.s32 $0x1BF5;
	[smem:$0x3FB7] =	sst s0  }
0x18: {  	s0 =	sld [smem:$0x3F9A];
	_ =	swait.ge [sflag:s4], $0x0  }
0x19: {  	s7 =	sld [smem:$0x3F9B]  }
0x1a: {  	s8 =	sadd.s32 $0xFFFFE003, lr  }
0x1b: {  	s9 =	sadd.s32 $0xFFFFFEF7, lr;
	s5 =	simm.s32 $0xFFFFFFFF;
	p2 =	slt.u32 s8, $0xFFFFF086  }
0x1c: {  	p1 =	slt.u32 s9, $0xF7A;
	s5 =	simm.s32 @!p2 $0x0  }
0x1d: {  	s5 =	simm.s32 @p1 $0x1;
	p0 =	seq.s32 s7, s2  }
0x1e: {  	s7 =	smul.u32 @!p0 $0xF7A, s2;
	p2 =	seq.s32 @!p0 s5, $0x0  }
0x1f: {  	s9 =	smul.u32 $0xF7A, s1;
	s8 =	simm.s32 @!p0 $0x1BF5;
	p2 =	por !p2, p0  }
0x20: {  	[sflag:s8] =	ssyncset.s32 @!p0 $0xFFFFF086;
	s6 =	sadd.s32 @!p0 s3, s7;
	s7 =	simm.s32 @!p0 $0x108  }
0x21: {  	s3 =	sadd.s32 s3, s9;
	s6 =	sadd.s32 @!p0 $0x88, s6;
	s7 =	simm.s32 @p2 $0x1082  }
0x22: {  	[simem:s7], [sflag:s8] =	dma.local @!p0 [hbm:s6], $0xF7A  }
0x23: {  	s9 =	sor.u32 $0xD0000000, s2;
	s6 =	simm.s32 $0x108;
	_ =	swait.ge @!p0 [sflag:s8], $0x0  }
0x24: {  	s3 =	sadd.s32 $0x88, s3;
	s6 =	simm.s32 @!p1 $0x1082;
	[sflag:s4] =	ssyncset.s32 $0xFFFFF086  }
0x25: {  	[simem:s6], [sflag:s4] =	dma.local [hbm:s3], $0xF7A  }
0x26: {  	[smem:$0x3F9B] =	sst s1;
	(tag) =	ssettag s2;
	_ =	strace s9  }
0x27: {  	s1 =	sld [smem:$0x3FAB]  }
0x28: {  	s2 =	sld [smem:$0x3FAC]  }
0x29: {  	s4 =	sld [smem:$0x3FAE]  }
0x2a: {  	p0 =	seq.s32 s5, $0x0;
	s5 =	sld [smem:$0x3FAF]  }
0x2b: {  	s6 =	sld [smem:$0x3FB0]  }
0x2c: {  	s7 =	sld [smem:$0x3FB1]  }
0x2d: {  	s3 =	simm.s32 $0x108;
	s8 =	sld [smem:$0x3FB2]  }
0x2e: {  	s3 =	simm.s32 @!p0 $0x1082;
	s9 =	sld [smem:$0x3FB3]  }
0x2f: {  	lr =	sadd.s32 s0, s3;
	s0 =	sld [smem:$0x3FAA]  }
0x30: {  	s3 =	sld [smem:$0x3FAD]  }
0x31: {  	[smem:$0x3FB6] =	sst s10  }
0x32: {  	s10 =	sld [smem:$0x3FB4];
	_ =	sdelay $0x3  }
0x33: {  	p0 =	seq.s32 s10, $0x1;
	s10 =	sld [smem:$0x3FB6];
	_ =	sdelay $0x3  }
0x34: {  	[smem:$0x3FB6] =	sst s10  }
0x35: {  	s10 =	sld [smem:$0x3FB5];
	_ =	sdelay $0x3  }
0x36: {  	p1 =	seq.s32 s10, $0x1;
	s10 =	sld [smem:$0x3FB6];
	_ =	sdelay $0x3  }
0x37: {  	[smem:$0x3FB6] =	sst s10  }
0x38: {  	s10 =	sld [smem:$0x3FB7]  }
0x39: {  	_ = 	snop;
	(pc) =	sbr.ind lr, $3  }
0x3a: {  	_ = 	snop  }
0x3b: {  	_ = 	snop  }
0x3c: {  	p2 =	seq.s32 s10, $0x1;
	s10 =	sld [smem:$0x3FB6]  }
0x3d: {  	_ =	shalt  }
0x3e: {  	_ =	shalt  }
0x3f: {  	_ =	shalt  }
0x40: {  	_ =	shalt  }
0x41: {  	_ =	shalt  }
0x42: {  	_ =	shalt  }
0x43: {  	_ =	shalt  }
0x44: {  	_ =	shalt  }
0x45: {  	_ =	shalt  }
0x46: {  	_ =	shalt  }
0x47: {  	_ =	shalt  }
0x48: {  	_ =	shalt  }
0x49: {  	_ =	shalt  }
0x4a: {  	_ =	shalt  }
0x4b: {  	_ =	shalt  }
0x4c: {  	_ =	shalt  }
0x4d: {  	_ =	shalt  }
0x4e: {  	_ =	shalt  }
0x4f: {  	_ =	shalt  }
0x50: {  	_ =	shalt  }
0x51: {  	_ =	shalt  }
0x52: {  	_ =	shalt  }
0x53: {  	_ =	shalt  }
0x54: {  	_ =	shalt  }
0x55: {  	_ =	shalt  }
0x56: {  	_ =	shalt  }
0x57: {  	_ =	shalt  }
0x58: {  	_ =	shalt  }
0x59: {  	_ =	shalt  }
0x5a: {  	_ =	shalt  }
0x5b: {  	_ =	shalt  }
0x5c: {  	_ =	shalt  }
0x5d: {  	_ =	shalt  }
0x5e: {  	_ =	shalt  }
0x5f: {  	_ =	shalt  }
0x60: {  	_ =	shalt  }
0x61: {  	_ =	shalt  }
0x62: {  	_ =	shalt  }
0x63: {  	_ =	shalt  }
0x64: {  	_ =	shalt  }
0x65: {  	_ =	shalt  }
0x66: {  	_ =	shalt  }
0x67: {  	_ =	shalt  }
0x68: {  	_ =	shalt  }
0x69: {  	_ =	shalt  }
0x6a: {  	_ =	shalt  }
0x6b: {  	_ =	shalt  }
0x6c: {  	_ =	shalt  }
0x6d: {  	_ =	shalt  }
0x6e: {  	_ =	shalt  }
0x6f: {  	_ =	shalt  }
0x70: {  	_ =	shalt  }
0x71: {  	_ =	shalt  }
0x72: {  	_ =	shalt  }
0x73: {  	_ =	shalt  }
0x74: {  	_ =	shalt  }
0x75: {  	_ =	shalt  }
0x76: {  	_ =	shalt  }
0x77: {  	_ =	shalt  }
0x78: {  	_ =	shalt  }
0x79: {  	_ =	shalt  }
0x7a: {  	_ =	shalt  }
0x7b: {  	_ =	shalt  }
0x7c: {  	_ =	shalt  }
0x7d: {  	_ =	shalt  }
0x7e: {  	_ =	shalt  }
0x7f: {  	_ =	shalt  }
0x80: {  	_ =	shalt  }
0x81: {  	_ =	shalt  }
0x82: {  	_ =	shalt  }
0x83: {  	_ =	shalt  }
0x84: {  	_ =	shalt  }
0x85: {  	_ =	shalt  }
0x86: {  	_ =	shalt  }
0x87: {  	_ =	shalt  }
.Lfunc_end0:
.L_simem_size_0:
called_computation_lowered:
.L_overlay_start_0:
0x88: {  	s2 =	sld [smem:$0x3FD9]  }
0x89: {  	s3 =	sld [smem:$0x3FFE];
	_ =	sdelay $0x1  }
0x8a: {  	s1 =	srdreg.scid  }
0x8b: {  	s0 =	sand.u32 $0x1, s1  }
0x8c: {  	s17 =	sshll.u32 s0, $0xA;
	s2 =	sadd.s32 s3, s2  }
0x8d: {  	s2 =	sadd.s32 s2, s17  }
0x8e: {  	[smem:$0x3FC2] =	sst s2  }
0x8f: {  	_ = 	snop  }
0x90: {  	s2 =	sld [smem:$0x3FD0];
	(tm) =	ssettm $0x1  }
0x91: {  	s18 =	sld [smem:$0x3FFB];
	_ =	sdelay $0x3  }
0x92: {  	_ =	strace s18  }
0x93: {  	s3 =	sld [smem:$0x3FFC];
	_ =	sdelay $0x3  }
0x94: {  	_ =	strace s3  }
0x95: {  	s3 =	sld [smem:$0x3FFD];
	_ =	sdelay $0x3  }
0x96: {  	_ =	strace s3  }
0x97: {  	_ =	strace $0x8FFFFFFF  }
0x98: {  	s19 =	sld [smem:$0x3FDB];
	_ =	sdelay $0x1  }
0x99: {  	s4 =	simm.s32 $_scs_section_size  }
0x9a: {  	s5 =	simm.s32 $_size__tile_overlayer_lowered;
	s6 =	simm.s32 $_tile_overlayer_lowered  }
0x9b: {  	s22 =	simm.s32 $0x1BFF;
	s21 =	sshll.u32 s6, $0x1;
	s3 =	sadd.s32 s4, s19  }
0x9c: {  	s7 =	simm.s32 $0x0;
	s20 =	sshll.u32 s5, $0x1;
	s5 =	sadd.s32 s21, s3  }
0x9d: {  	[timem:s7], [sflag:s22] =	dma.local [hbm:s5], s20  }
0x9e: {  	_ =	swait.ge [sflag:s22], s20  }
0x9f: {  	s4 =	ssub.s32 $0x0, s20;
	[sflag:s22] =	ssyncset.done $0x0  }
0xa0: {  	[sflag:s22] =	ssyncadd.s32 s4;
	_ =	sdelay $0x1  }
0xa1: {  	s23 =	simm.s32 $0x1B8B  }
0xa2: {  	_ =	swait.ge [sflag:s23], $0x1  }
0xa3: {  	[sflag:s23] =	ssyncset.done $0x0  }
0xa4: {  	s25 =	simm.s32 $0x1B8E;
	s24 =	sld [smem:$0x3FFE];
	[sflag:s23] =	ssyncadd.s32 $0xFFFFFFFF  }
0xa5: {  	s26 =	simm.s32 $execute0_lowered;
	[smem:$0x3FD2] =	sst s25  }
0xa6: {  	s5 =	sshll.u32 s26, $0x1;
	_ =	strace $0x80000046;
	[dreg:$0x1] =	wrdreg $0xFFFFFFFF  }
0xa7: {  	s28 =	simm.s32 $_size_execute0_lowered;
	s3 =	sadd.s32 s3, s5;
	[dreg:$0x0] =	wrdreg $0x0  }
0xa8: {  	s5 =	sshll.u32 s28, $0x1;
	[dreg:$0x2] =	wrdreg s3  }
0xa9: {  	[dreg:$0x3] =	wrdreg s5  }
0xaa: {  	[dreg:$0x4] =	wrdreg $0xC0  }
0xab: {  	_ =	task [dreg:s7], $0x5FFFF  }
0xac: {  	[dreg:$0x1] =	wrdreg $0xFFFFFFFF  }
0xad: {  	[dreg:$0x0] =	wrdreg $0x60  }
0xae: {  	[dreg:$0x2] =	wrdreg s24  }
0xaf: {  	[dreg:$0x3] =	wrdreg s2  }
0xb0: {  	[dreg:$0x4] =	wrdreg $0x30000  }
0xb1: {  	[dreg:$0x5] =	wrdreg $0x9  }
0xb2: {  	_ =	task.clear_ibuf [dreg:s7], $0x6FFFF;
	_ =	strace $0x90000046  }
0xb3: {  	s29 =	simm.s32 $0x9;
	_ =	strace $0x80000048  }
0xb4: {  	_ =	swait.ge [sflag:s29], $0x1  }
0xb5: {  	[sflag:s29] =	ssyncadd.s32 $0xFFFFFFFF  }
0xb6: {  	_ =	strace $0x90000048  }
0xb7: {  	_ =	sfence  }
0xb8: {  	s30 =	sld [smem:$0x0];
	_ =	sdelay $0x2  }
0xb9: {  	s31 =	sshll.u32 s1, $0xD;
	s1 =	sshrl.u32 s1, $0x2  }
0xba: {  	s3 =	sand.u32 $0x4000, s31;
	s1 =	sadd.s32 s1, s30  }
0xbb: {  	s0 =	sor.u32 s3, s0;
	s1 =	sshll.u32 s1, $0x11  }
0xbc: {  	s0 =	sor.u32 s1, s0  }
0xbd: {  	s0 =	sadd.s32 $0x8F2B, s0  }
0xbe: {  	[sflag:s0] =	ssyncadd.remote.s32 $0x1  }
0xbf: {  	_ =	sfence.sel $0xFFFF  }
0xc0: {  	[dreg:$0x0] =	wrdreg $0xFFFFFFFF;
	(pc) =	sbr.abs _section_cstart, $3  }
0xc1: {  	[dreg:$0x1] =	wrdreg $0xFFFFFFFF  }
0xc2: {  	_ =	task.clear_ibuf [dreg:s7], $0x2FFFF;
	_ =	strace $0x9FFFFFFF  }
0xc3: {  	(tm) =	ssettm $0x7FFFFFFF  }
tec
execute0_lowered:
.L_overlay_start_1:
0x0: {  	(tag) =	ssettag $0x1  }
0x1: {  	s6 =	rddreg [dreg:$0x0]  }
0x2: {  	s0 =	srdreg.scid;
	s2 =	rddreg [dreg:$0x1]  }
0x3: {  	s3 =	rddreg [dreg:$0x2];
	s1 =	stileid.u32  }
0x4: {  	s4 =	simm.s32 $0x0;
	s8 =	sand.u32 $0x1, s0;
	s0 =	rddreg [dreg:$0x3]  }
0x5: {  	s21 =	simm.s32 $0x80;
	s22 =	simm.s32 $0x0;
	[smem:$0x7FF] =	sst s4  }
0x6: {  	s11 =	smul.u32 $0x1400, s1;
	s16 =	sadd.s32 $0x16E00, s6;
	s5 =	sshll.u32 s8, $0x4  }
0x7: {  	_ =	strace $0x80000047;
	s9 =	ssub.s32 $0x2, s8;
	s15 =	smul.u32 $0x14000, s8  }
0x8: {  	s5 =	sor.u32 s1, s5;
	s10 =	sshrl.u32 s9, $0x1;
	s12 =	sadd.s32 $0x400, s11  }
0x9: {  	s14 =	sadd.s32 $0x800, s11;
	s18 =	sadd.s32 $0xC00, s11;
	s19 =	sadd.s32 $0x1000, s11  }
0xa: {  	s7 =	smul.u32 $0x2800, s5;
	s5 =	sadd.s32 $0x16C00, s6;
	s17 =	ssub.s32 s9, s10  }
0xb: {  	s8 =	sadd.s32 s12, s3;
	s9 =	sadd.s32 s14, s3;
	s10 =	sadd.s32 s18, s3  }
0xc: {  	s13 =	sadd.s32 s11, s15;
	s12 =	sadd.s32 s15, s12;
	s14 =	sadd.s32 s15, s14  }
0xd: {  	s18 =	sadd.s32 s15, s18;
	s15 =	sadd.s32 s15, s19;
	s13 =	sshrl.u32 s13, $0x3  }
0xe: {  	s20 =	sshrl.u32 s12, $0x3;
	s14 =	sshrl.u32 s14, $0x3;
	s18 =	sshrl.u32 s18, $0x3  }
0xf: {  	s17 =	smax.u32 s17, $0x1;
	s7 =	sshrl.u32 s7, $0x3;
	s12 =	sadd.s32 s16, s13  }
0x10: {  	s13 =	sadd.s32 s16, s20;
	s14 =	sadd.s32 s16, s14;
	s20 =	simm.s32 $0x2C00  }
0x11: {  	s6 =	sadd.s32 s6, s7;
	s7 =	sadd.s32 s11, s3;
	s11 =	sadd.s32 s19, s3  }
0x12: {  	s19 =	sshrl.u32 s15, $0x3;
	s15 =	sadd.s32 s16, s18;
	s18 =	simm.s32 $0x1  }
0x13: {  	s6 =	sadd.s32 $0xCC00, s6;
	s16 =	sadd.s32 s16, s19;
	s19 =	simm.s32 $0x2800  }
.LBB2_1:
0x14: {  	[tilespmem:s4], [sflag:$0x1] =	stream.linear.gather [hbm4b:s6+s4], $0x2800, $0x38;
	[tilespmem:$0x4400] =	vst v63  }
0x15: {  	_ =	swait.ge [sflag:s18], $0x2800  }
0x16: {  	[sflag:s18] =	ssyncset.done $0x0  }
0x17: {  	[sflag:s18] =	ssyncadd.s32 $0xFFFFD800  }
0x18: {  	[tilespmem:s19], [sflag:$0x1] =	stream.linear.gather [hbm4b:s2+s4], $0x400, $0x38;
	[tilespmem:$0x4400] =	vst v63  }
0x19: {  	_ =	swait.ge [sflag:s18], $0x400  }
0x1a: {  	[sflag:s18] =	ssyncset.done $0x0  }
0x1b: {  	[sflag:s18] =	ssyncadd.s32 $0xFFFFFC00  }
0x1c: {  	[tilespmem:s20], [sflag:$0x1] =	stream.linear.gather [hbm4b:s5+s4], $0x400, $0x38;
	[tilespmem:$0x4400] =	vst v63  }
0x1d: {  	_ =	swait.ge [sflag:s18], $0x400  }
0x1e: {  	[sflag:s18] =	ssyncset.done $0x0  }
0x1f: {  	[sflag:s18] =	ssyncadd.s32 $0xFFFFFC00  }
0x20: {  	[spmem:s7] =	stream.linear.scatter [tilespmem:s20], [sflag:$0x1], $0x400, $0x38;
	[tilespmem:$0x4400] =	vst v63  }
0x21: {  	_ =	swait.ge [sflag:s18], $0x400  }
0x22: {  	[sflag:s18] =	ssyncset.done $0x0  }
0x23: {  	[sflag:s18] =	ssyncadd.s32 $0xFFFFFC00  }
0x24: {  	[spmem:s8] =	stream.linear.scatter [tilespmem:s20], [sflag:$0x1], $0x400, $0x38;
	[tilespmem:$0x4400] =	vst v63  }
0x25: {  	_ =	swait.ge [sflag:s18], $0x400  }
0x26: {  	[sflag:s18] =	ssyncset.done $0x0  }
0x27: {  	[sflag:s18] =	ssyncadd.s32 $0xFFFFFC00  }
0x28: {  	[spmem:s9] =	stream.linear.scatter [tilespmem:s20], [sflag:$0x1], $0x400, $0x38;
	[tilespmem:$0x4400] =	vst v63  }
0x29: {  	_ =	swait.ge [sflag:s18], $0x400  }
0x2a: {  	[sflag:s18] =	ssyncset.done $0x0  }
0x2b: {  	[sflag:s18] =	ssyncadd.s32 $0xFFFFFC00  }
0x2c: {  	[spmem:s10] =	stream.linear.scatter [tilespmem:s20], [sflag:$0x1], $0x400, $0x38;
	[tilespmem:$0x4400] =	vst v63  }
0x2d: {  	_ =	swait.ge [sflag:s18], $0x400  }
0x2e: {  	[sflag:s18] =	ssyncset.done $0x0  }
0x2f: {  	[sflag:s18] =	ssyncadd.s32 $0xFFFFFC00  }
0x30: {  	[spmem:s11] =	stream.linear.scatter [tilespmem:s20], [sflag:$0x1], $0x400, $0x38;
	[tilespmem:$0x4400] =	vst v63  }
0x31: {  	_ =	swait.ge [sflag:s18], $0x400  }
0x32: {  	[sflag:s18] =	ssyncset.done $0x0  }
0x33: {  	[sflag:s18] =	ssyncadd.s32 $0xFFFFFC00  }
0x34: {  	s23 =	simm.s32 $0x0;
	[bflag:$0x0] =	sbarrier.arrive $0xFFFF  }
0x35: {  	[spmem:s3] =	stream.indirect.scatter.add.f32 [tilespmem:s19], [sflag:$0x1], $0x8, s23, s21, $0xb8;
	[tilespmem:$0x4400] =	vst v63  }
0x36: {  	_ =	swait.ge [sflag:s18], $0x400  }
0x37: {  	s23 =	simm.s32 $0x200;
	[sflag:s18] =	ssyncset.done $0x0  }
.LBB2_2:
0x38: {  	s24 =	sshra.s32 s23, $0x2;
	[sflag:s18] =	ssyncadd.s32 $0xFFFFFC00;
	p0 =	sne.s32 s23, $0x9E00  }
0x39: {  	[spmem:s3] =	stream.indirect.scatter.add.f32 [tilespmem:s19], [sflag:$0x1], $0x8, s24, s21, $0xb8;
	[tilespmem:$0x4400] =	vst v63  }
.Ltmp0:
0x3a: {  	_ = 	snop;
	(pc) =	sbr.rel @p0 .LBB2_2-.Ltmp0, $4  }
0x3b: {  	_ = 	snop  }
0x3c: {  	s23 =	sadd.s32 $0x200, s23  }
0x3d: {  	_ =	swait.ge [sflag:s18], $0x400  }
0x3e: {  	[sflag:s18] =	ssyncset.done $0x0  }
0x3f: {  	[sflag:s18] =	ssyncadd.s32 $0xFFFFFC00  }
0x40: {  	[bflag:$0x0] =	sbarrier.arrive $0xFFFF  }
0x41: {  	[tilespmem:s20], [sflag:$0x1] =	stream.linear.gather [spmem:s7], $0x400, $0x38;
	[tilespmem:$0x4400] =	vst v63  }
0x42: {  	_ =	swait.ge [sflag:s18], $0x400  }
0x43: {  	[sflag:s18] =	ssyncset.done $0x0  }
0x44: {  	[sflag:s18] =	ssyncadd.s32 $0xFFFFFC00  }
0x45: {  	[hbm4b:s12+s4] =	stream.linear.scatter [tilespmem:s20], [sflag:$0x1], $0x400, $0x38;
	[tilespmem:$0x4400] =	vst v63  }
0x46: {  	_ =	swait.ge [sflag:s18], $0x400  }
0x47: {  	[sflag:s18] =	ssyncset.done $0x0  }
0x48: {  	[sflag:s18] =	ssyncadd.s32 $0xFFFFFC00  }
0x49: {  	[tilespmem:s20], [sflag:$0x1] =	stream.linear.gather [spmem:s8], $0x400, $0x38;
	[tilespmem:$0x4400] =	vst v63  }
0x4a: {  	_ =	swait.ge [sflag:s18], $0x400  }
0x4b: {  	[sflag:s18] =	ssyncset.done $0x0  }
0x4c: {  	[sflag:s18] =	ssyncadd.s32 $0xFFFFFC00  }
0x4d: {  	[hbm4b:s13+s4] =	stream.linear.scatter [tilespmem:s20], [sflag:$0x1], $0x400, $0x38;
	[tilespmem:$0x4400] =	vst v63  }
0x4e: {  	_ =	swait.ge [sflag:s18], $0x400  }
0x4f: {  	[sflag:s18] =	ssyncset.done $0x0  }
0x50: {  	[sflag:s18] =	ssyncadd.s32 $0xFFFFFC00  }
0x51: {  	[tilespmem:s20], [sflag:$0x1] =	stream.linear.gather [spmem:s9], $0x400, $0x38;
	[tilespmem:$0x4400] =	vst v63  }
0x52: {  	_ =	swait.ge [sflag:s18], $0x400  }
0x53: {  	[sflag:s18] =	ssyncset.done $0x0  }
0x54: {  	[sflag:s18] =	ssyncadd.s32 $0xFFFFFC00  }
0x55: {  	[hbm4b:s14+s4] =	stream.linear.scatter [tilespmem:s20], [sflag:$0x1], $0x400, $0x38;
	[tilespmem:$0x4400] =	vst v63  }
0x56: {  	_ =	swait.ge [sflag:s18], $0x400  }
0x57: {  	[sflag:s18] =	ssyncset.done $0x0  }
0x58: {  	[sflag:s18] =	ssyncadd.s32 $0xFFFFFC00  }
0x59: {  	[tilespmem:s20], [sflag:$0x1] =	stream.linear.gather [spmem:s10], $0x400, $0x38;
	[tilespmem:$0x4400] =	vst v63  }
0x5a: {  	_ =	swait.ge [sflag:s18], $0x400  }
0x5b: {  	[sflag:s18] =	ssyncset.done $0x0  }
0x5c: {  	[sflag:s18] =	ssyncadd.s32 $0xFFFFFC00  }
0x5d: {  	[hbm4b:s15+s4] =	stream.linear.scatter [tilespmem:s20], [sflag:$0x1], $0x400, $0x38;
	[tilespmem:$0x4400] =	vst v63  }
0x5e: {  	_ =	swait.ge [sflag:s18], $0x400  }
0x5f: {  	[sflag:s18] =	ssyncset.done $0x0  }
0x60: {  	[sflag:s18] =	ssyncadd.s32 $0xFFFFFC00  }
0x61: {  	[tilespmem:s20], [sflag:$0x1] =	stream.linear.gather [spmem:s11], $0x400, $0x38;
	[tilespmem:$0x4400] =	vst v63  }
0x62: {  	s22 =	sadd.s32 $0x1, s22;
	_ =	swait.ge [sflag:s18], $0x400  }
0x63: {  	p0 =	sne.s32 s22, s17;
	[sflag:s18] =	ssyncset.done $0x0  }
.Ltmp1:
0x64: {  	[sflag:s18] =	ssyncadd.s32 $0xFFFFFC00;
	(pc) =	sbr.rel @p0 .LBB2_1-.Ltmp1, $4  }
0x65: {  	[hbm4b:s16+s4] =	stream.linear.scatter [tilespmem:s20], [sflag:$0x1], $0x400, $0x38;
	[tilespmem:$0x4400] =	vst v63  }
0x66: {  	_ =	swait.ge [sflag:s18], $0x400  }
0x67: {  	[sflag:s18] =	ssyncset.done $0x0  }
0x68: {  	[sflag:s18] =	ssyncadd.s32 $0xFFFFFC00  }
0x69: {  	_ =	sfence.sel $0x180000  }
0x6a: {  	[bflag:$0x0] =	sbarrier.arrive $0xFFFF  }
0x6b: {  	p0 =	sne.s32 s1, $0x0;
	_ =	strace $0x90000047  }
0x6c: {  	s0 =	sadd.s32 @!p0 $0x100000, s0;
	[bflag:$0x2] =	sbarrier.arrive $0xFFFF  }
0x6d: {  	[sflag:s0] =	ssyncadd.tile.s32 @!p0 $0x1;
	_ =	shalt  }
.Lfunc_end2:
_tile_overlayer_lowered:
.L_overlay_start_2:
0x6e: {  	(tag) =	ssettag $0x2  }
0x6f: {  	s0 =	rddreg [dreg:$0x0];
	s2 =	stileid.u32  }
0x70: {  	s1 =	rddreg [dreg:$0x1];
	p0 =	sne.s32 s2, $0x0  }
0x71: {  	s3 =	rddreg [dreg:$0x2];
	[bflag:$0x3] =	sbarrier.arrive $0xFFFF;
	s2 =	simm.s32 @!p0 $0x1C01  }
0x72: {  	[timem:s3], [sflag:s2] =	dma.local @!p0 [hbm:s0], s1  }
0x73: {  	s0 =	simm.s32 @!p0 $0x1  }
0x74: {  	_ =	swait.ge @!p0 [sflag:s0], s1  }
0x75: {  	s1 =	ssub.s32 @!p0 $0x0, s1;
	[sflag:s0] =	ssyncset.done @!p0 $0x0  }
0x76: {  	[sflag:s0] =	ssyncadd.s32 @!p0 s1  }
0x77: {  	[bflag:$0x3] =	sbarrier.arrive $0xFFFF  }
0x78: {  	_ =	shalt  }

</sc_bundles>
